<compile_context>
chip_gen: v7x
topology: tpu7x:2x2x1
jax: 0.10.2.dev20260603
libtpu: 0.0.44.dev20260713+nightly
codegen_flags: <defaults>
</compile_context>

<pallas_src>
import functools

import jax
import jax.numpy as jnp
from jax import lax
from jax.experimental import pallas as pl
from jax.experimental.pallas import tpu as pltpu
from jax.experimental.pallas import tpu_sc as plsc

VOCAB = 100000
D_MODEL = 1024
BATCH = 128
Q_LEN = 32

_L = 16
_NVEC = D_MODEL // _L
_B = BATCH * Q_LEN
_NIN = 5
_NOUT = 2
_CH = 16
_NCH = 8
_CBLK = 4
_BROWS = BATCH // 32


def _sc_kernel_call(table, y, scalars, pos):
    info = plsc.get_sparse_core_info()
    nc, ns = info.num_cores, info.num_subcores
    nw = nc * ns
    rows_per_w = _B // nw
    assert rows_per_w == _NCH * _CH

    mesh = plsc.VectorSubcoreMesh(core_axis_name="c", subcore_axis_name="s")

    @functools.partial(
        pl.kernel,
        mesh=mesh,
        out_type=jax.ShapeDtypeStruct((_B, D_MODEL), jnp.float32),
        scratch_types=(
            [pltpu.VMEM((_BROWS, Q_LEN), jnp.int32)]
            + [pltpu.VMEM((_CH, D_MODEL), jnp.float32)
               for _ in range(_NIN + _NOUT)]
            + [pltpu.VMEM((D_MODEL,), jnp.float32),
               pltpu.VMEM((D_MODEL,), jnp.float32),
               pltpu.VMEM((2, _L), jnp.float32)]
            + [pltpu.SemaphoreType.DMA for _ in range(_NIN + _NOUT + 1)]
        ),
    )
    def k(table_hbm, y_hbm, sc_hbm, pos_hbm, out_hbm, *refs):
        idx_v = refs[0]
        ibufs = refs[1:1 + _NIN]
        obufs = refs[1 + _NIN:1 + _NIN + _NOUT]
        pos_v, spos, scal_v = refs[1 + _NIN + _NOUT:4 + _NIN + _NOUT]
        gsems = refs[4 + _NIN + _NOUT:4 + 2 * _NIN + _NOUT]
        wsems = refs[4 + 2 * _NIN + _NOUT:4 + 2 * _NIN + 2 * _NOUT]
        psem = refs[4 + 2 * _NIN + 2 * _NOUT]

        wid = lax.axis_index("s") * nc + lax.axis_index("c")
        base = wid * rows_per_w

        scal_cp = pltpu.async_copy(sc_hbm, scal_v, psem)
        pos_cp = pltpu.async_copy(pos_hbm, pos_v, psem)
        pltpu.sync_copy(y_hbm.at[pl.ds(wid * _BROWS, _BROWS)], idx_v)

        def start_gather(c, s):
            row, off = (c * _CH) // Q_LEN, (c * _CH) % Q_LEN
            idx = idx_v.at[row, pl.ds(off, _CH)]
            return pltpu.async_copy(table_hbm.at[idx], ibufs[s], gsems[s])

        def start_write(c, s):
            return pltpu.async_copy(obufs[s],
                                    out_hbm.at[pl.ds(base + c * _CH, _CH)],
                                    wsems[s])

        inflight_g = [None] * _NIN
        for c in range(_NIN - 1):
            inflight_g[c] = start_gather(c, c)

        scal_cp.wait()
        pos_cp.wait()

        av = scal_v[0, :]
        sv = scal_v[1, :]

        def scale_pos(j, carry):
            spos[pl.ds(j * _L, _L)] = pos_v[pl.ds(j * _L, _L)] * av
            return carry

        lax.fori_loop(0, _NVEC, scale_pos, 0)

        def compute(si, so):
            src = ibufs[si]
            dst = obufs[so]

            def block_body(b, carry):
                pvs = [spos[pl.ds((b * _CBLK + j) * _L, _L)]
                       for j in range(_CBLK)]

                @plsc.parallel_loop(0, _CH, 1, unroll=2)
                def rows_body(r):
                    for j in range(_CBLK):
                        sl = pl.ds((b * _CBLK + j) * _L, _L)
                        dst[r, sl] = src[r, sl] * sv + pvs[j]

                return carry

            lax.fori_loop(0, _NVEC // _CBLK, block_body, 0)

        inflight_w = [None] * _NOUT
        for i in range(_NCH):
            si = i % _NIN
            so = i % _NOUT
            j = i + _NIN - 1
            if j < _NCH:
                inflight_g[j % _NIN] = start_gather(j, j % _NIN)
            inflight_g[si].wait()
            if inflight_w[so] is not None:
                inflight_w[so].wait()
                inflight_w[so] = None
            compute(si, so)
            inflight_w[so] = start_write(i, so)
        for s in range(_NOUT):
            if inflight_w[s] is not None:
                inflight_w[s].wait()

    return k(table, y, scalars, pos)


def kernel(emb_table, alpha, pe, x_scale, y, idx_plus_len):
    y32 = y.astype(jnp.int32)
    pos = lax.dynamic_index_in_dim(pe[0], idx_plus_len, axis=0,
                                   keepdims=False)
    scalars = jnp.broadcast_to(
        jnp.stack([alpha.astype(jnp.float32),
                   jnp.asarray(x_scale, jnp.float32)])[:, None], (2, _L))

    out = _sc_kernel_call(emb_table, y32, scalars, pos)
    return out.reshape(BATCH, Q_LEN, D_MODEL)

# --- scband reference (transcript-rebuilt; emitter-appended) ---
"""Pipeline reference for scband-update-next-step-11759620456884 (READ-ONLY COPY).

The authoritative reference and input builder live on the scoring server;
editing this copy changes nothing except your own understanding.
"""

import jax, jax.numpy as jnp
import numpy as np

VOCAB = 100000
D_MODEL = 1024
MAX_LEN = 4096
BATCH = 128
Q_LEN = 32


def _make_sine_pe(max_len, d_model):
    position = np.arange(max_len, dtype=np.float32)[:, None]
    div_term = np.exp(np.arange(0, d_model, 2, dtype=np.float32) * -(np.log(10000.0) / d_model))
    pe = np.zeros((max_len, d_model), dtype=np.float32)
    pe[:, 0::2] = np.sin(position * div_term)
    pe[:, 1::2] = np.cos(position * div_term)
    return jnp.asarray(pe)[None]  # [1, max_len, d_model]


def setup_inputs(seed: int = 0) -> dict:
    key = jax.random.key(seed)
    k1, k2 = jax.random.split(key)
    y = jax.random.randint(k1, (BATCH, Q_LEN), 0, VOCAB, dtype=jnp.int64)
    idx_plus_len = 2048  # python int scalar index into pe
    emb_table = jax.random.normal(k2, (VOCAB, D_MODEL), dtype=jnp.float32) * 0.02
    x_scale = 32.0  # sqrt(d_model), fixed attribute in original module
    alpha = jnp.ones((), dtype=jnp.float32)  # learnable scalar nn.Parameter
    pe = _make_sine_pe(MAX_LEN, D_MODEL)
    return {"emb_table": emb_table, "alpha": alpha, "pe": pe, "x_scale": x_scale, "y": y, "idx_plus_len": idx_plus_len}


def reference(emb_table, alpha, pe, x_scale, y, idx_plus_len):
    # y_emb = self.ar_audio_embedding(y)
    y_emb = jnp.take(emb_table, y, axis=0)  # [B, L, d]
    # xy_pos = y_emb * x_scale + alpha * pe[:, idx_plus_len]
    pos = pe[:, idx_plus_len]  # [1, d] -> broadcasts over [B, L, d]
    xy_pos = y_emb * x_scale + alpha * pos
    return xy_pos

if __name__ == "__main__":
    import jax
    _d = setup_inputs()
    print(jax.jit(kernel)(*tuple(_d.values())))

</pallas_src>

<mosaic_0001>
#map = affine_map<(d0, d1) -> (0, 0)>
#map1 = affine_map<(d0, d1) -> (0)>
module attributes {stable_mosaic.version = 14 : i64} {
  func.func @k(%arg0: i32, %arg1: i32, %arg2: memref<100000x1024xf32, #tpu.memory_space<hbm>>, %arg3: memref<128x32xi32, #tpu.memory_space<hbm>>, %arg4: memref<2x16xf32, #tpu.memory_space<hbm>>, %arg5: memref<1024xf32, #tpu.memory_space<hbm>>, %arg6: memref<4096x1024xf32, #tpu.memory_space<hbm>>, %arg7: memref<4x32xi32, #tpu.memory_space<vmem>>, %arg8: memref<16x1024xf32, #tpu.memory_space<vmem>>, %arg9: memref<16x1024xf32, #tpu.memory_space<vmem>>, %arg10: memref<16x1024xf32, #tpu.memory_space<vmem>>, %arg11: memref<16x1024xf32, #tpu.memory_space<vmem>>, %arg12: memref<16x1024xf32, #tpu.memory_space<vmem>>, %arg13: memref<16x1024xf32, #tpu.memory_space<vmem>>, %arg14: memref<16x1024xf32, #tpu.memory_space<vmem>>, %arg15: memref<1024xf32, #tpu.memory_space<vmem>>, %arg16: memref<1024xf32, #tpu.memory_space<vmem>>, %arg17: memref<2x16xf32, #tpu.memory_space<vmem>>, %arg18: memref<!tpu.dma_semaphore, #tpu.memory_space<semaphore_mem>>, %arg19: memref<!tpu.dma_semaphore, #tpu.memory_space<semaphore_mem>>, %arg20: memref<!tpu.dma_semaphore, #tpu.memory_space<semaphore_mem>>, %arg21: memref<!tpu.dma_semaphore, #tpu.memory_space<semaphore_mem>>, %arg22: memref<!tpu.dma_semaphore, #tpu.memory_space<semaphore_mem>>, %arg23: memref<!tpu.dma_semaphore, #tpu.memory_space<semaphore_mem>>, %arg24: memref<!tpu.dma_semaphore, #tpu.memory_space<semaphore_mem>>, %arg25: memref<!tpu.dma_semaphore, #tpu.memory_space<semaphore_mem>>) attributes {dimension_semantics = [#tpu.dimension_semantics<core_parallel>, #tpu.dimension_semantics<subcore_parallel>], iteration_bounds = array<i64: 2, 16>, scalar_prefetch = 0 : i64, scratch_operands = 19 : i64, tpu.core_type = #tpu.core_type<sc_vector_subcore>, window_params = [{transform_indices = #map}, {transform_indices = #map}, {transform_indices = #map}, {transform_indices = #map1}, {transform_indices = #map}]} {
    %mul3A = arith.constant 2 : i32
    %mul3A_0 = arith.muli %arg1, %mul3A : i32
    %add3A = arith.addi %mul3A_0, %arg0 : i32
    %mul3A_1 = arith.constant 128 : i32
    %mul3A_2 = arith.muli %add3A, %mul3A_1 : i32
    tpu.enqueue_dma source(%arg4 : memref<2x16xf32, #tpu.memory_space<hbm>>) target(%arg17 : memref<2x16xf32, #tpu.memory_space<vmem>>) target_semaphore(%arg25 : memref<!tpu.dma_semaphore, #tpu.memory_space<semaphore_mem>>)
    tpu.enqueue_dma source(%arg5 : memref<1024xf32, #tpu.memory_space<hbm>>) target(%arg15 : memref<1024xf32, #tpu.memory_space<vmem>>) target_semaphore(%arg25 : memref<!tpu.dma_semaphore, #tpu.memory_space<semaphore_mem>>)
    %mul3A_3 = arith.constant 4 : i32
    %mul3A_4 = arith.muli %add3A, %mul3A_3 : i32
    "tpu.region"() ({
      %run_scoped3A = tpu.sem_alloc : memref<!tpu.dma_semaphore, #tpu.memory_space<semaphore_mem>>
      %dma_start3A_257 = arith.constant 0 : i32
      %dma_start3A_258 = tpu.memref_slice %arg3[%mul3A_4, %dma_start3A_257] : memref<128x32xi32, #tpu.memory_space<hbm>> -> memref<4x32xi32, #tpu.memory_space<hbm>>
      %dma_start3A_259 = arith.constant 0 : i32
      %dma_start3A_260 = tpu.memref_slice %arg3[%mul3A_4, %dma_start3A_259] : memref<128x32xi32, #tpu.memory_space<hbm>> -> memref<4x32xi32, #tpu.memory_space<hbm>>
      tpu.enqueue_dma source(%dma_start3A_260 : memref<4x32xi32, #tpu.memory_space<hbm>>) target(%arg7 : memref<4x32xi32, #tpu.memory_space<vmem>>) target_semaphore(%run_scoped3A : memref<!tpu.dma_semaphore, #tpu.memory_space<semaphore_mem>>)
      %dma_wait3A_261 = arith.constant 0 : i32
      %dma_wait3A_262 = tpu.memref_slice %arg3[%mul3A_4, %dma_wait3A_261] : memref<128x32xi32, #tpu.memory_space<hbm>> -> memref<4x32xi32, #tpu.memory_space<hbm>>
      %dma_wait3A_263 = arith.constant 0 : i32
      %dma_wait3A_264 = tpu.memref_slice %arg3[%mul3A_4, %dma_wait3A_263] : memref<128x32xi32, #tpu.memory_space<hbm>> -> memref<4x32xi32, #tpu.memory_space<hbm>>
      tpu.wait_dma2 semaphore(%run_scoped3A : memref<!tpu.dma_semaphore, #tpu.memory_space<semaphore_mem>>) src(%dma_wait3A_264 : memref<4x32xi32, #tpu.memory_space<hbm>>) dst(%arg7 : memref<4x32xi32, #tpu.memory_space<vmem>>)
      tpu.yield
    }) : () -> ()
    %dma_start3A = arith.constant 0 : i32
    %dma_start3A_5 = arith.constant 0 : i32
    %dma_start3A_6 = tpu.memref_slice %arg7[%dma_start3A, %dma_start3A_5] : memref<4x32xi32, #tpu.memory_space<vmem>> -> memref<1x16xi32, #tpu.memory_space<vmem>>
    %dma_start3A_7 = tpu.memref_squeeze %dma_start3A_6 : memref<1x16xi32, #tpu.memory_space<vmem>> -> memref<16xi32, #tpu.memory_space<vmem>>
    %dma_start3A_8 = arith.constant 0 : i32
    %dma_start3A_9 = arith.constant 0 : i32
    %dma_start3A_10 = tpu.memref_slice %arg2[%dma_start3A_8, %dma_start3A_9] : memref<100000x1024xf32, #tpu.memory_space<hbm>> -> memref<100000x1024xf32, #tpu.memory_space<hbm>>
    tpu.enqueue_indirect_dma source(%dma_start3A_10 : memref<100000x1024xf32, #tpu.memory_space<hbm>>) target(%arg8 : memref<16x1024xf32, #tpu.memory_space<vmem>>) offsets(%dma_start3A_7 : memref<16xi32, #tpu.memory_space<vmem>>) semaphore(%arg18 : memref<!tpu.dma_semaphore, #tpu.memory_space<semaphore_mem>>)
    %dma_start3A_11 = arith.constant 0 : i32
    %dma_start3A_12 = arith.constant 16 : i32
    %dma_start3A_13 = tpu.memref_slice %arg7[%dma_start3A_11, %dma_start3A_12] : memref<4x32xi32, #tpu.memory_space<vmem>> -> memref<1x16xi32, #tpu.memory_space<vmem>>
    %dma_start3A_14 = tpu.memref_squeeze %dma_start3A_13 : memref<1x16xi32, #tpu.memory_space<vmem>> -> memref<16xi32, #tpu.memory_space<vmem>>
    %dma_start3A_15 = arith.constant 0 : i32
    %dma_start3A_16 = arith.constant 0 : i32
    %dma_start3A_17 = tpu.memref_slice %arg2[%dma_start3A_15, %dma_start3A_16] : memref<100000x1024xf32, #tpu.memory_space<hbm>> -> memref<100000x1024xf32, #tpu.memory_space<hbm>>
    tpu.enqueue_indirect_dma source(%dma_start3A_17 : memref<100000x1024xf32, #tpu.memory_space<hbm>>) target(%arg9 : memref<16x1024xf32, #tpu.memory_space<vmem>>) offsets(%dma_start3A_14 : memref<16xi32, #tpu.memory_space<vmem>>) semaphore(%arg19 : memref<!tpu.dma_semaphore, #tpu.memory_space<semaphore_mem>>)
    %dma_start3A_18 = arith.constant 1 : i32
    %dma_start3A_19 = arith.constant 0 : i32
    %dma_start3A_20 = tpu.memref_slice %arg7[%dma_start3A_18, %dma_start3A_19] : memref<4x32xi32, #tpu.memory_space<vmem>> -> memref<1x16xi32, #tpu.memory_space<vmem>>
    %dma_start3A_21 = tpu.memref_squeeze %dma_start3A_20 : memref<1x16xi32, #tpu.memory_space<vmem>> -> memref<16xi32, #tpu.memory_space<vmem>>
    %dma_start3A_22 = arith.constant 0 : i32
    %dma_start3A_23 = arith.constant 0 : i32
    %dma_start3A_24 = tpu.memref_slice %arg2[%dma_start3A_22, %dma_start3A_23] : memref<100000x1024xf32, #tpu.memory_space<hbm>> -> memref<100000x1024xf32, #tpu.memory_space<hbm>>
    tpu.enqueue_indirect_dma source(%dma_start3A_24 : memref<100000x1024xf32, #tpu.memory_space<hbm>>) target(%arg10 : memref<16x1024xf32, #tpu.memory_space<vmem>>) offsets(%dma_start3A_21 : memref<16xi32, #tpu.memory_space<vmem>>) semaphore(%arg20 : memref<!tpu.dma_semaphore, #tpu.memory_space<semaphore_mem>>)
    %dma_start3A_25 = arith.constant 1 : i32
    %dma_start3A_26 = arith.constant 16 : i32
    %dma_start3A_27 = tpu.memref_slice %arg7[%dma_start3A_25, %dma_start3A_26] : memref<4x32xi32, #tpu.memory_space<vmem>> -> memref<1x16xi32, #tpu.memory_space<vmem>>
    %dma_start3A_28 = tpu.memref_squeeze %dma_start3A_27 : memref<1x16xi32, #tpu.memory_space<vmem>> -> memref<16xi32, #tpu.memory_space<vmem>>
    %dma_start3A_29 = arith.constant 0 : i32
    %dma_start3A_30 = arith.constant 0 : i32
    %dma_start3A_31 = tpu.memref_slice %arg2[%dma_start3A_29, %dma_start3A_30] : memref<100000x1024xf32, #tpu.memory_space<hbm>> -> memref<100000x1024xf32, #tpu.memory_space<hbm>>
    tpu.enqueue_indirect_dma source(%dma_start3A_31 : memref<100000x1024xf32, #tpu.memory_space<hbm>>) target(%arg11 : memref<16x1024xf32, #tpu.memory_space<vmem>>) offsets(%dma_start3A_28 : memref<16xi32, #tpu.memory_space<vmem>>) semaphore(%arg21 : memref<!tpu.dma_semaphore, #tpu.memory_space<semaphore_mem>>)
    tpu.wait_dma2 semaphore(%arg25 : memref<!tpu.dma_semaphore, #tpu.memory_space<semaphore_mem>>) src(%arg4 : memref<2x16xf32, #tpu.memory_space<hbm>>) dst(%arg17 : memref<2x16xf32, #tpu.memory_space<vmem>>)
    tpu.wait_dma2 semaphore(%arg25 : memref<!tpu.dma_semaphore, #tpu.memory_space<semaphore_mem>>) src(%arg5 : memref<1024xf32, #tpu.memory_space<hbm>>) dst(%arg15 : memref<1024xf32, #tpu.memory_space<vmem>>)
    %get3A = arith.constant 0 : i32
    %get3A_32 = arith.index_cast %get3A : i32 to index
    %get3A_33 = arith.constant 0 : index
    %get3A_34 = tpu.vector_load %arg17[%get3A_32, %get3A_33] {strides = array<i32>} : memref<2x16xf32, #tpu.memory_space<vmem>>, vector<1x16xf32>,
    %get3A_35 = vector.shape_cast %get3A_34 : vector<1x16xf32> to vector<16xf32>
    %get3A_36 = arith.constant 1 : i32
    %get3A_37 = arith.index_cast %get3A_36 : i32 to index
    %get3A_38 = arith.constant 0 : index
    %get3A_39 = tpu.vector_load %arg17[%get3A_37, %get3A_38] {strides = array<i32>} : memref<2x16xf32, #tpu.memory_space<vmem>>, vector<1x16xf32>,
    %get3A_40 = vector.shape_cast %get3A_39 : vector<1x16xf32> to vector<16xf32>
    %scan3A = arith.constant 0 : i32
    %scan3A_41 = arith.constant 0 : i32
    %scan3A_42 = arith.constant 64 : i32
    %scan3A_43 = arith.addi %scan3A_41, %scan3A_42 : i32
    %scan3A_44 = arith.constant 1 : i32
    scf.for %scan3A_257 = %scan3A_41 to %scan3A_43 step %scan3A_44  : i32 {
      %mul3A_258 = arith.constant 16 : i32
      %mul3A_259 = arith.muli %scan3A_257, %mul3A_258 : i32
      %get3A_260 = arith.index_cast %mul3A_259 : i32 to index
      %get3A_261 = tpu.vector_load %arg15[%get3A_260] {strides = array<i32>} : memref<1024xf32, #tpu.memory_space<vmem>>, vector<16xf32>,
      %get3A_262 = vector.shape_cast %get3A_261 : vector<16xf32> to vector<16xf32>
      %mul3A_263 = arith.mulf %get3A_262, %get3A_35 : vector<16xf32>
      %mul3A_264 = arith.constant 16 : i32
      %mul3A_265 = arith.muli %scan3A_257, %mul3A_264 : i32
      %swap3A = arith.index_cast %mul3A_265 : i32 to index
      %swap3A_266 = tpu.vector_load %arg16[%swap3A] {strides = array<i32>} : memref<1024xf32, #tpu.memory_space<vmem>>, vector<16xf32>,
      %swap3A_267 = vector.shape_cast %swap3A_266 : vector<16xf32> to vector<16xf32>
      %swap3A_268 = vector.shape_cast %mul3A_263 : vector<16xf32> to vector<16xf32>
      tpu.vector_store %arg16[%swap3A], %swap3A_268 {strides = array<i32>} : memref<1024xf32, #tpu.memory_space<vmem>>, vector<16xf32>,
    }
    %scan3A_45 = arith.constant 64 : i32
    %dma_start3A_46 = arith.constant 2 : i32
    %dma_start3A_47 = arith.constant 0 : i32
    %dma_start3A_48 = tpu.memref_slice %arg7[%dma_start3A_46, %dma_start3A_47] : memref<4x32xi32, #tpu.memory_space<vmem>> -> memref<1x16xi32, #tpu.memory_space<vmem>>
    %dma_start3A_49 = tpu.memref_squeeze %dma_start3A_48 : memref<1x16xi32, #tpu.memory_space<vmem>> -> memref<16xi32, #tpu.memory_space<vmem>>
    %dma_start3A_50 = arith.constant 0 : i32
    %dma_start3A_51 = arith.constant 0 : i32
    %dma_start3A_52 = tpu.memref_slice %arg2[%dma_start3A_50, %dma_start3A_51] : memref<100000x1024xf32, #tpu.memory_space<hbm>> -> memref<100000x1024xf32, #tpu.memory_space<hbm>>
    tpu.enqueue_indirect_dma source(%dma_start3A_52 : memref<100000x1024xf32, #tpu.memory_space<hbm>>) target(%arg12 : memref<16x1024xf32, #tpu.memory_space<vmem>>) offsets(%dma_start3A_49 : memref<16xi32, #tpu.memory_space<vmem>>) semaphore(%arg22 : memref<!tpu.dma_semaphore, #tpu.memory_space<semaphore_mem>>)
    %dma_wait3A = arith.constant 0 : i32
    %dma_wait3A_53 = arith.constant 0 : i32
    %dma_wait3A_54 = tpu.memref_slice %arg7[%dma_wait3A, %dma_wait3A_53] : memref<4x32xi32, #tpu.memory_space<vmem>> -> memref<1x16xi32, #tpu.memory_space<vmem>>
    %dma_wait3A_55 = tpu.memref_squeeze %dma_wait3A_54 : memref<1x16xi32, #tpu.memory_space<vmem>> -> memref<16xi32, #tpu.memory_space<vmem>>
    %dma_wait3A_56 = arith.constant 0 : i32
    %dma_wait3A_57 = arith.constant 0 : i32
    %dma_wait3A_58 = tpu.memref_slice %arg2[%dma_wait3A_56, %dma_wait3A_57] : memref<100000x1024xf32, #tpu.memory_space<hbm>> -> memref<100000x1024xf32, #tpu.memory_space<hbm>>
    tpu.wait_indirect_dma semaphore(%arg18 : memref<!tpu.dma_semaphore, #tpu.memory_space<semaphore_mem>>) src(%dma_wait3A_58 : memref<100000x1024xf32, #tpu.memory_space<hbm>>) dst(%arg8 : memref<16x1024xf32, #tpu.memory_space<vmem>>)
    %scan3A_59 = arith.constant 0 : i32
    %scan3A_60 = arith.constant 0 : i32
    %scan3A_61 = arith.constant 16 : i32
    %scan3A_62 = arith.addi %scan3A_60, %scan3A_61 : i32
    %scan3A_63 = arith.constant 1 : i32
    scf.for %scan3A_257 = %scan3A_60 to %scan3A_62 step %scan3A_63  : i32 {
      %mul3A_258 = arith.constant 4 : i32
      %mul3A_259 = arith.muli %scan3A_257, %mul3A_258 : i32
      %add3A_260 = arith.constant 0 : i32
      %add3A_261 = arith.addi %mul3A_259, %add3A_260 : i32
      %mul3A_262 = arith.constant 16 : i32
      %mul3A_263 = arith.muli %add3A_261, %mul3A_262 : i32
      %get3A_264 = arith.index_cast %mul3A_263 : i32 to index
      %get3A_265 = tpu.vector_load %arg16[%get3A_264] {strides = array<i32>} : memref<1024xf32, #tpu.memory_space<vmem>>, vector<16xf32>,
      %get3A_266 = vector.shape_cast %get3A_265 : vector<16xf32> to vector<16xf32>
      %mul3A_267 = arith.constant 4 : i32
      %mul3A_268 = arith.muli %scan3A_257, %mul3A_267 : i32
      %add3A_269 = arith.constant 1 : i32
      %add3A_270 = arith.addi %mul3A_268, %add3A_269 : i32
      %mul3A_271 = arith.constant 16 : i32
      %mul3A_272 = arith.muli %add3A_270, %mul3A_271 : i32
      %get3A_273 = arith.index_cast %mul3A_272 : i32 to index
      %get3A_274 = tpu.vector_load %arg16[%get3A_273] {strides = array<i32>} : memref<1024xf32, #tpu.memory_space<vmem>>, vector<16xf32>,
      %get3A_275 = vector.shape_cast %get3A_274 : vector<16xf32> to vector<16xf32>
      %mul3A_276 = arith.constant 4 : i32
      %mul3A_277 = arith.muli %scan3A_257, %mul3A_276 : i32
      %add3A_278 = arith.constant 2 : i32
      %add3A_279 = arith.addi %mul3A_277, %add3A_278 : i32
      %mul3A_280 = arith.constant 16 : i32
      %mul3A_281 = arith.muli %add3A_279, %mul3A_280 : i32
      %get3A_282 = arith.index_cast %mul3A_281 : i32 to index
      %get3A_283 = tpu.vector_load %arg16[%get3A_282] {strides = array<i32>} : memref<1024xf32, #tpu.memory_space<vmem>>, vector<16xf32>,
      %get3A_284 = vector.shape_cast %get3A_283 : vector<16xf32> to vector<16xf32>
      %mul3A_285 = arith.constant 4 : i32
      %mul3A_286 = arith.muli %scan3A_257, %mul3A_285 : i32
      %add3A_287 = arith.constant 3 : i32
      %add3A_288 = arith.addi %mul3A_286, %add3A_287 : i32
      %mul3A_289 = arith.constant 16 : i32
      %mul3A_290 = arith.muli %add3A_288, %mul3A_289 : i32
      %get3A_291 = arith.index_cast %mul3A_290 : i32 to index
      %get3A_292 = tpu.vector_load %arg16[%get3A_291] {strides = array<i32>} : memref<1024xf32, #tpu.memory_space<vmem>>, vector<16xf32>,
      %get3A_293 = vector.shape_cast %get3A_292 : vector<16xf32> to vector<16xf32>
      %parallel_loop3A = arith.constant 0 : i32
      %parallel_loop3A_294 = arith.constant 16 : i32
      %parallel_loop3A_295 = arith.constant 1 : i32
      scf.for %parallel_loop3A_296 = %parallel_loop3A to %parallel_loop3A_294 step %parallel_loop3A_295  : i32 {
        %parallel_loop3A_297 = arith.constant 4 : i32
        %parallel_loop3A_298 = arith.muli %scan3A_257, %parallel_loop3A_297 : i32
        %parallel_loop3A_299 = arith.constant 0 : i32
        %parallel_loop3A_300 = arith.addi %parallel_loop3A_298, %parallel_loop3A_299 : i32
        %parallel_loop3A_301 = arith.constant 16 : i32
        %parallel_loop3A_302 = arith.muli %parallel_loop3A_300, %parallel_loop3A_301 : i32
        %parallel_loop3A_303 = arith.index_cast %parallel_loop3A_296 : i32 to index
        %parallel_loop3A_304 = arith.index_cast %parallel_loop3A_302 : i32 to index
        %parallel_loop3A_305 = tpu.vector_load %arg8[%parallel_loop3A_303, %parallel_loop3A_304] {strides = array<i32>} : memref<16x1024xf32, #tpu.memory_space<vmem>>, vector<1x16xf32>,
        %parallel_loop3A_306 = vector.shape_cast %parallel_loop3A_305 : vector<1x16xf32> to vector<16xf32>
        %parallel_loop3A_307 = arith.mulf %parallel_loop3A_306, %get3A_40 : vector<16xf32>
        %parallel_loop3A_308 = arith.addf %parallel_loop3A_307, %get3A_266 : vector<16xf32>
        %parallel_loop3A_309 = arith.index_cast %parallel_loop3A_296 : i32 to index
        %parallel_loop3A_310 = arith.index_cast %parallel_loop3A_302 : i32 to index
        %parallel_loop3A_311 = tpu.vector_load %arg13[%parallel_loop3A_309, %parallel_loop3A_310] {strides = array<i32>} : memref<16x1024xf32, #tpu.memory_space<vmem>>, vector<1x16xf32>,
        %parallel_loop3A_312 = vector.shape_cast %parallel_loop3A_311 : vector<1x16xf32> to vector<16xf32>
        %parallel_loop3A_313 = vector.shape_cast %parallel_loop3A_308 : vector<16xf32> to vector<1x16xf32>
        tpu.vector_store %arg13[%parallel_loop3A_309, %parallel_loop3A_310], %parallel_loop3A_313 {strides = array<i32>} : memref<16x1024xf32, #tpu.memory_space<vmem>>, vector<1x16xf32>,
        %parallel_loop3A_314 = arith.constant 4 : i32
        %parallel_loop3A_315 = arith.muli %scan3A_257, %parallel_loop3A_314 : i32
        %parallel_loop3A_316 = arith.constant 1 : i32
        %parallel_loop3A_317 = arith.addi %parallel_loop3A_315, %parallel_loop3A_316 : i32
        %parallel_loop3A_318 = arith.constant 16 : i32
        %parallel_loop3A_319 = arith.muli %parallel_loop3A_317, %parallel_loop3A_318 : i32
        %parallel_loop3A_320 = arith.index_cast %parallel_loop3A_296 : i32 to index
        %parallel_loop3A_321 = arith.index_cast %parallel_loop3A_319 : i32 to index
        %parallel_loop3A_322 = tpu.vector_load %arg8[%parallel_loop3A_320, %parallel_loop3A_321] {strides = array<i32>} : memref<16x1024xf32, #tpu.memory_space<vmem>>, vector<1x16xf32>,
        %parallel_loop3A_323 = vector.shape_cast %parallel_loop3A_322 : vector<1x16xf32> to vector<16xf32>
        %parallel_loop3A_324 = arith.mulf %parallel_loop3A_323, %get3A_40 : vector<16xf32>
        %parallel_loop3A_325 = arith.addf %parallel_loop3A_324, %get3A_275 : vector<16xf32>
        %parallel_loop3A_326 = arith.index_cast %parallel_loop3A_296 : i32 to index
        %parallel_loop3A_327 = arith.index_cast %parallel_loop3A_319 : i32 to index
        %parallel_loop3A_328 = tpu.vector_load %arg13[%parallel_loop3A_326, %parallel_loop3A_327] {strides = array<i32>} : memref<16x1024xf32, #tpu.memory_space<vmem>>, vector<1x16xf32>,
        %parallel_loop3A_329 = vector.shape_cast %parallel_loop3A_328 : vector<1x16xf32> to vector<16xf32>
        %parallel_loop3A_330 = vector.shape_cast %parallel_loop3A_325 : vector<16xf32> to vector<1x16xf32>
        tpu.vector_store %arg13[%parallel_loop3A_326, %parallel_loop3A_327], %parallel_loop3A_330 {strides = array<i32>} : memref<16x1024xf32, #tpu.memory_space<vmem>>, vector<1x16xf32>,
        %parallel_loop3A_331 = arith.constant 4 : i32
        %parallel_loop3A_332 = arith.muli %scan3A_257, %parallel_loop3A_331 : i32
        %parallel_loop3A_333 = arith.constant 2 : i32
        %parallel_loop3A_334 = arith.addi %parallel_loop3A_332, %parallel_loop3A_333 : i32
        %parallel_loop3A_335 = arith.constant 16 : i32
        %parallel_loop3A_336 = arith.muli %parallel_loop3A_334, %parallel_loop3A_335 : i32
        %parallel_loop3A_337 = arith.index_cast %parallel_loop3A_296 : i32 to index
        %parallel_loop3A_338 = arith.index_cast %parallel_loop3A_336 : i32 to index
        %parallel_loop3A_339 = tpu.vector_load %arg8[%parallel_loop3A_337, %parallel_loop3A_338] {strides = array<i32>} : memref<16x1024xf32, #tpu.memory_space<vmem>>, vector<1x16xf32>,
        %parallel_loop3A_340 = vector.shape_cast %parallel_loop3A_339 : vector<1x16xf32> to vector<16xf32>
        %parallel_loop3A_341 = arith.mulf %parallel_loop3A_340, %get3A_40 : vector<16xf32>
        %parallel_loop3A_342 = arith.addf %parallel_loop3A_341, %get3A_284 : vector<16xf32>
        %parallel_loop3A_343 = arith.index_cast %parallel_loop3A_296 : i32 to index
        %parallel_loop3A_344 = arith.index_cast %parallel_loop3A_336 : i32 to index
        %parallel_loop3A_345 = tpu.vector_load %arg13[%parallel_loop3A_343, %parallel_loop3A_344] {strides = array<i32>} : memref<16x1024xf32, #tpu.memory_space<vmem>>, vector<1x16xf32>,
        %parallel_loop3A_346 = vector.shape_cast %parallel_loop3A_345 : vector<1x16xf32> to vector<16xf32>
        %parallel_loop3A_347 = vector.shape_cast %parallel_loop3A_342 : vector<16xf32> to vector<1x16xf32>
        tpu.vector_store %arg13[%parallel_loop3A_343, %parallel_loop3A_344], %parallel_loop3A_347 {strides = array<i32>} : memref<16x1024xf32, #tpu.memory_space<vmem>>, vector<1x16xf32>,
        %parallel_loop3A_348 = arith.constant 4 : i32
        %parallel_loop3A_349 = arith.muli %scan3A_257, %parallel_loop3A_348 : i32
        %parallel_loop3A_350 = arith.constant 3 : i32
        %parallel_loop3A_351 = arith.addi %parallel_loop3A_349, %parallel_loop3A_350 : i32
        %parallel_loop3A_352 = arith.constant 16 : i32
        %parallel_loop3A_353 = arith.muli %parallel_loop3A_351, %parallel_loop3A_352 : i32
        %parallel_loop3A_354 = arith.index_cast %parallel_loop3A_296 : i32 to index
        %parallel_loop3A_355 = arith.index_cast %parallel_loop3A_353 : i32 to index
        %parallel_loop3A_356 = tpu.vector_load %arg8[%parallel_loop3A_354, %parallel_loop3A_355] {strides = array<i32>} : memref<16x1024xf32, #tpu.memory_space<vmem>>, vector<1x16xf32>,
        %parallel_loop3A_357 = vector.shape_cast %parallel_loop3A_356 : vector<1x16xf32> to vector<16xf32>
        %parallel_loop3A_358 = arith.mulf %parallel_loop3A_357, %get3A_40 : vector<16xf32>
        %parallel_loop3A_359 = arith.addf %parallel_loop3A_358, %get3A_293 : vector<16xf32>
        %parallel_loop3A_360 = arith.index_cast %parallel_loop3A_296 : i32 to index
        %parallel_loop3A_361 = arith.index_cast %parallel_loop3A_353 : i32 to index
        %parallel_loop3A_362 = tpu.vector_load %arg13[%parallel_loop3A_360, %parallel_loop3A_361] {strides = array<i32>} : memref<16x1024xf32, #tpu.memory_space<vmem>>, vector<1x16xf32>,
        %parallel_loop3A_363 = vector.shape_cast %parallel_loop3A_362 : vector<1x16xf32> to vector<16xf32>
        %parallel_loop3A_364 = vector.shape_cast %parallel_loop3A_359 : vector<16xf32> to vector<1x16xf32>
        tpu.vector_store %arg13[%parallel_loop3A_360, %parallel_loop3A_361], %parallel_loop3A_364 {strides = array<i32>} : memref<16x1024xf32, #tpu.memory_space<vmem>>, vector<1x16xf32>,
      } {sc.loop_unroll_factor = 2 : i64, sc.parallel_access}
    }
    %scan3A_64 = arith.constant 16 : i32
    %add3A_65 = arith.constant 0 : i32
    %add3A_66 = arith.addi %mul3A_2, %add3A_65 : i32
    %dma_start3A_67 = arith.constant 0 : i32
    %dma_start3A_68 = tpu.memref_slice %arg6[%add3A_66, %dma_start3A_67] : memref<4096x1024xf32, #tpu.memory_space<hbm>> -> memref<16x1024xf32, #tpu.memory_space<hbm>>
    %dma_start3A_69 = arith.constant 0 : i32
    %dma_start3A_70 = tpu.memref_slice %arg6[%add3A_66, %dma_start3A_69] : memref<4096x1024xf32, #tpu.memory_space<hbm>> -> memref<16x1024xf32, #tpu.memory_space<hbm>>
    tpu.enqueue_dma source(%arg13 : memref<16x1024xf32, #tpu.memory_space<vmem>>) target(%dma_start3A_70 : memref<16x1024xf32, #tpu.memory_space<hbm>>) target_semaphore(%arg23 : memref<!tpu.dma_semaphore, #tpu.memory_space<semaphore_mem>>)
    %dma_start3A_71 = arith.constant 2 : i32
    %dma_start3A_72 = arith.constant 16 : i32
    %dma_start3A_73 = tpu.memref_slice %arg7[%dma_start3A_71, %dma_start3A_72] : memref<4x32xi32, #tpu.memory_space<vmem>> -> memref<1x16xi32, #tpu.memory_space<vmem>>
    %dma_start3A_74 = tpu.memref_squeeze %dma_start3A_73 : memref<1x16xi32, #tpu.memory_space<vmem>> -> memref<16xi32, #tpu.memory_space<vmem>>
    %dma_start3A_75 = arith.constant 0 : i32
    %dma_start3A_76 = arith.constant 0 : i32
    %dma_start3A_77 = tpu.memref_slice %arg2[%dma_start3A_75, %dma_start3A_76] : memref<100000x1024xf32, #tpu.memory_space<hbm>> -> memref<100000x1024xf32, #tpu.memory_space<hbm>>
    tpu.enqueue_indirect_dma source(%dma_start3A_77 : memref<100000x1024xf32, #tpu.memory_space<hbm>>) target(%arg8 : memref<16x1024xf32, #tpu.memory_space<vmem>>) offsets(%dma_start3A_74 : memref<16xi32, #tpu.memory_space<vmem>>) semaphore(%arg18 : memref<!tpu.dma_semaphore, #tpu.memory_space<semaphore_mem>>)
    %dma_wait3A_78 = arith.constant 0 : i32
    %dma_wait3A_79 = arith.constant 16 : i32
    %dma_wait3A_80 = tpu.memref_slice %arg7[%dma_wait3A_78, %dma_wait3A_79] : memref<4x32xi32, #tpu.memory_space<vmem>> -> memref<1x16xi32, #tpu.memory_space<vmem>>
    %dma_wait3A_81 = tpu.memref_squeeze %dma_wait3A_80 : memref<1x16xi32, #tpu.memory_space<vmem>> -> memref<16xi32, #tpu.memory_space<vmem>>
    %dma_wait3A_82 = arith.constant 0 : i32
    %dma_wait3A_83 = arith.constant 0 : i32
    %dma_wait3A_84 = tpu.memref_slice %arg2[%dma_wait3A_82, %dma_wait3A_83] : memref<100000x1024xf32, #tpu.memory_space<hbm>> -> memref<100000x1024xf32, #tpu.memory_space<hbm>>
    tpu.wait_indirect_dma semaphore(%arg19 : memref<!tpu.dma_semaphore, #tpu.memory_space<semaphore_mem>>) src(%dma_wait3A_84 : memref<100000x1024xf32, #tpu.memory_space<hbm>>) dst(%arg9 : memref<16x1024xf32, #tpu.memory_space<vmem>>)
    %scan3A_85 = arith.constant 0 : i32
    %scan3A_86 = arith.constant 0 : i32
    %scan3A_87 = arith.constant 16 : i32
    %scan3A_88 = arith.addi %scan3A_86, %scan3A_87 : i32
    %scan3A_89 = arith.constant 1 : i32
    scf.for %scan3A_257 = %scan3A_86 to %scan3A_88 step %scan3A_89  : i32 {
      %mul3A_258 = arith.constant 4 : i32
      %mul3A_259 = arith.muli %scan3A_257, %mul3A_258 : i32
      %add3A_260 = arith.constant 0 : i32
      %add3A_261 = arith.addi %mul3A_259, %add3A_260 : i32
      %mul3A_262 = arith.constant 16 : i32
      %mul3A_263 = arith.muli %add3A_261, %mul3A_262 : i32
      %get3A_264 = arith.index_cast %mul3A_263 : i32 to index
      %get3A_265 = tpu.vector_load %arg16[%get3A_264] {strides = array<i32>} : memref<1024xf32, #tpu.memory_space<vmem>>, vector<16xf32>,
      %get3A_266 = vector.shape_cast %get3A_265 : vector<16xf32> to vector<16xf32>
      %mul3A_267 = arith.constant 4 : i32
      %mul3A_268 = arith.muli %scan3A_257, %mul3A_267 : i32
      %add3A_269 = arith.constant 1 : i32
      %add3A_270 = arith.addi %mul3A_268, %add3A_269 : i32
      %mul3A_271 = arith.constant 16 : i32
      %mul3A_272 = arith.muli %add3A_270, %mul3A_271 : i32
      %get3A_273 = arith.index_cast %mul3A_272 : i32 to index
      %get3A_274 = tpu.vector_load %arg16[%get3A_273] {strides = array<i32>} : memref<1024xf32, #tpu.memory_space<vmem>>, vector<16xf32>,
      %get3A_275 = vector.shape_cast %get3A_274 : vector<16xf32> to vector<16xf32>
      %mul3A_276 = arith.constant 4 : i32
      %mul3A_277 = arith.muli %scan3A_257, %mul3A_276 : i32
      %add3A_278 = arith.constant 2 : i32
      %add3A_279 = arith.addi %mul3A_277, %add3A_278 : i32
      %mul3A_280 = arith.constant 16 : i32
      %mul3A_281 = arith.muli %add3A_279, %mul3A_280 : i32
      %get3A_282 = arith.index_cast %mul3A_281 : i32 to index
      %get3A_283 = tpu.vector_load %arg16[%get3A_282] {strides = array<i32>} : memref<1024xf32, #tpu.memory_space<vmem>>, vector<16xf32>,
      %get3A_284 = vector.shape_cast %get3A_283 : vector<16xf32> to vector<16xf32>
      %mul3A_285 = arith.constant 4 : i32
      %mul3A_286 = arith.muli %scan3A_257, %mul3A_285 : i32
      %add3A_287 = arith.constant 3 : i32
      %add3A_288 = arith.addi %mul3A_286, %add3A_287 : i32
      %mul3A_289 = arith.constant 16 : i32
      %mul3A_290 = arith.muli %add3A_288, %mul3A_289 : i32
      %get3A_291 = arith.index_cast %mul3A_290 : i32 to index
      %get3A_292 = tpu.vector_load %arg16[%get3A_291] {strides = array<i32>} : memref<1024xf32, #tpu.memory_space<vmem>>, vector<16xf32>,
      %get3A_293 = vector.shape_cast %get3A_292 : vector<16xf32> to vector<16xf32>
      %parallel_loop3A = arith.constant 0 : i32
      %parallel_loop3A_294 = arith.constant 16 : i32
      %parallel_loop3A_295 = arith.constant 1 : i32
      scf.for %parallel_loop3A_296 = %parallel_loop3A to %parallel_loop3A_294 step %parallel_loop3A_295  : i32 {
        %parallel_loop3A_297 = arith.constant 4 : i32
        %parallel_loop3A_298 = arith.muli %scan3A_257, %parallel_loop3A_297 : i32
        %parallel_loop3A_299 = arith.constant 0 : i32
        %parallel_loop3A_300 = arith.addi %parallel_loop3A_298, %parallel_loop3A_299 : i32
        %parallel_loop3A_301 = arith.constant 16 : i32
        %parallel_loop3A_302 = arith.muli %parallel_loop3A_300, %parallel_loop3A_301 : i32
        %parallel_loop3A_303 = arith.index_cast %parallel_loop3A_296 : i32 to index
        %parallel_loop3A_304 = arith.index_cast %parallel_loop3A_302 : i32 to index
        %parallel_loop3A_305 = tpu.vector_load %arg9[%parallel_loop3A_303, %parallel_loop3A_304] {strides = array<i32>} : memref<16x1024xf32, #tpu.memory_space<vmem>>, vector<1x16xf32>,
        %parallel_loop3A_306 = vector.shape_cast %parallel_loop3A_305 : vector<1x16xf32> to vector<16xf32>
        %parallel_loop3A_307 = arith.mulf %parallel_loop3A_306, %get3A_40 : vector<16xf32>
        %parallel_loop3A_308 = arith.addf %parallel_loop3A_307, %get3A_266 : vector<16xf32>
        %parallel_loop3A_309 = arith.index_cast %parallel_loop3A_296 : i32 to index
        %parallel_loop3A_310 = arith.index_cast %parallel_loop3A_302 : i32 to index
        %parallel_loop3A_311 = tpu.vector_load %arg14[%parallel_loop3A_309, %parallel_loop3A_310] {strides = array<i32>} : memref<16x1024xf32, #tpu.memory_space<vmem>>, vector<1x16xf32>,
        %parallel_loop3A_312 = vector.shape_cast %parallel_loop3A_311 : vector<1x16xf32> to vector<16xf32>
        %parallel_loop3A_313 = vector.shape_cast %parallel_loop3A_308 : vector<16xf32> to vector<1x16xf32>
        tpu.vector_store %arg14[%parallel_loop3A_309, %parallel_loop3A_310], %parallel_loop3A_313 {strides = array<i32>} : memref<16x1024xf32, #tpu.memory_space<vmem>>, vector<1x16xf32>,
        %parallel_loop3A_314 = arith.constant 4 : i32
        %parallel_loop3A_315 = arith.muli %scan3A_257, %parallel_loop3A_314 : i32
        %parallel_loop3A_316 = arith.constant 1 : i32
        %parallel_loop3A_317 = arith.addi %parallel_loop3A_315, %parallel_loop3A_316 : i32
        %parallel_loop3A_318 = arith.constant 16 : i32
        %parallel_loop3A_319 = arith.muli %parallel_loop3A_317, %parallel_loop3A_318 : i32
        %parallel_loop3A_320 = arith.index_cast %parallel_loop3A_296 : i32 to index
        %parallel_loop3A_321 = arith.index_cast %parallel_loop3A_319 : i32 to index
        %parallel_loop3A_322 = tpu.vector_load %arg9[%parallel_loop3A_320, %parallel_loop3A_321] {strides = array<i32>} : memref<16x1024xf32, #tpu.memory_space<vmem>>, vector<1x16xf32>,
        %parallel_loop3A_323 = vector.shape_cast %parallel_loop3A_322 : vector<1x16xf32> to vector<16xf32>
        %parallel_loop3A_324 = arith.mulf %parallel_loop3A_323, %get3A_40 : vector<16xf32>
        %parallel_loop3A_325 = arith.addf %parallel_loop3A_324, %get3A_275 : vector<16xf32>
        %parallel_loop3A_326 = arith.index_cast %parallel_loop3A_296 : i32 to index
        %parallel_loop3A_327 = arith.index_cast %parallel_loop3A_319 : i32 to index
        %parallel_loop3A_328 = tpu.vector_load %arg14[%parallel_loop3A_326, %parallel_loop3A_327] {strides = array<i32>} : memref<16x1024xf32, #tpu.memory_space<vmem>>, vector<1x16xf32>,
        %parallel_loop3A_329 = vector.shape_cast %parallel_loop3A_328 : vector<1x16xf32> to vector<16xf32>
        %parallel_loop3A_330 = vector.shape_cast %parallel_loop3A_325 : vector<16xf32> to vector<1x16xf32>
        tpu.vector_store %arg14[%parallel_loop3A_326, %parallel_loop3A_327], %parallel_loop3A_330 {strides = array<i32>} : memref<16x1024xf32, #tpu.memory_space<vmem>>, vector<1x16xf32>,
        %parallel_loop3A_331 = arith.constant 4 : i32
        %parallel_loop3A_332 = arith.muli %scan3A_257, %parallel_loop3A_331 : i32
        %parallel_loop3A_333 = arith.constant 2 : i32
        %parallel_loop3A_334 = arith.addi %parallel_loop3A_332, %parallel_loop3A_333 : i32
        %parallel_loop3A_335 = arith.constant 16 : i32
        %parallel_loop3A_336 = arith.muli %parallel_loop3A_334, %parallel_loop3A_335 : i32
        %parallel_loop3A_337 = arith.index_cast %parallel_loop3A_296 : i32 to index
        %parallel_loop3A_338 = arith.index_cast %parallel_loop3A_336 : i32 to index
        %parallel_loop3A_339 = tpu.vector_load %arg9[%parallel_loop3A_337, %parallel_loop3A_338] {strides = array<i32>} : memref<16x1024xf32, #tpu.memory_space<vmem>>, vector<1x16xf32>,
        %parallel_loop3A_340 = vector.shape_cast %parallel_loop3A_339 : vector<1x16xf32> to vector<16xf32>
        %parallel_loop3A_341 = arith.mulf %parallel_loop3A_340, %get3A_40 : vector<16xf32>
        %parallel_loop3A_342 = arith.addf %parallel_loop3A_341, %get3A_284 : vector<16xf32>
        %parallel_loop3A_343 = arith.index_cast %parallel_loop3A_296 : i32 to index
        %parallel_loop3A_344 = arith.index_cast %parallel_loop3A_336 : i32 to index
        %parallel_loop3A_345 = tpu.vector_load %arg14[%parallel_loop3A_343, %parallel_loop3A_344] {strides = array<i32>} : memref<16x1024xf32, #tpu.memory_space<vmem>>, vector<1x16xf32>,
        %parallel_loop3A_346 = vector.shape_cast %parallel_loop3A_345 : vector<1x16xf32> to vector<16xf32>
        %parallel_loop3A_347 = vector.shape_cast %parallel_loop3A_342 : vector<16xf32> to vector<1x16xf32>
        tpu.vector_store %arg14[%parallel_loop3A_343, %parallel_loop3A_344], %parallel_loop3A_347 {strides = array<i32>} : memref<16x1024xf32, #tpu.memory_space<vmem>>, vector<1x16xf32>,
        %parallel_loop3A_348 = arith.constant 4 : i32
        %parallel_loop3A_349 = arith.muli %scan3A_257, %parallel_loop3A_348 : i32
        %parallel_loop3A_350 = arith.constant 3 : i32
        %parallel_loop3A_351 = arith.addi %parallel_loop3A_349, %parallel_loop3A_350 : i32
        %parallel_loop3A_352 = arith.constant 16 : i32
        %parallel_loop3A_353 = arith.muli %parallel_loop3A_351, %parallel_loop3A_352 : i32
        %parallel_loop3A_354 = arith.index_cast %parallel_loop3A_296 : i32 to index
        %parallel_loop3A_355 = arith.index_cast %parallel_loop3A_353 : i32 to index
        %parallel_loop3A_356 = tpu.vector_load %arg9[%parallel_loop3A_354, %parallel_loop3A_355] {strides = array<i32>} : memref<16x1024xf32, #tpu.memory_space<vmem>>, vector<1x16xf32>,
        %parallel_loop3A_357 = vector.shape_cast %parallel_loop3A_356 : vector<1x16xf32> to vector<16xf32>
        %parallel_loop3A_358 = arith.mulf %parallel_loop3A_357, %get3A_40 : vector<16xf32>
        %parallel_loop3A_359 = arith.addf %parallel_loop3A_358, %get3A_293 : vector<16xf32>
        %parallel_loop3A_360 = arith.index_cast %parallel_loop3A_296 : i32 to index
        %parallel_loop3A_361 = arith.index_cast %parallel_loop3A_353 : i32 to index
        %parallel_loop3A_362 = tpu.vector_load %arg14[%parallel_loop3A_360, %parallel_loop3A_361] {strides = array<i32>} : memref<16x1024xf32, #tpu.memory_space<vmem>>, vector<1x16xf32>,
        %parallel_loop3A_363 = vector.shape_cast %parallel_loop3A_362 : vector<1x16xf32> to vector<16xf32>
        %parallel_loop3A_364 = vector.shape_cast %parallel_loop3A_359 : vector<16xf32> to vector<1x16xf32>
        tpu.vector_store %arg14[%parallel_loop3A_360, %parallel_loop3A_361], %parallel_loop3A_364 {strides = array<i32>} : memref<16x1024xf32, #tpu.memory_space<vmem>>, vector<1x16xf32>,
      } {sc.loop_unroll_factor = 2 : i64, sc.parallel_access}
    }
    %scan3A_90 = arith.constant 16 : i32
    %add3A_91 = arith.constant 16 : i32
    %add3A_92 = arith.addi %mul3A_2, %add3A_91 : i32
    %dma_start3A_93 = arith.constant 0 : i32
    %dma_start3A_94 = tpu.memref_slice %arg6[%add3A_92, %dma_start3A_93] : memref<4096x1024xf32, #tpu.memory_space<hbm>> -> memref<16x1024xf32, #tpu.memory_space<hbm>>
    %dma_start3A_95 = arith.constant 0 : i32
    %dma_start3A_96 = tpu.memref_slice %arg6[%add3A_92, %dma_start3A_95] : memref<4096x1024xf32, #tpu.memory_space<hbm>> -> memref<16x1024xf32, #tpu.memory_space<hbm>>
    tpu.enqueue_dma source(%arg14 : memref<16x1024xf32, #tpu.memory_space<vmem>>) target(%dma_start3A_96 : memref<16x1024xf32, #tpu.memory_space<hbm>>) target_semaphore(%arg24 : memref<!tpu.dma_semaphore, #tpu.memory_space<semaphore_mem>>)
    %dma_start3A_97 = arith.constant 3 : i32
    %dma_start3A_98 = arith.constant 0 : i32
    %dma_start3A_99 = tpu.memref_slice %arg7[%dma_start3A_97, %dma_start3A_98] : memref<4x32xi32, #tpu.memory_space<vmem>> -> memref<1x16xi32, #tpu.memory_space<vmem>>
    %dma_start3A_100 = tpu.memref_squeeze %dma_start3A_99 : memref<1x16xi32, #tpu.memory_space<vmem>> -> memref<16xi32, #tpu.memory_space<vmem>>
    %dma_start3A_101 = arith.constant 0 : i32
    %dma_start3A_102 = arith.constant 0 : i32
    %dma_start3A_103 = tpu.memref_slice %arg2[%dma_start3A_101, %dma_start3A_102] : memref<100000x1024xf32, #tpu.memory_space<hbm>> -> memref<100000x1024xf32, #tpu.memory_space<hbm>>
    tpu.enqueue_indirect_dma source(%dma_start3A_103 : memref<100000x1024xf32, #tpu.memory_space<hbm>>) target(%arg9 : memref<16x1024xf32, #tpu.memory_space<vmem>>) offsets(%dma_start3A_100 : memref<16xi32, #tpu.memory_space<vmem>>) semaphore(%arg19 : memref<!tpu.dma_semaphore, #tpu.memory_space<semaphore_mem>>)
    %dma_wait3A_104 = arith.constant 1 : i32
    %dma_wait3A_105 = arith.constant 0 : i32
    %dma_wait3A_106 = tpu.memref_slice %arg7[%dma_wait3A_104, %dma_wait3A_105] : memref<4x32xi32, #tpu.memory_space<vmem>> -> memref<1x16xi32, #tpu.memory_space<vmem>>
    %dma_wait3A_107 = tpu.memref_squeeze %dma_wait3A_106 : memref<1x16xi32, #tpu.memory_space<vmem>> -> memref<16xi32, #tpu.memory_space<vmem>>
    %dma_wait3A_108 = arith.constant 0 : i32
    %dma_wait3A_109 = arith.constant 0 : i32
    %dma_wait3A_110 = tpu.memref_slice %arg2[%dma_wait3A_108, %dma_wait3A_109] : memref<100000x1024xf32, #tpu.memory_space<hbm>> -> memref<100000x1024xf32, #tpu.memory_space<hbm>>
    tpu.wait_indirect_dma semaphore(%arg20 : memref<!tpu.dma_semaphore, #tpu.memory_space<semaphore_mem>>) src(%dma_wait3A_110 : memref<100000x1024xf32, #tpu.memory_space<hbm>>) dst(%arg10 : memref<16x1024xf32, #tpu.memory_space<vmem>>)
    %dma_wait3A_111 = arith.constant 0 : i32
    %dma_wait3A_112 = tpu.memref_slice %arg6[%add3A_66, %dma_wait3A_111] : memref<4096x1024xf32, #tpu.memory_space<hbm>> -> memref<16x1024xf32, #tpu.memory_space<hbm>>
    %dma_wait3A_113 = arith.constant 0 : i32
    %dma_wait3A_114 = tpu.memref_slice %arg6[%add3A_66, %dma_wait3A_113] : memref<4096x1024xf32, #tpu.memory_space<hbm>> -> memref<16x1024xf32, #tpu.memory_space<hbm>>
    tpu.wait_dma2 semaphore(%arg23 : memref<!tpu.dma_semaphore, #tpu.memory_space<semaphore_mem>>) src(%arg13 : memref<16x1024xf32, #tpu.memory_space<vmem>>) dst(%dma_wait3A_114 : memref<16x1024xf32, #tpu.memory_space<hbm>>)
    %scan3A_115 = arith.constant 0 : i32
    %scan3A_116 = arith.constant 0 : i32
    %scan3A_117 = arith.constant 16 : i32
    %scan3A_118 = arith.addi %scan3A_116, %scan3A_117 : i32
    %scan3A_119 = arith.constant 1 : i32
    scf.for %scan3A_257 = %scan3A_116 to %scan3A_118 step %scan3A_119  : i32 {
      %mul3A_258 = arith.constant 4 : i32
      %mul3A_259 = arith.muli %scan3A_257, %mul3A_258 : i32
      %add3A_260 = arith.constant 0 : i32
      %add3A_261 = arith.addi %mul3A_259, %add3A_260 : i32
      %mul3A_262 = arith.constant 16 : i32
      %mul3A_263 = arith.muli %add3A_261, %mul3A_262 : i32
      %get3A_264 = arith.index_cast %mul3A_263 : i32 to index
      %get3A_265 = tpu.vector_load %arg16[%get3A_264] {strides = array<i32>} : memref<1024xf32, #tpu.memory_space<vmem>>, vector<16xf32>,
      %get3A_266 = vector.shape_cast %get3A_265 : vector<16xf32> to vector<16xf32>
      %mul3A_267 = arith.constant 4 : i32
      %mul3A_268 = arith.muli %scan3A_257, %mul3A_267 : i32
      %add3A_269 = arith.constant 1 : i32
      %add3A_270 = arith.addi %mul3A_268, %add3A_269 : i32
      %mul3A_271 = arith.constant 16 : i32
      %mul3A_272 = arith.muli %add3A_270, %mul3A_271 : i32
      %get3A_273 = arith.index_cast %mul3A_272 : i32 to index
      %get3A_274 = tpu.vector_load %arg16[%get3A_273] {strides = array<i32>} : memref<1024xf32, #tpu.memory_space<vmem>>, vector<16xf32>,
      %get3A_275 = vector.shape_cast %get3A_274 : vector<16xf32> to vector<16xf32>
      %mul3A_276 = arith.constant 4 : i32
      %mul3A_277 = arith.muli %scan3A_257, %mul3A_276 : i32
      %add3A_278 = arith.constant 2 : i32
      %add3A_279 = arith.addi %mul3A_277, %add3A_278 : i32
      %mul3A_280 = arith.constant 16 : i32
      %mul3A_281 = arith.muli %add3A_279, %mul3A_280 : i32
      %get3A_282 = arith.index_cast %mul3A_281 : i32 to index
      %get3A_283 = tpu.vector_load %arg16[%get3A_282] {strides = array<i32>} : memref<1024xf32, #tpu.memory_space<vmem>>, vector<16xf32>,
      %get3A_284 = vector.shape_cast %get3A_283 : vector<16xf32> to vector<16xf32>
      %mul3A_285 = arith.constant 4 : i32
      %mul3A_286 = arith.muli %scan3A_257, %mul3A_285 : i32
      %add3A_287 = arith.constant 3 : i32
      %add3A_288 = arith.addi %mul3A_286, %add3A_287 : i32
      %mul3A_289 = arith.constant 16 : i32
      %mul3A_290 = arith.muli %add3A_288, %mul3A_289 : i32
      %get3A_291 = arith.index_cast %mul3A_290 : i32 to index
      %get3A_292 = tpu.vector_load %arg16[%get3A_291] {strides = array<i32>} : memref<1024xf32, #tpu.memory_space<vmem>>, vector<16xf32>,
      %get3A_293 = vector.shape_cast %get3A_292 : vector<16xf32> to vector<16xf32>
      %parallel_loop3A = arith.constant 0 : i32
      %parallel_loop3A_294 = arith.constant 16 : i32
      %parallel_loop3A_295 = arith.constant 1 : i32
      scf.for %parallel_loop3A_296 = %parallel_loop3A to %parallel_loop3A_294 step %parallel_loop3A_295  : i32 {
        %parallel_loop3A_297 = arith.constant 4 : i32
        %parallel_loop3A_298 = arith.muli %scan3A_257, %parallel_loop3A_297 : i32
        %parallel_loop3A_299 = arith.constant 0 : i32
        %parallel_loop3A_300 = arith.addi %parallel_loop3A_298, %parallel_loop3A_299 : i32
        %parallel_loop3A_301 = arith.constant 16 : i32
        %parallel_loop3A_302 = arith.muli %parallel_loop3A_300, %parallel_loop3A_301 : i32
        %parallel_loop3A_303 = arith.index_cast %parallel_loop3A_296 : i32 to index
        %parallel_loop3A_304 = arith.index_cast %parallel_loop3A_302 : i32 to index
        %parallel_loop3A_305 = tpu.vector_load %arg10[%parallel_loop3A_303, %parallel_loop3A_304] {strides = array<i32>} : memref<16x1024xf32, #tpu.memory_space<vmem>>, vector<1x16xf32>,
        %parallel_loop3A_306 = vector.shape_cast %parallel_loop3A_305 : vector<1x16xf32> to vector<16xf32>
        %parallel_loop3A_307 = arith.mulf %parallel_loop3A_306, %get3A_40 : vector<16xf32>
        %parallel_loop3A_308 = arith.addf %parallel_loop3A_307, %get3A_266 : vector<16xf32>
        %parallel_loop3A_309 = arith.index_cast %parallel_loop3A_296 : i32 to index
        %parallel_loop3A_310 = arith.index_cast %parallel_loop3A_302 : i32 to index
        %parallel_loop3A_311 = tpu.vector_load %arg13[%parallel_loop3A_309, %parallel_loop3A_310] {strides = array<i32>} : memref<16x1024xf32, #tpu.memory_space<vmem>>, vector<1x16xf32>,
        %parallel_loop3A_312 = vector.shape_cast %parallel_loop3A_311 : vector<1x16xf32> to vector<16xf32>
        %parallel_loop3A_313 = vector.shape_cast %parallel_loop3A_308 : vector<16xf32> to vector<1x16xf32>
        tpu.vector_store %arg13[%parallel_loop3A_309, %parallel_loop3A_310], %parallel_loop3A_313 {strides = array<i32>} : memref<16x1024xf32, #tpu.memory_space<vmem>>, vector<1x16xf32>,
        %parallel_loop3A_314 = arith.constant 4 : i32
        %parallel_loop3A_315 = arith.muli %scan3A_257, %parallel_loop3A_314 : i32
        %parallel_loop3A_316 = arith.constant 1 : i32
        %parallel_loop3A_317 = arith.addi %parallel_loop3A_315, %parallel_loop3A_316 : i32
        %parallel_loop3A_318 = arith.constant 16 : i32
        %parallel_loop3A_319 = arith.muli %parallel_loop3A_317, %parallel_loop3A_318 : i32
        %parallel_loop3A_320 = arith.index_cast %parallel_loop3A_296 : i32 to index
        %parallel_loop3A_321 = arith.index_cast %parallel_loop3A_319 : i32 to index
        %parallel_loop3A_322 = tpu.vector_load %arg10[%parallel_loop3A_320, %parallel_loop3A_321] {strides = array<i32>} : memref<16x1024xf32, #tpu.memory_space<vmem>>, vector<1x16xf32>,
        %parallel_loop3A_323 = vector.shape_cast %parallel_loop3A_322 : vector<1x16xf32> to vector<16xf32>
        %parallel_loop3A_324 = arith.mulf %parallel_loop3A_323, %get3A_40 : vector<16xf32>
        %parallel_loop3A_325 = arith.addf %parallel_loop3A_324, %get3A_275 : vector<16xf32>
        %parallel_loop3A_326 = arith.index_cast %parallel_loop3A_296 : i32 to index
        %parallel_loop3A_327 = arith.index_cast %parallel_loop3A_319 : i32 to index
        %parallel_loop3A_328 = tpu.vector_load %arg13[%parallel_loop3A_326, %parallel_loop3A_327] {strides = array<i32>} : memref<16x1024xf32, #tpu.memory_space<vmem>>, vector<1x16xf32>,
        %parallel_loop3A_329 = vector.shape_cast %parallel_loop3A_328 : vector<1x16xf32> to vector<16xf32>
        %parallel_loop3A_330 = vector.shape_cast %parallel_loop3A_325 : vector<16xf32> to vector<1x16xf32>
        tpu.vector_store %arg13[%parallel_loop3A_326, %parallel_loop3A_327], %parallel_loop3A_330 {strides = array<i32>} : memref<16x1024xf32, #tpu.memory_space<vmem>>, vector<1x16xf32>,
        %parallel_loop3A_331 = arith.constant 4 : i32
        %parallel_loop3A_332 = arith.muli %scan3A_257, %parallel_loop3A_331 : i32
        %parallel_loop3A_333 = arith.constant 2 : i32
        %parallel_loop3A_334 = arith.addi %parallel_loop3A_332, %parallel_loop3A_333 : i32
        %parallel_loop3A_335 = arith.constant 16 : i32
        %parallel_loop3A_336 = arith.muli %parallel_loop3A_334, %parallel_loop3A_335 : i32
        %parallel_loop3A_337 = arith.index_cast %parallel_loop3A_296 : i32 to index
        %parallel_loop3A_338 = arith.index_cast %parallel_loop3A_336 : i32 to index
        %parallel_loop3A_339 = tpu.vector_load %arg10[%parallel_loop3A_337, %parallel_loop3A_338] {strides = array<i32>} : memref<16x1024xf32, #tpu.memory_space<vmem>>, vector<1x16xf32>,
        %parallel_loop3A_340 = vector.shape_cast %parallel_loop3A_339 : vector<1x16xf32> to vector<16xf32>
        %parallel_loop3A_341 = arith.mulf %parallel_loop3A_340, %get3A_40 : vector<16xf32>
        %parallel_loop3A_342 = arith.addf %parallel_loop3A_341, %get3A_284 : vector<16xf32>
        %parallel_loop3A_343 = arith.index_cast %parallel_loop3A_296 : i32 to index
        %parallel_loop3A_344 = arith.index_cast %parallel_loop3A_336 : i32 to index
        %parallel_loop3A_345 = tpu.vector_load %arg13[%parallel_loop3A_343, %parallel_loop3A_344] {strides = array<i32>} : memref<16x1024xf32, #tpu.memory_space<vmem>>, vector<1x16xf32>,
        %parallel_loop3A_346 = vector.shape_cast %parallel_loop3A_345 : vector<1x16xf32> to vector<16xf32>
        %parallel_loop3A_347 = vector.shape_cast %parallel_loop3A_342 : vector<16xf32> to vector<1x16xf32>
        tpu.vector_store %arg13[%parallel_loop3A_343, %parallel_loop3A_344], %parallel_loop3A_347 {strides = array<i32>} : memref<16x1024xf32, #tpu.memory_space<vmem>>, vector<1x16xf32>,
        %parallel_loop3A_348 = arith.constant 4 : i32
        %parallel_loop3A_349 = arith.muli %scan3A_257, %parallel_loop3A_348 : i32
        %parallel_loop3A_350 = arith.constant 3 : i32
        %parallel_loop3A_351 = arith.addi %parallel_loop3A_349, %parallel_loop3A_350 : i32
        %parallel_loop3A_352 = arith.constant 16 : i32
        %parallel_loop3A_353 = arith.muli %parallel_loop3A_351, %parallel_loop3A_352 : i32
        %parallel_loop3A_354 = arith.index_cast %parallel_loop3A_296 : i32 to index
        %parallel_loop3A_355 = arith.index_cast %parallel_loop3A_353 : i32 to index
        %parallel_loop3A_356 = tpu.vector_load %arg10[%parallel_loop3A_354, %parallel_loop3A_355] {strides = array<i32>} : memref<16x1024xf32, #tpu.memory_space<vmem>>, vector<1x16xf32>,
        %parallel_loop3A_357 = vector.shape_cast %parallel_loop3A_356 : vector<1x16xf32> to vector<16xf32>
        %parallel_loop3A_358 = arith.mulf %parallel_loop3A_357, %get3A_40 : vector<16xf32>
        %parallel_loop3A_359 = arith.addf %parallel_loop3A_358, %get3A_293 : vector<16xf32>
        %parallel_loop3A_360 = arith.index_cast %parallel_loop3A_296 : i32 to index
        %parallel_loop3A_361 = arith.index_cast %parallel_loop3A_353 : i32 to index
        %parallel_loop3A_362 = tpu.vector_load %arg13[%parallel_loop3A_360, %parallel_loop3A_361] {strides = array<i32>} : memref<16x1024xf32, #tpu.memory_space<vmem>>, vector<1x16xf32>,
        %parallel_loop3A_363 = vector.shape_cast %parallel_loop3A_362 : vector<1x16xf32> to vector<16xf32>
        %parallel_loop3A_364 = vector.shape_cast %parallel_loop3A_359 : vector<16xf32> to vector<1x16xf32>
        tpu.vector_store %arg13[%parallel_loop3A_360, %parallel_loop3A_361], %parallel_loop3A_364 {strides = array<i32>} : memref<16x1024xf32, #tpu.memory_space<vmem>>, vector<1x16xf32>,
      } {sc.loop_unroll_factor = 2 : i64, sc.parallel_access}
    }
    %scan3A_120 = arith.constant 16 : i32
    %add3A_121 = arith.constant 32 : i32
    %add3A_122 = arith.addi %mul3A_2, %add3A_121 : i32
    %dma_start3A_123 = arith.constant 0 : i32
    %dma_start3A_124 = tpu.memref_slice %arg6[%add3A_122, %dma_start3A_123] : memref<4096x1024xf32, #tpu.memory_space<hbm>> -> memref<16x1024xf32, #tpu.memory_space<hbm>>
    %dma_start3A_125 = arith.constant 0 : i32
    %dma_start3A_126 = tpu.memref_slice %arg6[%add3A_122, %dma_start3A_125] : memref<4096x1024xf32, #tpu.memory_space<hbm>> -> memref<16x1024xf32, #tpu.memory_space<hbm>>
    tpu.enqueue_dma source(%arg13 : memref<16x1024xf32, #tpu.memory_space<vmem>>) target(%dma_start3A_126 : memref<16x1024xf32, #tpu.memory_space<hbm>>) target_semaphore(%arg23 : memref<!tpu.dma_semaphore, #tpu.memory_space<semaphore_mem>>)
    %dma_start3A_127 = arith.constant 3 : i32
    %dma_start3A_128 = arith.constant 16 : i32
    %dma_start3A_129 = tpu.memref_slice %arg7[%dma_start3A_127, %dma_start3A_128] : memref<4x32xi32, #tpu.memory_space<vmem>> -> memref<1x16xi32, #tpu.memory_space<vmem>>
    %dma_start3A_130 = tpu.memref_squeeze %dma_start3A_129 : memref<1x16xi32, #tpu.memory_space<vmem>> -> memref<16xi32, #tpu.memory_space<vmem>>
    %dma_start3A_131 = arith.constant 0 : i32
    %dma_start3A_132 = arith.constant 0 : i32
    %dma_start3A_133 = tpu.memref_slice %arg2[%dma_start3A_131, %dma_start3A_132] : memref<100000x1024xf32, #tpu.memory_space<hbm>> -> memref<100000x1024xf32, #tpu.memory_space<hbm>>
    tpu.enqueue_indirect_dma source(%dma_start3A_133 : memref<100000x1024xf32, #tpu.memory_space<hbm>>) target(%arg10 : memref<16x1024xf32, #tpu.memory_space<vmem>>) offsets(%dma_start3A_130 : memref<16xi32, #tpu.memory_space<vmem>>) semaphore(%arg20 : memref<!tpu.dma_semaphore, #tpu.memory_space<semaphore_mem>>)
    %dma_wait3A_134 = arith.constant 1 : i32
    %dma_wait3A_135 = arith.constant 16 : i32
    %dma_wait3A_136 = tpu.memref_slice %arg7[%dma_wait3A_134, %dma_wait3A_135] : memref<4x32xi32, #tpu.memory_space<vmem>> -> memref<1x16xi32, #tpu.memory_space<vmem>>
    %dma_wait3A_137 = tpu.memref_squeeze %dma_wait3A_136 : memref<1x16xi32, #tpu.memory_space<vmem>> -> memref<16xi32, #tpu.memory_space<vmem>>
    %dma_wait3A_138 = arith.constant 0 : i32
    %dma_wait3A_139 = arith.constant 0 : i32
    %dma_wait3A_140 = tpu.memref_slice %arg2[%dma_wait3A_138, %dma_wait3A_139] : memref<100000x1024xf32, #tpu.memory_space<hbm>> -> memref<100000x1024xf32, #tpu.memory_space<hbm>>
    tpu.wait_indirect_dma semaphore(%arg21 : memref<!tpu.dma_semaphore, #tpu.memory_space<semaphore_mem>>) src(%dma_wait3A_140 : memref<100000x1024xf32, #tpu.memory_space<hbm>>) dst(%arg11 : memref<16x1024xf32, #tpu.memory_space<vmem>>)
    %dma_wait3A_141 = arith.constant 0 : i32
    %dma_wait3A_142 = tpu.memref_slice %arg6[%add3A_92, %dma_wait3A_141] : memref<4096x1024xf32, #tpu.memory_space<hbm>> -> memref<16x1024xf32, #tpu.memory_space<hbm>>
    %dma_wait3A_143 = arith.constant 0 : i32
    %dma_wait3A_144 = tpu.memref_slice %arg6[%add3A_92, %dma_wait3A_143] : memref<4096x1024xf32, #tpu.memory_space<hbm>> -> memref<16x1024xf32, #tpu.memory_space<hbm>>
    tpu.wait_dma2 semaphore(%arg24 : memref<!tpu.dma_semaphore, #tpu.memory_space<semaphore_mem>>) src(%arg14 : memref<16x1024xf32, #tpu.memory_space<vmem>>) dst(%dma_wait3A_144 : memref<16x1024xf32, #tpu.memory_space<hbm>>)
    %scan3A_145 = arith.constant 0 : i32
    %scan3A_146 = arith.constant 0 : i32
    %scan3A_147 = arith.constant 16 : i32
    %scan3A_148 = arith.addi %scan3A_146, %scan3A_147 : i32
    %scan3A_149 = arith.constant 1 : i32
    scf.for %scan3A_257 = %scan3A_146 to %scan3A_148 step %scan3A_149  : i32 {
      %mul3A_258 = arith.constant 4 : i32
      %mul3A_259 = arith.muli %scan3A_257, %mul3A_258 : i32
      %add3A_260 = arith.constant 0 : i32
      %add3A_261 = arith.addi %mul3A_259, %add3A_260 : i32
      %mul3A_262 = arith.constant 16 : i32
      %mul3A_263 = arith.muli %add3A_261, %mul3A_262 : i32
      %get3A_264 = arith.index_cast %mul3A_263 : i32 to index
      %get3A_265 = tpu.vector_load %arg16[%get3A_264] {strides = array<i32>} : memref<1024xf32, #tpu.memory_space<vmem>>, vector<16xf32>,
      %get3A_266 = vector.shape_cast %get3A_265 : vector<16xf32> to vector<16xf32>
      %mul3A_267 = arith.constant 4 : i32
      %mul3A_268 = arith.muli %scan3A_257, %mul3A_267 : i32
      %add3A_269 = arith.constant 1 : i32
      %add3A_270 = arith.addi %mul3A_268, %add3A_269 : i32
      %mul3A_271 = arith.constant 16 : i32
      %mul3A_272 = arith.muli %add3A_270, %mul3A_271 : i32
      %get3A_273 = arith.index_cast %mul3A_272 : i32 to index
      %get3A_274 = tpu.vector_load %arg16[%get3A_273] {strides = array<i32>} : memref<1024xf32, #tpu.memory_space<vmem>>, vector<16xf32>,
      %get3A_275 = vector.shape_cast %get3A_274 : vector<16xf32> to vector<16xf32>
      %mul3A_276 = arith.constant 4 : i32
      %mul3A_277 = arith.muli %scan3A_257, %mul3A_276 : i32
      %add3A_278 = arith.constant 2 : i32
      %add3A_279 = arith.addi %mul3A_277, %add3A_278 : i32
      %mul3A_280 = arith.constant 16 : i32
      %mul3A_281 = arith.muli %add3A_279, %mul3A_280 : i32
      %get3A_282 = arith.index_cast %mul3A_281 : i32 to index
      %get3A_283 = tpu.vector_load %arg16[%get3A_282] {strides = array<i32>} : memref<1024xf32, #tpu.memory_space<vmem>>, vector<16xf32>,
      %get3A_284 = vector.shape_cast %get3A_283 : vector<16xf32> to vector<16xf32>
      %mul3A_285 = arith.constant 4 : i32
      %mul3A_286 = arith.muli %scan3A_257, %mul3A_285 : i32
      %add3A_287 = arith.constant 3 : i32
      %add3A_288 = arith.addi %mul3A_286, %add3A_287 : i32
      %mul3A_289 = arith.constant 16 : i32
      %mul3A_290 = arith.muli %add3A_288, %mul3A_289 : i32
      %get3A_291 = arith.index_cast %mul3A_290 : i32 to index
      %get3A_292 = tpu.vector_load %arg16[%get3A_291] {strides = array<i32>} : memref<1024xf32, #tpu.memory_space<vmem>>, vector<16xf32>,
      %get3A_293 = vector.shape_cast %get3A_292 : vector<16xf32> to vector<16xf32>
      %parallel_loop3A = arith.constant 0 : i32
      %parallel_loop3A_294 = arith.constant 16 : i32
      %parallel_loop3A_295 = arith.constant 1 : i32
      scf.for %parallel_loop3A_296 = %parallel_loop3A to %parallel_loop3A_294 step %parallel_loop3A_295  : i32 {
        %parallel_loop3A_297 = arith.constant 4 : i32
        %parallel_loop3A_298 = arith.muli %scan3A_257, %parallel_loop3A_297 : i32
        %parallel_loop3A_299 = arith.constant 0 : i32
        %parallel_loop3A_300 = arith.addi %parallel_loop3A_298, %parallel_loop3A_299 : i32
        %parallel_loop3A_301 = arith.constant 16 : i32
        %parallel_loop3A_302 = arith.muli %parallel_loop3A_300, %parallel_loop3A_301 : i32
        %parallel_loop3A_303 = arith.index_cast %parallel_loop3A_296 : i32 to index
        %parallel_loop3A_304 = arith.index_cast %parallel_loop3A_302 : i32 to index
        %parallel_loop3A_305 = tpu.vector_load %arg11[%parallel_loop3A_303, %parallel_loop3A_304] {strides = array<i32>} : memref<16x1024xf32, #tpu.memory_space<vmem>>, vector<1x16xf32>,
        %parallel_loop3A_306 = vector.shape_cast %parallel_loop3A_305 : vector<1x16xf32> to vector<16xf32>
        %parallel_loop3A_307 = arith.mulf %parallel_loop3A_306, %get3A_40 : vector<16xf32>
        %parallel_loop3A_308 = arith.addf %parallel_loop3A_307, %get3A_266 : vector<16xf32>
        %parallel_loop3A_309 = arith.index_cast %parallel_loop3A_296 : i32 to index
        %parallel_loop3A_310 = arith.index_cast %parallel_loop3A_302 : i32 to index
        %parallel_loop3A_311 = tpu.vector_load %arg14[%parallel_loop3A_309, %parallel_loop3A_310] {strides = array<i32>} : memref<16x1024xf32, #tpu.memory_space<vmem>>, vector<1x16xf32>,
        %parallel_loop3A_312 = vector.shape_cast %parallel_loop3A_311 : vector<1x16xf32> to vector<16xf32>
        %parallel_loop3A_313 = vector.shape_cast %parallel_loop3A_308 : vector<16xf32> to vector<1x16xf32>
        tpu.vector_store %arg14[%parallel_loop3A_309, %parallel_loop3A_310], %parallel_loop3A_313 {strides = array<i32>} : memref<16x1024xf32, #tpu.memory_space<vmem>>, vector<1x16xf32>,
        %parallel_loop3A_314 = arith.constant 4 : i32
        %parallel_loop3A_315 = arith.muli %scan3A_257, %parallel_loop3A_314 : i32
        %parallel_loop3A_316 = arith.constant 1 : i32
        %parallel_loop3A_317 = arith.addi %parallel_loop3A_315, %parallel_loop3A_316 : i32
        %parallel_loop3A_318 = arith.constant 16 : i32
        %parallel_loop3A_319 = arith.muli %parallel_loop3A_317, %parallel_loop3A_318 : i32
        %parallel_loop3A_320 = arith.index_cast %parallel_loop3A_296 : i32 to index
        %parallel_loop3A_321 = arith.index_cast %parallel_loop3A_319 : i32 to index
        %parallel_loop3A_322 = tpu.vector_load %arg11[%parallel_loop3A_320, %parallel_loop3A_321] {strides = array<i32>} : memref<16x1024xf32, #tpu.memory_space<vmem>>, vector<1x16xf32>,
        %parallel_loop3A_323 = vector.shape_cast %parallel_loop3A_322 : vector<1x16xf32> to vector<16xf32>
        %parallel_loop3A_324 = arith.mulf %parallel_loop3A_323, %get3A_40 : vector<16xf32>
        %parallel_loop3A_325 = arith.addf %parallel_loop3A_324, %get3A_275 : vector<16xf32>
        %parallel_loop3A_326 = arith.index_cast %parallel_loop3A_296 : i32 to index
        %parallel_loop3A_327 = arith.index_cast %parallel_loop3A_319 : i32 to index
        %parallel_loop3A_328 = tpu.vector_load %arg14[%parallel_loop3A_326, %parallel_loop3A_327] {strides = array<i32>} : memref<16x1024xf32, #tpu.memory_space<vmem>>, vector<1x16xf32>,
        %parallel_loop3A_329 = vector.shape_cast %parallel_loop3A_328 : vector<1x16xf32> to vector<16xf32>
        %parallel_loop3A_330 = vector.shape_cast %parallel_loop3A_325 : vector<16xf32> to vector<1x16xf32>
        tpu.vector_store %arg14[%parallel_loop3A_326, %parallel_loop3A_327], %parallel_loop3A_330 {strides = array<i32>} : memref<16x1024xf32, #tpu.memory_space<vmem>>, vector<1x16xf32>,
        %parallel_loop3A_331 = arith.constant 4 : i32
        %parallel_loop3A_332 = arith.muli %scan3A_257, %parallel_loop3A_331 : i32
        %parallel_loop3A_333 = arith.constant 2 : i32
        %parallel_loop3A_334 = arith.addi %parallel_loop3A_332, %parallel_loop3A_333 : i32
        %parallel_loop3A_335 = arith.constant 16 : i32
        %parallel_loop3A_336 = arith.muli %parallel_loop3A_334, %parallel_loop3A_335 : i32
        %parallel_loop3A_337 = arith.index_cast %parallel_loop3A_296 : i32 to index
        %parallel_loop3A_338 = arith.index_cast %parallel_loop3A_336 : i32 to index
        %parallel_loop3A_339 = tpu.vector_load %arg11[%parallel_loop3A_337, %parallel_loop3A_338] {strides = array<i32>} : memref<16x1024xf32, #tpu.memory_space<vmem>>, vector<1x16xf32>,
        %parallel_loop3A_340 = vector.shape_cast %parallel_loop3A_339 : vector<1x16xf32> to vector<16xf32>
        %parallel_loop3A_341 = arith.mulf %parallel_loop3A_340, %get3A_40 : vector<16xf32>
        %parallel_loop3A_342 = arith.addf %parallel_loop3A_341, %get3A_284 : vector<16xf32>
        %parallel_loop3A_343 = arith.index_cast %parallel_loop3A_296 : i32 to index
        %parallel_loop3A_344 = arith.index_cast %parallel_loop3A_336 : i32 to index
        %parallel_loop3A_345 = tpu.vector_load %arg14[%parallel_loop3A_343, %parallel_loop3A_344] {strides = array<i32>} : memref<16x1024xf32, #tpu.memory_space<vmem>>, vector<1x16xf32>,
        %parallel_loop3A_346 = vector.shape_cast %parallel_loop3A_345 : vector<1x16xf32> to vector<16xf32>
        %parallel_loop3A_347 = vector.shape_cast %parallel_loop3A_342 : vector<16xf32> to vector<1x16xf32>
        tpu.vector_store %arg14[%parallel_loop3A_343, %parallel_loop3A_344], %parallel_loop3A_347 {strides = array<i32>} : memref<16x1024xf32, #tpu.memory_space<vmem>>, vector<1x16xf32>,
        %parallel_loop3A_348 = arith.constant 4 : i32
        %parallel_loop3A_349 = arith.muli %scan3A_257, %parallel_loop3A_348 : i32
        %parallel_loop3A_350 = arith.constant 3 : i32
        %parallel_loop3A_351 = arith.addi %parallel_loop3A_349, %parallel_loop3A_350 : i32
        %parallel_loop3A_352 = arith.constant 16 : i32
        %parallel_loop3A_353 = arith.muli %parallel_loop3A_351, %parallel_loop3A_352 : i32
        %parallel_loop3A_354 = arith.index_cast %parallel_loop3A_296 : i32 to index
        %parallel_loop3A_355 = arith.index_cast %parallel_loop3A_353 : i32 to index
        %parallel_loop3A_356 = tpu.vector_load %arg11[%parallel_loop3A_354, %parallel_loop3A_355] {strides = array<i32>} : memref<16x1024xf32, #tpu.memory_space<vmem>>, vector<1x16xf32>,
        %parallel_loop3A_357 = vector.shape_cast %parallel_loop3A_356 : vector<1x16xf32> to vector<16xf32>
        %parallel_loop3A_358 = arith.mulf %parallel_loop3A_357, %get3A_40 : vector<16xf32>
        %parallel_loop3A_359 = arith.addf %parallel_loop3A_358, %get3A_293 : vector<16xf32>
        %parallel_loop3A_360 = arith.index_cast %parallel_loop3A_296 : i32 to index
        %parallel_loop3A_361 = arith.index_cast %parallel_loop3A_353 : i32 to index
        %parallel_loop3A_362 = tpu.vector_load %arg14[%parallel_loop3A_360, %parallel_loop3A_361] {strides = array<i32>} : memref<16x1024xf32, #tpu.memory_space<vmem>>, vector<1x16xf32>,
        %parallel_loop3A_363 = vector.shape_cast %parallel_loop3A_362 : vector<1x16xf32> to vector<16xf32>
        %parallel_loop3A_364 = vector.shape_cast %parallel_loop3A_359 : vector<16xf32> to vector<1x16xf32>
        tpu.vector_store %arg14[%parallel_loop3A_360, %parallel_loop3A_361], %parallel_loop3A_364 {strides = array<i32>} : memref<16x1024xf32, #tpu.memory_space<vmem>>, vector<1x16xf32>,
      } {sc.loop_unroll_factor = 2 : i64, sc.parallel_access}
    }
    %scan3A_150 = arith.constant 16 : i32
    %add3A_151 = arith.constant 48 : i32
    %add3A_152 = arith.addi %mul3A_2, %add3A_151 : i32
    %dma_start3A_153 = arith.constant 0 : i32
    %dma_start3A_154 = tpu.memref_slice %arg6[%add3A_152, %dma_start3A_153] : memref<4096x1024xf32, #tpu.memory_space<hbm>> -> memref<16x1024xf32, #tpu.memory_space<hbm>>
    %dma_start3A_155 = arith.constant 0 : i32
    %dma_start3A_156 = tpu.memref_slice %arg6[%add3A_152, %dma_start3A_155] : memref<4096x1024xf32, #tpu.memory_space<hbm>> -> memref<16x1024xf32, #tpu.memory_space<hbm>>
    tpu.enqueue_dma source(%arg14 : memref<16x1024xf32, #tpu.memory_space<vmem>>) target(%dma_start3A_156 : memref<16x1024xf32, #tpu.memory_space<hbm>>) target_semaphore(%arg24 : memref<!tpu.dma_semaphore, #tpu.memory_space<semaphore_mem>>)
    %dma_wait3A_157 = arith.constant 2 : i32
    %dma_wait3A_158 = arith.constant 0 : i32
    %dma_wait3A_159 = tpu.memref_slice %arg7[%dma_wait3A_157, %dma_wait3A_158] : memref<4x32xi32, #tpu.memory_space<vmem>> -> memref<1x16xi32, #tpu.memory_space<vmem>>
    %dma_wait3A_160 = tpu.memref_squeeze %dma_wait3A_159 : memref<1x16xi32, #tpu.memory_space<vmem>> -> memref<16xi32, #tpu.memory_space<vmem>>
    %dma_wait3A_161 = arith.constant 0 : i32
    %dma_wait3A_162 = arith.constant 0 : i32
    %dma_wait3A_163 = tpu.memref_slice %arg2[%dma_wait3A_161, %dma_wait3A_162] : memref<100000x1024xf32, #tpu.memory_space<hbm>> -> memref<100000x1024xf32, #tpu.memory_space<hbm>>
    tpu.wait_indirect_dma semaphore(%arg22 : memref<!tpu.dma_semaphore, #tpu.memory_space<semaphore_mem>>) src(%dma_wait3A_163 : memref<100000x1024xf32, #tpu.memory_space<hbm>>) dst(%arg12 : memref<16x1024xf32, #tpu.memory_space<vmem>>)
    %dma_wait3A_164 = arith.constant 0 : i32
    %dma_wait3A_165 = tpu.memref_slice %arg6[%add3A_122, %dma_wait3A_164] : memref<4096x1024xf32, #tpu.memory_space<hbm>> -> memref<16x1024xf32, #tpu.memory_space<hbm>>
    %dma_wait3A_166 = arith.constant 0 : i32
    %dma_wait3A_167 = tpu.memref_slice %arg6[%add3A_122, %dma_wait3A_166] : memref<4096x1024xf32, #tpu.memory_space<hbm>> -> memref<16x1024xf32, #tpu.memory_space<hbm>>
    tpu.wait_dma2 semaphore(%arg23 : memref<!tpu.dma_semaphore, #tpu.memory_space<semaphore_mem>>) src(%arg13 : memref<16x1024xf32, #tpu.memory_space<vmem>>) dst(%dma_wait3A_167 : memref<16x1024xf32, #tpu.memory_space<hbm>>)
    %scan3A_168 = arith.constant 0 : i32
    %scan3A_169 = arith.constant 0 : i32
    %scan3A_170 = arith.constant 16 : i32
    %scan3A_171 = arith.addi %scan3A_169, %scan3A_170 : i32
    %scan3A_172 = arith.constant 1 : i32
    scf.for %scan3A_257 = %scan3A_169 to %scan3A_171 step %scan3A_172  : i32 {
      %mul3A_258 = arith.constant 4 : i32
      %mul3A_259 = arith.muli %scan3A_257, %mul3A_258 : i32
      %add3A_260 = arith.constant 0 : i32
      %add3A_261 = arith.addi %mul3A_259, %add3A_260 : i32
      %mul3A_262 = arith.constant 16 : i32
      %mul3A_263 = arith.muli %add3A_261, %mul3A_262 : i32
      %get3A_264 = arith.index_cast %mul3A_263 : i32 to index
      %get3A_265 = tpu.vector_load %arg16[%get3A_264] {strides = array<i32>} : memref<1024xf32, #tpu.memory_space<vmem>>, vector<16xf32>,
      %get3A_266 = vector.shape_cast %get3A_265 : vector<16xf32> to vector<16xf32>
      %mul3A_267 = arith.constant 4 : i32
      %mul3A_268 = arith.muli %scan3A_257, %mul3A_267 : i32
      %add3A_269 = arith.constant 1 : i32
      %add3A_270 = arith.addi %mul3A_268, %add3A_269 : i32
      %mul3A_271 = arith.constant 16 : i32
      %mul3A_272 = arith.muli %add3A_270, %mul3A_271 : i32
      %get3A_273 = arith.index_cast %mul3A_272 : i32 to index
      %get3A_274 = tpu.vector_load %arg16[%get3A_273] {strides = array<i32>} : memref<1024xf32, #tpu.memory_space<vmem>>, vector<16xf32>,
      %get3A_275 = vector.shape_cast %get3A_274 : vector<16xf32> to vector<16xf32>
      %mul3A_276 = arith.constant 4 : i32
      %mul3A_277 = arith.muli %scan3A_257, %mul3A_276 : i32
      %add3A_278 = arith.constant 2 : i32
      %add3A_279 = arith.addi %mul3A_277, %add3A_278 : i32
      %mul3A_280 = arith.constant 16 : i32
      %mul3A_281 = arith.muli %add3A_279, %mul3A_280 : i32
      %get3A_282 = arith.index_cast %mul3A_281 : i32 to index
      %get3A_283 = tpu.vector_load %arg16[%get3A_282] {strides = array<i32>} : memref<1024xf32, #tpu.memory_space<vmem>>, vector<16xf32>,
      %get3A_284 = vector.shape_cast %get3A_283 : vector<16xf32> to vector<16xf32>
      %mul3A_285 = arith.constant 4 : i32
      %mul3A_286 = arith.muli %scan3A_257, %mul3A_285 : i32
      %add3A_287 = arith.constant 3 : i32
      %add3A_288 = arith.addi %mul3A_286, %add3A_287 : i32
      %mul3A_289 = arith.constant 16 : i32
      %mul3A_290 = arith.muli %add3A_288, %mul3A_289 : i32
      %get3A_291 = arith.index_cast %mul3A_290 : i32 to index
      %get3A_292 = tpu.vector_load %arg16[%get3A_291] {strides = array<i32>} : memref<1024xf32, #tpu.memory_space<vmem>>, vector<16xf32>,
      %get3A_293 = vector.shape_cast %get3A_292 : vector<16xf32> to vector<16xf32>
      %parallel_loop3A = arith.constant 0 : i32
      %parallel_loop3A_294 = arith.constant 16 : i32
      %parallel_loop3A_295 = arith.constant 1 : i32
      scf.for %parallel_loop3A_296 = %parallel_loop3A to %parallel_loop3A_294 step %parallel_loop3A_295  : i32 {
        %parallel_loop3A_297 = arith.constant 4 : i32
        %parallel_loop3A_298 = arith.muli %scan3A_257, %parallel_loop3A_297 : i32
        %parallel_loop3A_299 = arith.constant 0 : i32
        %parallel_loop3A_300 = arith.addi %parallel_loop3A_298, %parallel_loop3A_299 : i32
        %parallel_loop3A_301 = arith.constant 16 : i32
        %parallel_loop3A_302 = arith.muli %parallel_loop3A_300, %parallel_loop3A_301 : i32
        %parallel_loop3A_303 = arith.index_cast %parallel_loop3A_296 : i32 to index
        %parallel_loop3A_304 = arith.index_cast %parallel_loop3A_302 : i32 to index
        %parallel_loop3A_305 = tpu.vector_load %arg12[%parallel_loop3A_303, %parallel_loop3A_304] {strides = array<i32>} : memref<16x1024xf32, #tpu.memory_space<vmem>>, vector<1x16xf32>,
        %parallel_loop3A_306 = vector.shape_cast %parallel_loop3A_305 : vector<1x16xf32> to vector<16xf32>
        %parallel_loop3A_307 = arith.mulf %parallel_loop3A_306, %get3A_40 : vector<16xf32>
        %parallel_loop3A_308 = arith.addf %parallel_loop3A_307, %get3A_266 : vector<16xf32>
        %parallel_loop3A_309 = arith.index_cast %parallel_loop3A_296 : i32 to index
        %parallel_loop3A_310 = arith.index_cast %parallel_loop3A_302 : i32 to index
        %parallel_loop3A_311 = tpu.vector_load %arg13[%parallel_loop3A_309, %parallel_loop3A_310] {strides = array<i32>} : memref<16x1024xf32, #tpu.memory_space<vmem>>, vector<1x16xf32>,
        %parallel_loop3A_312 = vector.shape_cast %parallel_loop3A_311 : vector<1x16xf32> to vector<16xf32>
        %parallel_loop3A_313 = vector.shape_cast %parallel_loop3A_308 : vector<16xf32> to vector<1x16xf32>
        tpu.vector_store %arg13[%parallel_loop3A_309, %parallel_loop3A_310], %parallel_loop3A_313 {strides = array<i32>} : memref<16x1024xf32, #tpu.memory_space<vmem>>, vector<1x16xf32>,
        %parallel_loop3A_314 = arith.constant 4 : i32
        %parallel_loop3A_315 = arith.muli %scan3A_257, %parallel_loop3A_314 : i32
        %parallel_loop3A_316 = arith.constant 1 : i32
        %parallel_loop3A_317 = arith.addi %parallel_loop3A_315, %parallel_loop3A_316 : i32
        %parallel_loop3A_318 = arith.constant 16 : i32
        %parallel_loop3A_319 = arith.muli %parallel_loop3A_317, %parallel_loop3A_318 : i32
        %parallel_loop3A_320 = arith.index_cast %parallel_loop3A_296 : i32 to index
        %parallel_loop3A_321 = arith.index_cast %parallel_loop3A_319 : i32 to index
        %parallel_loop3A_322 = tpu.vector_load %arg12[%parallel_loop3A_320, %parallel_loop3A_321] {strides = array<i32>} : memref<16x1024xf32, #tpu.memory_space<vmem>>, vector<1x16xf32>,
        %parallel_loop3A_323 = vector.shape_cast %parallel_loop3A_322 : vector<1x16xf32> to vector<16xf32>
        %parallel_loop3A_324 = arith.mulf %parallel_loop3A_323, %get3A_40 : vector<16xf32>
        %parallel_loop3A_325 = arith.addf %parallel_loop3A_324, %get3A_275 : vector<16xf32>
        %parallel_loop3A_326 = arith.index_cast %parallel_loop3A_296 : i32 to index
        %parallel_loop3A_327 = arith.index_cast %parallel_loop3A_319 : i32 to index
        %parallel_loop3A_328 = tpu.vector_load %arg13[%parallel_loop3A_326, %parallel_loop3A_327] {strides = array<i32>} : memref<16x1024xf32, #tpu.memory_space<vmem>>, vector<1x16xf32>,
        %parallel_loop3A_329 = vector.shape_cast %parallel_loop3A_328 : vector<1x16xf32> to vector<16xf32>
        %parallel_loop3A_330 = vector.shape_cast %parallel_loop3A_325 : vector<16xf32> to vector<1x16xf32>
        tpu.vector_store %arg13[%parallel_loop3A_326, %parallel_loop3A_327], %parallel_loop3A_330 {strides = array<i32>} : memref<16x1024xf32, #tpu.memory_space<vmem>>, vector<1x16xf32>,
        %parallel_loop3A_331 = arith.constant 4 : i32
        %parallel_loop3A_332 = arith.muli %scan3A_257, %parallel_loop3A_331 : i32
        %parallel_loop3A_333 = arith.constant 2 : i32
        %parallel_loop3A_334 = arith.addi %parallel_loop3A_332, %parallel_loop3A_333 : i32
        %parallel_loop3A_335 = arith.constant 16 : i32
        %parallel_loop3A_336 = arith.muli %parallel_loop3A_334, %parallel_loop3A_335 : i32
        %parallel_loop3A_337 = arith.index_cast %parallel_loop3A_296 : i32 to index
        %parallel_loop3A_338 = arith.index_cast %parallel_loop3A_336 : i32 to index
        %parallel_loop3A_339 = tpu.vector_load %arg12[%parallel_loop3A_337, %parallel_loop3A_338] {strides = array<i32>} : memref<16x1024xf32, #tpu.memory_space<vmem>>, vector<1x16xf32>,
        %parallel_loop3A_340 = vector.shape_cast %parallel_loop3A_339 : vector<1x16xf32> to vector<16xf32>
        %parallel_loop3A_341 = arith.mulf %parallel_loop3A_340, %get3A_40 : vector<16xf32>
        %parallel_loop3A_342 = arith.addf %parallel_loop3A_341, %get3A_284 : vector<16xf32>
        %parallel_loop3A_343 = arith.index_cast %parallel_loop3A_296 : i32 to index
        %parallel_loop3A_344 = arith.index_cast %parallel_loop3A_336 : i32 to index
        %parallel_loop3A_345 = tpu.vector_load %arg13[%parallel_loop3A_343, %parallel_loop3A_344] {strides = array<i32>} : memref<16x1024xf32, #tpu.memory_space<vmem>>, vector<1x16xf32>,
        %parallel_loop3A_346 = vector.shape_cast %parallel_loop3A_345 : vector<1x16xf32> to vector<16xf32>
        %parallel_loop3A_347 = vector.shape_cast %parallel_loop3A_342 : vector<16xf32> to vector<1x16xf32>
        tpu.vector_store %arg13[%parallel_loop3A_343, %parallel_loop3A_344], %parallel_loop3A_347 {strides = array<i32>} : memref<16x1024xf32, #tpu.memory_space<vmem>>, vector<1x16xf32>,
        %parallel_loop3A_348 = arith.constant 4 : i32
        %parallel_loop3A_349 = arith.muli %scan3A_257, %parallel_loop3A_348 : i32
        %parallel_loop3A_350 = arith.constant 3 : i32
        %parallel_loop3A_351 = arith.addi %parallel_loop3A_349, %parallel_loop3A_350 : i32
        %parallel_loop3A_352 = arith.constant 16 : i32
        %parallel_loop3A_353 = arith.muli %parallel_loop3A_351, %parallel_loop3A_352 : i32
        %parallel_loop3A_354 = arith.index_cast %parallel_loop3A_296 : i32 to index
        %parallel_loop3A_355 = arith.index_cast %parallel_loop3A_353 : i32 to index
        %parallel_loop3A_356 = tpu.vector_load %arg12[%parallel_loop3A_354, %parallel_loop3A_355] {strides = array<i32>} : memref<16x1024xf32, #tpu.memory_space<vmem>>, vector<1x16xf32>,
        %parallel_loop3A_357 = vector.shape_cast %parallel_loop3A_356 : vector<1x16xf32> to vector<16xf32>
        %parallel_loop3A_358 = arith.mulf %parallel_loop3A_357, %get3A_40 : vector<16xf32>
        %parallel_loop3A_359 = arith.addf %parallel_loop3A_358, %get3A_293 : vector<16xf32>
        %parallel_loop3A_360 = arith.index_cast %parallel_loop3A_296 : i32 to index
        %parallel_loop3A_361 = arith.index_cast %parallel_loop3A_353 : i32 to index
        %parallel_loop3A_362 = tpu.vector_load %arg13[%parallel_loop3A_360, %parallel_loop3A_361] {strides = array<i32>} : memref<16x1024xf32, #tpu.memory_space<vmem>>, vector<1x16xf32>,
        %parallel_loop3A_363 = vector.shape_cast %parallel_loop3A_362 : vector<1x16xf32> to vector<16xf32>
        %parallel_loop3A_364 = vector.shape_cast %parallel_loop3A_359 : vector<16xf32> to vector<1x16xf32>
        tpu.vector_store %arg13[%parallel_loop3A_360, %parallel_loop3A_361], %parallel_loop3A_364 {strides = array<i32>} : memref<16x1024xf32, #tpu.memory_space<vmem>>, vector<1x16xf32>,
      } {sc.loop_unroll_factor = 2 : i64, sc.parallel_access}
    }
    %scan3A_173 = arith.constant 16 : i32
    %add3A_174 = arith.constant 64 : i32
    %add3A_175 = arith.addi %mul3A_2, %add3A_174 : i32
    %dma_start3A_176 = arith.constant 0 : i32
    %dma_start3A_177 = tpu.memref_slice %arg6[%add3A_175, %dma_start3A_176] : memref<4096x1024xf32, #tpu.memory_space<hbm>> -> memref<16x1024xf32, #tpu.memory_space<hbm>>
    %dma_start3A_178 = arith.constant 0 : i32
    %dma_start3A_179 = tpu.memref_slice %arg6[%add3A_175, %dma_start3A_178] : memref<4096x1024xf32, #tpu.memory_space<hbm>> -> memref<16x1024xf32, #tpu.memory_space<hbm>>
    tpu.enqueue_dma source(%arg13 : memref<16x1024xf32, #tpu.memory_space<vmem>>) target(%dma_start3A_179 : memref<16x1024xf32, #tpu.memory_space<hbm>>) target_semaphore(%arg23 : memref<!tpu.dma_semaphore, #tpu.memory_space<semaphore_mem>>)
    %dma_wait3A_180 = arith.constant 2 : i32
    %dma_wait3A_181 = arith.constant 16 : i32
    %dma_wait3A_182 = tpu.memref_slice %arg7[%dma_wait3A_180, %dma_wait3A_181] : memref<4x32xi32, #tpu.memory_space<vmem>> -> memref<1x16xi32, #tpu.memory_space<vmem>>
    %dma_wait3A_183 = tpu.memref_squeeze %dma_wait3A_182 : memref<1x16xi32, #tpu.memory_space<vmem>> -> memref<16xi32, #tpu.memory_space<vmem>>
    %dma_wait3A_184 = arith.constant 0 : i32
    %dma_wait3A_185 = arith.constant 0 : i32
    %dma_wait3A_186 = tpu.memref_slice %arg2[%dma_wait3A_184, %dma_wait3A_185] : memref<100000x1024xf32, #tpu.memory_space<hbm>> -> memref<100000x1024xf32, #tpu.memory_space<hbm>>
    tpu.wait_indirect_dma semaphore(%arg18 : memref<!tpu.dma_semaphore, #tpu.memory_space<semaphore_mem>>) src(%dma_wait3A_186 : memref<100000x1024xf32, #tpu.memory_space<hbm>>) dst(%arg8 : memref<16x1024xf32, #tpu.memory_space<vmem>>)
    %dma_wait3A_187 = arith.constant 0 : i32
    %dma_wait3A_188 = tpu.memref_slice %arg6[%add3A_152, %dma_wait3A_187] : memref<4096x1024xf32, #tpu.memory_space<hbm>> -> memref<16x1024xf32, #tpu.memory_space<hbm>>
    %dma_wait3A_189 = arith.constant 0 : i32
    %dma_wait3A_190 = tpu.memref_slice %arg6[%add3A_152, %dma_wait3A_189] : memref<4096x1024xf32, #tpu.memory_space<hbm>> -> memref<16x1024xf32, #tpu.memory_space<hbm>>
    tpu.wait_dma2 semaphore(%arg24 : memref<!tpu.dma_semaphore, #tpu.memory_space<semaphore_mem>>) src(%arg14 : memref<16x1024xf32, #tpu.memory_space<vmem>>) dst(%dma_wait3A_190 : memref<16x1024xf32, #tpu.memory_space<hbm>>)
    %scan3A_191 = arith.constant 0 : i32
    %scan3A_192 = arith.constant 0 : i32
    %scan3A_193 = arith.constant 16 : i32
    %scan3A_194 = arith.addi %scan3A_192, %scan3A_193 : i32
    %scan3A_195 = arith.constant 1 : i32
    scf.for %scan3A_257 = %scan3A_192 to %scan3A_194 step %scan3A_195  : i32 {
      %mul3A_258 = arith.constant 4 : i32
      %mul3A_259 = arith.muli %scan3A_257, %mul3A_258 : i32
      %add3A_260 = arith.constant 0 : i32
      %add3A_261 = arith.addi %mul3A_259, %add3A_260 : i32
      %mul3A_262 = arith.constant 16 : i32
      %mul3A_263 = arith.muli %add3A_261, %mul3A_262 : i32
      %get3A_264 = arith.index_cast %mul3A_263 : i32 to index
      %get3A_265 = tpu.vector_load %arg16[%get3A_264] {strides = array<i32>} : memref<1024xf32, #tpu.memory_space<vmem>>, vector<16xf32>,
      %get3A_266 = vector.shape_cast %get3A_265 : vector<16xf32> to vector<16xf32>
      %mul3A_267 = arith.constant 4 : i32
      %mul3A_268 = arith.muli %scan3A_257, %mul3A_267 : i32
      %add3A_269 = arith.constant 1 : i32
      %add3A_270 = arith.addi %mul3A_268, %add3A_269 : i32
      %mul3A_271 = arith.constant 16 : i32
      %mul3A_272 = arith.muli %add3A_270, %mul3A_271 : i32
      %get3A_273 = arith.index_cast %mul3A_272 : i32 to index
      %get3A_274 = tpu.vector_load %arg16[%get3A_273] {strides = array<i32>} : memref<1024xf32, #tpu.memory_space<vmem>>, vector<16xf32>,
      %get3A_275 = vector.shape_cast %get3A_274 : vector<16xf32> to vector<16xf32>
      %mul3A_276 = arith.constant 4 : i32
      %mul3A_277 = arith.muli %scan3A_257, %mul3A_276 : i32
      %add3A_278 = arith.constant 2 : i32
      %add3A_279 = arith.addi %mul3A_277, %add3A_278 : i32
      %mul3A_280 = arith.constant 16 : i32
      %mul3A_281 = arith.muli %add3A_279, %mul3A_280 : i32
      %get3A_282 = arith.index_cast %mul3A_281 : i32 to index
      %get3A_283 = tpu.vector_load %arg16[%get3A_282] {strides = array<i32>} : memref<1024xf32, #tpu.memory_space<vmem>>, vector<16xf32>,
      %get3A_284 = vector.shape_cast %get3A_283 : vector<16xf32> to vector<16xf32>
      %mul3A_285 = arith.constant 4 : i32
      %mul3A_286 = arith.muli %scan3A_257, %mul3A_285 : i32
      %add3A_287 = arith.constant 3 : i32
      %add3A_288 = arith.addi %mul3A_286, %add3A_287 : i32
      %mul3A_289 = arith.constant 16 : i32
      %mul3A_290 = arith.muli %add3A_288, %mul3A_289 : i32
      %get3A_291 = arith.index_cast %mul3A_290 : i32 to index
      %get3A_292 = tpu.vector_load %arg16[%get3A_291] {strides = array<i32>} : memref<1024xf32, #tpu.memory_space<vmem>>, vector<16xf32>,
      %get3A_293 = vector.shape_cast %get3A_292 : vector<16xf32> to vector<16xf32>
      %parallel_loop3A = arith.constant 0 : i32
      %parallel_loop3A_294 = arith.constant 16 : i32
      %parallel_loop3A_295 = arith.constant 1 : i32
      scf.for %parallel_loop3A_296 = %parallel_loop3A to %parallel_loop3A_294 step %parallel_loop3A_295  : i32 {
        %parallel_loop3A_297 = arith.constant 4 : i32
        %parallel_loop3A_298 = arith.muli %scan3A_257, %parallel_loop3A_297 : i32
        %parallel_loop3A_299 = arith.constant 0 : i32
        %parallel_loop3A_300 = arith.addi %parallel_loop3A_298, %parallel_loop3A_299 : i32
        %parallel_loop3A_301 = arith.constant 16 : i32
        %parallel_loop3A_302 = arith.muli %parallel_loop3A_300, %parallel_loop3A_301 : i32
        %parallel_loop3A_303 = arith.index_cast %parallel_loop3A_296 : i32 to index
        %parallel_loop3A_304 = arith.index_cast %parallel_loop3A_302 : i32 to index
        %parallel_loop3A_305 = tpu.vector_load %arg8[%parallel_loop3A_303, %parallel_loop3A_304] {strides = array<i32>} : memref<16x1024xf32, #tpu.memory_space<vmem>>, vector<1x16xf32>,
        %parallel_loop3A_306 = vector.shape_cast %parallel_loop3A_305 : vector<1x16xf32> to vector<16xf32>
        %parallel_loop3A_307 = arith.mulf %parallel_loop3A_306, %get3A_40 : vector<16xf32>
        %parallel_loop3A_308 = arith.addf %parallel_loop3A_307, %get3A_266 : vector<16xf32>
        %parallel_loop3A_309 = arith.index_cast %parallel_loop3A_296 : i32 to index
        %parallel_loop3A_310 = arith.index_cast %parallel_loop3A_302 : i32 to index
        %parallel_loop3A_311 = tpu.vector_load %arg14[%parallel_loop3A_309, %parallel_loop3A_310] {strides = array<i32>} : memref<16x1024xf32, #tpu.memory_space<vmem>>, vector<1x16xf32>,
        %parallel_loop3A_312 = vector.shape_cast %parallel_loop3A_311 : vector<1x16xf32> to vector<16xf32>
        %parallel_loop3A_313 = vector.shape_cast %parallel_loop3A_308 : vector<16xf32> to vector<1x16xf32>
        tpu.vector_store %arg14[%parallel_loop3A_309, %parallel_loop3A_310], %parallel_loop3A_313 {strides = array<i32>} : memref<16x1024xf32, #tpu.memory_space<vmem>>, vector<1x16xf32>,
        %parallel_loop3A_314 = arith.constant 4 : i32
        %parallel_loop3A_315 = arith.muli %scan3A_257, %parallel_loop3A_314 : i32
        %parallel_loop3A_316 = arith.constant 1 : i32
        %parallel_loop3A_317 = arith.addi %parallel_loop3A_315, %parallel_loop3A_316 : i32
        %parallel_loop3A_318 = arith.constant 16 : i32
        %parallel_loop3A_319 = arith.muli %parallel_loop3A_317, %parallel_loop3A_318 : i32
        %parallel_loop3A_320 = arith.index_cast %parallel_loop3A_296 : i32 to index
        %parallel_loop3A_321 = arith.index_cast %parallel_loop3A_319 : i32 to index
        %parallel_loop3A_322 = tpu.vector_load %arg8[%parallel_loop3A_320, %parallel_loop3A_321] {strides = array<i32>} : memref<16x1024xf32, #tpu.memory_space<vmem>>, vector<1x16xf32>,
        %parallel_loop3A_323 = vector.shape_cast %parallel_loop3A_322 : vector<1x16xf32> to vector<16xf32>
        %parallel_loop3A_324 = arith.mulf %parallel_loop3A_323, %get3A_40 : vector<16xf32>
        %parallel_loop3A_325 = arith.addf %parallel_loop3A_324, %get3A_275 : vector<16xf32>
        %parallel_loop3A_326 = arith.index_cast %parallel_loop3A_296 : i32 to index
        %parallel_loop3A_327 = arith.index_cast %parallel_loop3A_319 : i32 to index
        %parallel_loop3A_328 = tpu.vector_load %arg14[%parallel_loop3A_326, %parallel_loop3A_327] {strides = array<i32>} : memref<16x1024xf32, #tpu.memory_space<vmem>>, vector<1x16xf32>,
        %parallel_loop3A_329 = vector.shape_cast %parallel_loop3A_328 : vector<1x16xf32> to vector<16xf32>
        %parallel_loop3A_330 = vector.shape_cast %parallel_loop3A_325 : vector<16xf32> to vector<1x16xf32>
        tpu.vector_store %arg14[%parallel_loop3A_326, %parallel_loop3A_327], %parallel_loop3A_330 {strides = array<i32>} : memref<16x1024xf32, #tpu.memory_space<vmem>>, vector<1x16xf32>,
        %parallel_loop3A_331 = arith.constant 4 : i32
        %parallel_loop3A_332 = arith.muli %scan3A_257, %parallel_loop3A_331 : i32
        %parallel_loop3A_333 = arith.constant 2 : i32
        %parallel_loop3A_334 = arith.addi %parallel_loop3A_332, %parallel_loop3A_333 : i32
        %parallel_loop3A_335 = arith.constant 16 : i32
        %parallel_loop3A_336 = arith.muli %parallel_loop3A_334, %parallel_loop3A_335 : i32
        %parallel_loop3A_337 = arith.index_cast %parallel_loop3A_296 : i32 to index
        %parallel_loop3A_338 = arith.index_cast %parallel_loop3A_336 : i32 to index
        %parallel_loop3A_339 = tpu.vector_load %arg8[%parallel_loop3A_337, %parallel_loop3A_338] {strides = array<i32>} : memref<16x1024xf32, #tpu.memory_space<vmem>>, vector<1x16xf32>,
        %parallel_loop3A_340 = vector.shape_cast %parallel_loop3A_339 : vector<1x16xf32> to vector<16xf32>
        %parallel_loop3A_341 = arith.mulf %parallel_loop3A_340, %get3A_40 : vector<16xf32>
        %parallel_loop3A_342 = arith.addf %parallel_loop3A_341, %get3A_284 : vector<16xf32>
        %parallel_loop3A_343 = arith.index_cast %parallel_loop3A_296 : i32 to index
        %parallel_loop3A_344 = arith.index_cast %parallel_loop3A_336 : i32 to index
        %parallel_loop3A_345 = tpu.vector_load %arg14[%parallel_loop3A_343, %parallel_loop3A_344] {strides = array<i32>} : memref<16x1024xf32, #tpu.memory_space<vmem>>, vector<1x16xf32>,
        %parallel_loop3A_346 = vector.shape_cast %parallel_loop3A_345 : vector<1x16xf32> to vector<16xf32>
        %parallel_loop3A_347 = vector.shape_cast %parallel_loop3A_342 : vector<16xf32> to vector<1x16xf32>
        tpu.vector_store %arg14[%parallel_loop3A_343, %parallel_loop3A_344], %parallel_loop3A_347 {strides = array<i32>} : memref<16x1024xf32, #tpu.memory_space<vmem>>, vector<1x16xf32>,
        %parallel_loop3A_348 = arith.constant 4 : i32
        %parallel_loop3A_349 = arith.muli %scan3A_257, %parallel_loop3A_348 : i32
        %parallel_loop3A_350 = arith.constant 3 : i32
        %parallel_loop3A_351 = arith.addi %parallel_loop3A_349, %parallel_loop3A_350 : i32
        %parallel_loop3A_352 = arith.constant 16 : i32
        %parallel_loop3A_353 = arith.muli %parallel_loop3A_351, %parallel_loop3A_352 : i32
        %parallel_loop3A_354 = arith.index_cast %parallel_loop3A_296 : i32 to index
        %parallel_loop3A_355 = arith.index_cast %parallel_loop3A_353 : i32 to index
        %parallel_loop3A_356 = tpu.vector_load %arg8[%parallel_loop3A_354, %parallel_loop3A_355] {strides = array<i32>} : memref<16x1024xf32, #tpu.memory_space<vmem>>, vector<1x16xf32>,
        %parallel_loop3A_357 = vector.shape_cast %parallel_loop3A_356 : vector<1x16xf32> to vector<16xf32>
        %parallel_loop3A_358 = arith.mulf %parallel_loop3A_357, %get3A_40 : vector<16xf32>
        %parallel_loop3A_359 = arith.addf %parallel_loop3A_358, %get3A_293 : vector<16xf32>
        %parallel_loop3A_360 = arith.index_cast %parallel_loop3A_296 : i32 to index
        %parallel_loop3A_361 = arith.index_cast %parallel_loop3A_353 : i32 to index
        %parallel_loop3A_362 = tpu.vector_load %arg14[%parallel_loop3A_360, %parallel_loop3A_361] {strides = array<i32>} : memref<16x1024xf32, #tpu.memory_space<vmem>>, vector<1x16xf32>,
        %parallel_loop3A_363 = vector.shape_cast %parallel_loop3A_362 : vector<1x16xf32> to vector<16xf32>
        %parallel_loop3A_364 = vector.shape_cast %parallel_loop3A_359 : vector<16xf32> to vector<1x16xf32>
        tpu.vector_store %arg14[%parallel_loop3A_360, %parallel_loop3A_361], %parallel_loop3A_364 {strides = array<i32>} : memref<16x1024xf32, #tpu.memory_space<vmem>>, vector<1x16xf32>,
      } {sc.loop_unroll_factor = 2 : i64, sc.parallel_access}
    }
    %scan3A_196 = arith.constant 16 : i32
    %add3A_197 = arith.constant 80 : i32
    %add3A_198 = arith.addi %mul3A_2, %add3A_197 : i32
    %dma_start3A_199 = arith.constant 0 : i32
    %dma_start3A_200 = tpu.memref_slice %arg6[%add3A_198, %dma_start3A_199] : memref<4096x1024xf32, #tpu.memory_space<hbm>> -> memref<16x1024xf32, #tpu.memory_space<hbm>>
    %dma_start3A_201 = arith.constant 0 : i32
    %dma_start3A_202 = tpu.memref_slice %arg6[%add3A_198, %dma_start3A_201] : memref<4096x1024xf32, #tpu.memory_space<hbm>> -> memref<16x1024xf32, #tpu.memory_space<hbm>>
    tpu.enqueue_dma source(%arg14 : memref<16x1024xf32, #tpu.memory_space<vmem>>) target(%dma_start3A_202 : memref<16x1024xf32, #tpu.memory_space<hbm>>) target_semaphore(%arg24 : memref<!tpu.dma_semaphore, #tpu.memory_space<semaphore_mem>>)
    %dma_wait3A_203 = arith.constant 3 : i32
    %dma_wait3A_204 = arith.constant 0 : i32
    %dma_wait3A_205 = tpu.memref_slice %arg7[%dma_wait3A_203, %dma_wait3A_204] : memref<4x32xi32, #tpu.memory_space<vmem>> -> memref<1x16xi32, #tpu.memory_space<vmem>>
    %dma_wait3A_206 = tpu.memref_squeeze %dma_wait3A_205 : memref<1x16xi32, #tpu.memory_space<vmem>> -> memref<16xi32, #tpu.memory_space<vmem>>
    %dma_wait3A_207 = arith.constant 0 : i32
    %dma_wait3A_208 = arith.constant 0 : i32
    %dma_wait3A_209 = tpu.memref_slice %arg2[%dma_wait3A_207, %dma_wait3A_208] : memref<100000x1024xf32, #tpu.memory_space<hbm>> -> memref<100000x1024xf32, #tpu.memory_space<hbm>>
    tpu.wait_indirect_dma semaphore(%arg19 : memref<!tpu.dma_semaphore, #tpu.memory_space<semaphore_mem>>) src(%dma_wait3A_209 : memref<100000x1024xf32, #tpu.memory_space<hbm>>) dst(%arg9 : memref<16x1024xf32, #tpu.memory_space<vmem>>)
    %dma_wait3A_210 = arith.constant 0 : i32
    %dma_wait3A_211 = tpu.memref_slice %arg6[%add3A_175, %dma_wait3A_210] : memref<4096x1024xf32, #tpu.memory_space<hbm>> -> memref<16x1024xf32, #tpu.memory_space<hbm>>
    %dma_wait3A_212 = arith.constant 0 : i32
    %dma_wait3A_213 = tpu.memref_slice %arg6[%add3A_175, %dma_wait3A_212] : memref<4096x1024xf32, #tpu.memory_space<hbm>> -> memref<16x1024xf32, #tpu.memory_space<hbm>>
    tpu.wait_dma2 semaphore(%arg23 : memref<!tpu.dma_semaphore, #tpu.memory_space<semaphore_mem>>) src(%arg13 : memref<16x1024xf32, #tpu.memory_space<vmem>>) dst(%dma_wait3A_213 : memref<16x1024xf32, #tpu.memory_space<hbm>>)
    %scan3A_214 = arith.constant 0 : i32
    %scan3A_215 = arith.constant 0 : i32
    %scan3A_216 = arith.constant 16 : i32
    %scan3A_217 = arith.addi %scan3A_215, %scan3A_216 : i32
    %scan3A_218 = arith.constant 1 : i32
    scf.for %scan3A_257 = %scan3A_215 to %scan3A_217 step %scan3A_218  : i32 {
      %mul3A_258 = arith.constant 4 : i32
      %mul3A_259 = arith.muli %scan3A_257, %mul3A_258 : i32
      %add3A_260 = arith.constant 0 : i32
      %add3A_261 = arith.addi %mul3A_259, %add3A_260 : i32
      %mul3A_262 = arith.constant 16 : i32
      %mul3A_263 = arith.muli %add3A_261, %mul3A_262 : i32
      %get3A_264 = arith.index_cast %mul3A_263 : i32 to index
      %get3A_265 = tpu.vector_load %arg16[%get3A_264] {strides = array<i32>} : memref<1024xf32, #tpu.memory_space<vmem>>, vector<16xf32>,
      %get3A_266 = vector.shape_cast %get3A_265 : vector<16xf32> to vector<16xf32>
      %mul3A_267 = arith.constant 4 : i32
      %mul3A_268 = arith.muli %scan3A_257, %mul3A_267 : i32
      %add3A_269 = arith.constant 1 : i32
      %add3A_270 = arith.addi %mul3A_268, %add3A_269 : i32
      %mul3A_271 = arith.constant 16 : i32
      %mul3A_272 = arith.muli %add3A_270, %mul3A_271 : i32
      %get3A_273 = arith.index_cast %mul3A_272 : i32 to index
      %get3A_274 = tpu.vector_load %arg16[%get3A_273] {strides = array<i32>} : memref<1024xf32, #tpu.memory_space<vmem>>, vector<16xf32>,
      %get3A_275 = vector.shape_cast %get3A_274 : vector<16xf32> to vector<16xf32>
      %mul3A_276 = arith.constant 4 : i32
      %mul3A_277 = arith.muli %scan3A_257, %mul3A_276 : i32
      %add3A_278 = arith.constant 2 : i32
      %add3A_279 = arith.addi %mul3A_277, %add3A_278 : i32
      %mul3A_280 = arith.constant 16 : i32
      %mul3A_281 = arith.muli %add3A_279, %mul3A_280 : i32
      %get3A_282 = arith.index_cast %mul3A_281 : i32 to index
      %get3A_283 = tpu.vector_load %arg16[%get3A_282] {strides = array<i32>} : memref<1024xf32, #tpu.memory_space<vmem>>, vector<16xf32>,
      %get3A_284 = vector.shape_cast %get3A_283 : vector<16xf32> to vector<16xf32>
      %mul3A_285 = arith.constant 4 : i32
      %mul3A_286 = arith.muli %scan3A_257, %mul3A_285 : i32
      %add3A_287 = arith.constant 3 : i32
      %add3A_288 = arith.addi %mul3A_286, %add3A_287 : i32
      %mul3A_289 = arith.constant 16 : i32
      %mul3A_290 = arith.muli %add3A_288, %mul3A_289 : i32
      %get3A_291 = arith.index_cast %mul3A_290 : i32 to index
      %get3A_292 = tpu.vector_load %arg16[%get3A_291] {strides = array<i32>} : memref<1024xf32, #tpu.memory_space<vmem>>, vector<16xf32>,
      %get3A_293 = vector.shape_cast %get3A_292 : vector<16xf32> to vector<16xf32>
      %parallel_loop3A = arith.constant 0 : i32
      %parallel_loop3A_294 = arith.constant 16 : i32
      %parallel_loop3A_295 = arith.constant 1 : i32
      scf.for %parallel_loop3A_296 = %parallel_loop3A to %parallel_loop3A_294 step %parallel_loop3A_295  : i32 {
        %parallel_loop3A_297 = arith.constant 4 : i32
        %parallel_loop3A_298 = arith.muli %scan3A_257, %parallel_loop3A_297 : i32
        %parallel_loop3A_299 = arith.constant 0 : i32
        %parallel_loop3A_300 = arith.addi %parallel_loop3A_298, %parallel_loop3A_299 : i32
        %parallel_loop3A_301 = arith.constant 16 : i32
        %parallel_loop3A_302 = arith.muli %parallel_loop3A_300, %parallel_loop3A_301 : i32
        %parallel_loop3A_303 = arith.index_cast %parallel_loop3A_296 : i32 to index
        %parallel_loop3A_304 = arith.index_cast %parallel_loop3A_302 : i32 to index
        %parallel_loop3A_305 = tpu.vector_load %arg9[%parallel_loop3A_303, %parallel_loop3A_304] {strides = array<i32>} : memref<16x1024xf32, #tpu.memory_space<vmem>>, vector<1x16xf32>,
        %parallel_loop3A_306 = vector.shape_cast %parallel_loop3A_305 : vector<1x16xf32> to vector<16xf32>
        %parallel_loop3A_307 = arith.mulf %parallel_loop3A_306, %get3A_40 : vector<16xf32>
        %parallel_loop3A_308 = arith.addf %parallel_loop3A_307, %get3A_266 : vector<16xf32>
        %parallel_loop3A_309 = arith.index_cast %parallel_loop3A_296 : i32 to index
        %parallel_loop3A_310 = arith.index_cast %parallel_loop3A_302 : i32 to index
        %parallel_loop3A_311 = tpu.vector_load %arg13[%parallel_loop3A_309, %parallel_loop3A_310] {strides = array<i32>} : memref<16x1024xf32, #tpu.memory_space<vmem>>, vector<1x16xf32>,
        %parallel_loop3A_312 = vector.shape_cast %parallel_loop3A_311 : vector<1x16xf32> to vector<16xf32>
        %parallel_loop3A_313 = vector.shape_cast %parallel_loop3A_308 : vector<16xf32> to vector<1x16xf32>
        tpu.vector_store %arg13[%parallel_loop3A_309, %parallel_loop3A_310], %parallel_loop3A_313 {strides = array<i32>} : memref<16x1024xf32, #tpu.memory_space<vmem>>, vector<1x16xf32>,
        %parallel_loop3A_314 = arith.constant 4 : i32
        %parallel_loop3A_315 = arith.muli %scan3A_257, %parallel_loop3A_314 : i32
        %parallel_loop3A_316 = arith.constant 1 : i32
        %parallel_loop3A_317 = arith.addi %parallel_loop3A_315, %parallel_loop3A_316 : i32
        %parallel_loop3A_318 = arith.constant 16 : i32
        %parallel_loop3A_319 = arith.muli %parallel_loop3A_317, %parallel_loop3A_318 : i32
        %parallel_loop3A_320 = arith.index_cast %parallel_loop3A_296 : i32 to index
        %parallel_loop3A_321 = arith.index_cast %parallel_loop3A_319 : i32 to index
        %parallel_loop3A_322 = tpu.vector_load %arg9[%parallel_loop3A_320, %parallel_loop3A_321] {strides = array<i32>} : memref<16x1024xf32, #tpu.memory_space<vmem>>, vector<1x16xf32>,
        %parallel_loop3A_323 = vector.shape_cast %parallel_loop3A_322 : vector<1x16xf32> to vector<16xf32>
        %parallel_loop3A_324 = arith.mulf %parallel_loop3A_323, %get3A_40 : vector<16xf32>
        %parallel_loop3A_325 = arith.addf %parallel_loop3A_324, %get3A_275 : vector<16xf32>
        %parallel_loop3A_326 = arith.index_cast %parallel_loop3A_296 : i32 to index
        %parallel_loop3A_327 = arith.index_cast %parallel_loop3A_319 : i32 to index
        %parallel_loop3A_328 = tpu.vector_load %arg13[%parallel_loop3A_326, %parallel_loop3A_327] {strides = array<i32>} : memref<16x1024xf32, #tpu.memory_space<vmem>>, vector<1x16xf32>,
        %parallel_loop3A_329 = vector.shape_cast %parallel_loop3A_328 : vector<1x16xf32> to vector<16xf32>
        %parallel_loop3A_330 = vector.shape_cast %parallel_loop3A_325 : vector<16xf32> to vector<1x16xf32>
        tpu.vector_store %arg13[%parallel_loop3A_326, %parallel_loop3A_327], %parallel_loop3A_330 {strides = array<i32>} : memref<16x1024xf32, #tpu.memory_space<vmem>>, vector<1x16xf32>,
        %parallel_loop3A_331 = arith.constant 4 : i32
        %parallel_loop3A_332 = arith.muli %scan3A_257, %parallel_loop3A_331 : i32
        %parallel_loop3A_333 = arith.constant 2 : i32
        %parallel_loop3A_334 = arith.addi %parallel_loop3A_332, %parallel_loop3A_333 : i32
        %parallel_loop3A_335 = arith.constant 16 : i32
        %parallel_loop3A_336 = arith.muli %parallel_loop3A_334, %parallel_loop3A_335 : i32
        %parallel_loop3A_337 = arith.index_cast %parallel_loop3A_296 : i32 to index
        %parallel_loop3A_338 = arith.index_cast %parallel_loop3A_336 : i32 to index
        %parallel_loop3A_339 = tpu.vector_load %arg9[%parallel_loop3A_337, %parallel_loop3A_338] {strides = array<i32>} : memref<16x1024xf32, #tpu.memory_space<vmem>>, vector<1x16xf32>,
        %parallel_loop3A_340 = vector.shape_cast %parallel_loop3A_339 : vector<1x16xf32> to vector<16xf32>
        %parallel_loop3A_341 = arith.mulf %parallel_loop3A_340, %get3A_40 : vector<16xf32>
        %parallel_loop3A_342 = arith.addf %parallel_loop3A_341, %get3A_284 : vector<16xf32>
        %parallel_loop3A_343 = arith.index_cast %parallel_loop3A_296 : i32 to index
        %parallel_loop3A_344 = arith.index_cast %parallel_loop3A_336 : i32 to index
        %parallel_loop3A_345 = tpu.vector_load %arg13[%parallel_loop3A_343, %parallel_loop3A_344] {strides = array<i32>} : memref<16x1024xf32, #tpu.memory_space<vmem>>, vector<1x16xf32>,
        %parallel_loop3A_346 = vector.shape_cast %parallel_loop3A_345 : vector<1x16xf32> to vector<16xf32>
        %parallel_loop3A_347 = vector.shape_cast %parallel_loop3A_342 : vector<16xf32> to vector<1x16xf32>
        tpu.vector_store %arg13[%parallel_loop3A_343, %parallel_loop3A_344], %parallel_loop3A_347 {strides = array<i32>} : memref<16x1024xf32, #tpu.memory_space<vmem>>, vector<1x16xf32>,
        %parallel_loop3A_348 = arith.constant 4 : i32
        %parallel_loop3A_349 = arith.muli %scan3A_257, %parallel_loop3A_348 : i32
        %parallel_loop3A_350 = arith.constant 3 : i32
        %parallel_loop3A_351 = arith.addi %parallel_loop3A_349, %parallel_loop3A_350 : i32
        %parallel_loop3A_352 = arith.constant 16 : i32
        %parallel_loop3A_353 = arith.muli %parallel_loop3A_351, %parallel_loop3A_352 : i32
        %parallel_loop3A_354 = arith.index_cast %parallel_loop3A_296 : i32 to index
        %parallel_loop3A_355 = arith.index_cast %parallel_loop3A_353 : i32 to index
        %parallel_loop3A_356 = tpu.vector_load %arg9[%parallel_loop3A_354, %parallel_loop3A_355] {strides = array<i32>} : memref<16x1024xf32, #tpu.memory_space<vmem>>, vector<1x16xf32>,
        %parallel_loop3A_357 = vector.shape_cast %parallel_loop3A_356 : vector<1x16xf32> to vector<16xf32>
        %parallel_loop3A_358 = arith.mulf %parallel_loop3A_357, %get3A_40 : vector<16xf32>
        %parallel_loop3A_359 = arith.addf %parallel_loop3A_358, %get3A_293 : vector<16xf32>
        %parallel_loop3A_360 = arith.index_cast %parallel_loop3A_296 : i32 to index
        %parallel_loop3A_361 = arith.index_cast %parallel_loop3A_353 : i32 to index
        %parallel_loop3A_362 = tpu.vector_load %arg13[%parallel_loop3A_360, %parallel_loop3A_361] {strides = array<i32>} : memref<16x1024xf32, #tpu.memory_space<vmem>>, vector<1x16xf32>,
        %parallel_loop3A_363 = vector.shape_cast %parallel_loop3A_362 : vector<1x16xf32> to vector<16xf32>
        %parallel_loop3A_364 = vector.shape_cast %parallel_loop3A_359 : vector<16xf32> to vector<1x16xf32>
        tpu.vector_store %arg13[%parallel_loop3A_360, %parallel_loop3A_361], %parallel_loop3A_364 {strides = array<i32>} : memref<16x1024xf32, #tpu.memory_space<vmem>>, vector<1x16xf32>,
      } {sc.loop_unroll_factor = 2 : i64, sc.parallel_access}
    }
    %scan3A_219 = arith.constant 16 : i32
    %add3A_220 = arith.constant 96 : i32
    %add3A_221 = arith.addi %mul3A_2, %add3A_220 : i32
    %dma_start3A_222 = arith.constant 0 : i32
    %dma_start3A_223 = tpu.memref_slice %arg6[%add3A_221, %dma_start3A_222] : memref<4096x1024xf32, #tpu.memory_space<hbm>> -> memref<16x1024xf32, #tpu.memory_space<hbm>>
    %dma_start3A_224 = arith.constant 0 : i32
    %dma_start3A_225 = tpu.memref_slice %arg6[%add3A_221, %dma_start3A_224] : memref<4096x1024xf32, #tpu.memory_space<hbm>> -> memref<16x1024xf32, #tpu.memory_space<hbm>>
    tpu.enqueue_dma source(%arg13 : memref<16x1024xf32, #tpu.memory_space<vmem>>) target(%dma_start3A_225 : memref<16x1024xf32, #tpu.memory_space<hbm>>) target_semaphore(%arg23 : memref<!tpu.dma_semaphore, #tpu.memory_space<semaphore_mem>>)
    %dma_wait3A_226 = arith.constant 3 : i32
    %dma_wait3A_227 = arith.constant 16 : i32
    %dma_wait3A_228 = tpu.memref_slice %arg7[%dma_wait3A_226, %dma_wait3A_227] : memref<4x32xi32, #tpu.memory_space<vmem>> -> memref<1x16xi32, #tpu.memory_space<vmem>>
    %dma_wait3A_229 = tpu.memref_squeeze %dma_wait3A_228 : memref<1x16xi32, #tpu.memory_space<vmem>> -> memref<16xi32, #tpu.memory_space<vmem>>
    %dma_wait3A_230 = arith.constant 0 : i32
    %dma_wait3A_231 = arith.constant 0 : i32
    %dma_wait3A_232 = tpu.memref_slice %arg2[%dma_wait3A_230, %dma_wait3A_231] : memref<100000x1024xf32, #tpu.memory_space<hbm>> -> memref<100000x1024xf32, #tpu.memory_space<hbm>>
    tpu.wait_indirect_dma semaphore(%arg20 : memref<!tpu.dma_semaphore, #tpu.memory_space<semaphore_mem>>) src(%dma_wait3A_232 : memref<100000x1024xf32, #tpu.memory_space<hbm>>) dst(%arg10 : memref<16x1024xf32, #tpu.memory_space<vmem>>)
    %dma_wait3A_233 = arith.constant 0 : i32
    %dma_wait3A_234 = tpu.memref_slice %arg6[%add3A_198, %dma_wait3A_233] : memref<4096x1024xf32, #tpu.memory_space<hbm>> -> memref<16x1024xf32, #tpu.memory_space<hbm>>
    %dma_wait3A_235 = arith.constant 0 : i32
    %dma_wait3A_236 = tpu.memref_slice %arg6[%add3A_198, %dma_wait3A_235] : memref<4096x1024xf32, #tpu.memory_space<hbm>> -> memref<16x1024xf32, #tpu.memory_space<hbm>>
    tpu.wait_dma2 semaphore(%arg24 : memref<!tpu.dma_semaphore, #tpu.memory_space<semaphore_mem>>) src(%arg14 : memref<16x1024xf32, #tpu.memory_space<vmem>>) dst(%dma_wait3A_236 : memref<16x1024xf32, #tpu.memory_space<hbm>>)
    %scan3A_237 = arith.constant 0 : i32
    %scan3A_238 = arith.constant 0 : i32
    %scan3A_239 = arith.constant 16 : i32
    %scan3A_240 = arith.addi %scan3A_238, %scan3A_239 : i32
    %scan3A_241 = arith.constant 1 : i32
    scf.for %scan3A_257 = %scan3A_238 to %scan3A_240 step %scan3A_241  : i32 {
      %mul3A_258 = arith.constant 4 : i32
      %mul3A_259 = arith.muli %scan3A_257, %mul3A_258 : i32
      %add3A_260 = arith.constant 0 : i32
      %add3A_261 = arith.addi %mul3A_259, %add3A_260 : i32
      %mul3A_262 = arith.constant 16 : i32
      %mul3A_263 = arith.muli %add3A_261, %mul3A_262 : i32
      %get3A_264 = arith.index_cast %mul3A_263 : i32 to index
      %get3A_265 = tpu.vector_load %arg16[%get3A_264] {strides = array<i32>} : memref<1024xf32, #tpu.memory_space<vmem>>, vector<16xf32>,
      %get3A_266 = vector.shape_cast %get3A_265 : vector<16xf32> to vector<16xf32>
      %mul3A_267 = arith.constant 4 : i32
      %mul3A_268 = arith.muli %scan3A_257, %mul3A_267 : i32
      %add3A_269 = arith.constant 1 : i32
      %add3A_270 = arith.addi %mul3A_268, %add3A_269 : i32
      %mul3A_271 = arith.constant 16 : i32
      %mul3A_272 = arith.muli %add3A_270, %mul3A_271 : i32
      %get3A_273 = arith.index_cast %mul3A_272 : i32 to index
      %get3A_274 = tpu.vector_load %arg16[%get3A_273] {strides = array<i32>} : memref<1024xf32, #tpu.memory_space<vmem>>, vector<16xf32>,
      %get3A_275 = vector.shape_cast %get3A_274 : vector<16xf32> to vector<16xf32>
      %mul3A_276 = arith.constant 4 : i32
      %mul3A_277 = arith.muli %scan3A_257, %mul3A_276 : i32
      %add3A_278 = arith.constant 2 : i32
      %add3A_279 = arith.addi %mul3A_277, %add3A_278 : i32
      %mul3A_280 = arith.constant 16 : i32
      %mul3A_281 = arith.muli %add3A_279, %mul3A_280 : i32
      %get3A_282 = arith.index_cast %mul3A_281 : i32 to index
      %get3A_283 = tpu.vector_load %arg16[%get3A_282] {strides = array<i32>} : memref<1024xf32, #tpu.memory_space<vmem>>, vector<16xf32>,
      %get3A_284 = vector.shape_cast %get3A_283 : vector<16xf32> to vector<16xf32>
      %mul3A_285 = arith.constant 4 : i32
      %mul3A_286 = arith.muli %scan3A_257, %mul3A_285 : i32
      %add3A_287 = arith.constant 3 : i32
      %add3A_288 = arith.addi %mul3A_286, %add3A_287 : i32
      %mul3A_289 = arith.constant 16 : i32
      %mul3A_290 = arith.muli %add3A_288, %mul3A_289 : i32
      %get3A_291 = arith.index_cast %mul3A_290 : i32 to index
      %get3A_292 = tpu.vector_load %arg16[%get3A_291] {strides = array<i32>} : memref<1024xf32, #tpu.memory_space<vmem>>, vector<16xf32>,
      %get3A_293 = vector.shape_cast %get3A_292 : vector<16xf32> to vector<16xf32>
      %parallel_loop3A = arith.constant 0 : i32
      %parallel_loop3A_294 = arith.constant 16 : i32
      %parallel_loop3A_295 = arith.constant 1 : i32
      scf.for %parallel_loop3A_296 = %parallel_loop3A to %parallel_loop3A_294 step %parallel_loop3A_295  : i32 {
        %parallel_loop3A_297 = arith.constant 4 : i32
        %parallel_loop3A_298 = arith.muli %scan3A_257, %parallel_loop3A_297 : i32
        %parallel_loop3A_299 = arith.constant 0 : i32
        %parallel_loop3A_300 = arith.addi %parallel_loop3A_298, %parallel_loop3A_299 : i32
        %parallel_loop3A_301 = arith.constant 16 : i32
        %parallel_loop3A_302 = arith.muli %parallel_loop3A_300, %parallel_loop3A_301 : i32
        %parallel_loop3A_303 = arith.index_cast %parallel_loop3A_296 : i32 to index
        %parallel_loop3A_304 = arith.index_cast %parallel_loop3A_302 : i32 to index
        %parallel_loop3A_305 = tpu.vector_load %arg10[%parallel_loop3A_303, %parallel_loop3A_304] {strides = array<i32>} : memref<16x1024xf32, #tpu.memory_space<vmem>>, vector<1x16xf32>,
        %parallel_loop3A_306 = vector.shape_cast %parallel_loop3A_305 : vector<1x16xf32> to vector<16xf32>
        %parallel_loop3A_307 = arith.mulf %parallel_loop3A_306, %get3A_40 : vector<16xf32>
        %parallel_loop3A_308 = arith.addf %parallel_loop3A_307, %get3A_266 : vector<16xf32>
        %parallel_loop3A_309 = arith.index_cast %parallel_loop3A_296 : i32 to index
        %parallel_loop3A_310 = arith.index_cast %parallel_loop3A_302 : i32 to index
        %parallel_loop3A_311 = tpu.vector_load %arg14[%parallel_loop3A_309, %parallel_loop3A_310] {strides = array<i32>} : memref<16x1024xf32, #tpu.memory_space<vmem>>, vector<1x16xf32>,
        %parallel_loop3A_312 = vector.shape_cast %parallel_loop3A_311 : vector<1x16xf32> to vector<16xf32>
        %parallel_loop3A_313 = vector.shape_cast %parallel_loop3A_308 : vector<16xf32> to vector<1x16xf32>
        tpu.vector_store %arg14[%parallel_loop3A_309, %parallel_loop3A_310], %parallel_loop3A_313 {strides = array<i32>} : memref<16x1024xf32, #tpu.memory_space<vmem>>, vector<1x16xf32>,
        %parallel_loop3A_314 = arith.constant 4 : i32
        %parallel_loop3A_315 = arith.muli %scan3A_257, %parallel_loop3A_314 : i32
        %parallel_loop3A_316 = arith.constant 1 : i32
        %parallel_loop3A_317 = arith.addi %parallel_loop3A_315, %parallel_loop3A_316 : i32
        %parallel_loop3A_318 = arith.constant 16 : i32
        %parallel_loop3A_319 = arith.muli %parallel_loop3A_317, %parallel_loop3A_318 : i32
        %parallel_loop3A_320 = arith.index_cast %parallel_loop3A_296 : i32 to index
        %parallel_loop3A_321 = arith.index_cast %parallel_loop3A_319 : i32 to index
        %parallel_loop3A_322 = tpu.vector_load %arg10[%parallel_loop3A_320, %parallel_loop3A_321] {strides = array<i32>} : memref<16x1024xf32, #tpu.memory_space<vmem>>, vector<1x16xf32>,
        %parallel_loop3A_323 = vector.shape_cast %parallel_loop3A_322 : vector<1x16xf32> to vector<16xf32>
        %parallel_loop3A_324 = arith.mulf %parallel_loop3A_323, %get3A_40 : vector<16xf32>
        %parallel_loop3A_325 = arith.addf %parallel_loop3A_324, %get3A_275 : vector<16xf32>
        %parallel_loop3A_326 = arith.index_cast %parallel_loop3A_296 : i32 to index
        %parallel_loop3A_327 = arith.index_cast %parallel_loop3A_319 : i32 to index
        %parallel_loop3A_328 = tpu.vector_load %arg14[%parallel_loop3A_326, %parallel_loop3A_327] {strides = array<i32>} : memref<16x1024xf32, #tpu.memory_space<vmem>>, vector<1x16xf32>,
        %parallel_loop3A_329 = vector.shape_cast %parallel_loop3A_328 : vector<1x16xf32> to vector<16xf32>
        %parallel_loop3A_330 = vector.shape_cast %parallel_loop3A_325 : vector<16xf32> to vector<1x16xf32>
        tpu.vector_store %arg14[%parallel_loop3A_326, %parallel_loop3A_327], %parallel_loop3A_330 {strides = array<i32>} : memref<16x1024xf32, #tpu.memory_space<vmem>>, vector<1x16xf32>,
        %parallel_loop3A_331 = arith.constant 4 : i32
        %parallel_loop3A_332 = arith.muli %scan3A_257, %parallel_loop3A_331 : i32
        %parallel_loop3A_333 = arith.constant 2 : i32
        %parallel_loop3A_334 = arith.addi %parallel_loop3A_332, %parallel_loop3A_333 : i32
        %parallel_loop3A_335 = arith.constant 16 : i32
        %parallel_loop3A_336 = arith.muli %parallel_loop3A_334, %parallel_loop3A_335 : i32
        %parallel_loop3A_337 = arith.index_cast %parallel_loop3A_296 : i32 to index
        %parallel_loop3A_338 = arith.index_cast %parallel_loop3A_336 : i32 to index
        %parallel_loop3A_339 = tpu.vector_load %arg10[%parallel_loop3A_337, %parallel_loop3A_338] {strides = array<i32>} : memref<16x1024xf32, #tpu.memory_space<vmem>>, vector<1x16xf32>,
        %parallel_loop3A_340 = vector.shape_cast %parallel_loop3A_339 : vector<1x16xf32> to vector<16xf32>
        %parallel_loop3A_341 = arith.mulf %parallel_loop3A_340, %get3A_40 : vector<16xf32>
        %parallel_loop3A_342 = arith.addf %parallel_loop3A_341, %get3A_284 : vector<16xf32>
        %parallel_loop3A_343 = arith.index_cast %parallel_loop3A_296 : i32 to index
        %parallel_loop3A_344 = arith.index_cast %parallel_loop3A_336 : i32 to index
        %parallel_loop3A_345 = tpu.vector_load %arg14[%parallel_loop3A_343, %parallel_loop3A_344] {strides = array<i32>} : memref<16x1024xf32, #tpu.memory_space<vmem>>, vector<1x16xf32>,
        %parallel_loop3A_346 = vector.shape_cast %parallel_loop3A_345 : vector<1x16xf32> to vector<16xf32>
        %parallel_loop3A_347 = vector.shape_cast %parallel_loop3A_342 : vector<16xf32> to vector<1x16xf32>
        tpu.vector_store %arg14[%parallel_loop3A_343, %parallel_loop3A_344], %parallel_loop3A_347 {strides = array<i32>} : memref<16x1024xf32, #tpu.memory_space<vmem>>, vector<1x16xf32>,
        %parallel_loop3A_348 = arith.constant 4 : i32
        %parallel_loop3A_349 = arith.muli %scan3A_257, %parallel_loop3A_348 : i32
        %parallel_loop3A_350 = arith.constant 3 : i32
        %parallel_loop3A_351 = arith.addi %parallel_loop3A_349, %parallel_loop3A_350 : i32
        %parallel_loop3A_352 = arith.constant 16 : i32
        %parallel_loop3A_353 = arith.muli %parallel_loop3A_351, %parallel_loop3A_352 : i32
        %parallel_loop3A_354 = arith.index_cast %parallel_loop3A_296 : i32 to index
        %parallel_loop3A_355 = arith.index_cast %parallel_loop3A_353 : i32 to index
        %parallel_loop3A_356 = tpu.vector_load %arg10[%parallel_loop3A_354, %parallel_loop3A_355] {strides = array<i32>} : memref<16x1024xf32, #tpu.memory_space<vmem>>, vector<1x16xf32>,
        %parallel_loop3A_357 = vector.shape_cast %parallel_loop3A_356 : vector<1x16xf32> to vector<16xf32>
        %parallel_loop3A_358 = arith.mulf %parallel_loop3A_357, %get3A_40 : vector<16xf32>
        %parallel_loop3A_359 = arith.addf %parallel_loop3A_358, %get3A_293 : vector<16xf32>
        %parallel_loop3A_360 = arith.index_cast %parallel_loop3A_296 : i32 to index
        %parallel_loop3A_361 = arith.index_cast %parallel_loop3A_353 : i32 to index
        %parallel_loop3A_362 = tpu.vector_load %arg14[%parallel_loop3A_360, %parallel_loop3A_361] {strides = array<i32>} : memref<16x1024xf32, #tpu.memory_space<vmem>>, vector<1x16xf32>,
        %parallel_loop3A_363 = vector.shape_cast %parallel_loop3A_362 : vector<1x16xf32> to vector<16xf32>
        %parallel_loop3A_364 = vector.shape_cast %parallel_loop3A_359 : vector<16xf32> to vector<1x16xf32>
        tpu.vector_store %arg14[%parallel_loop3A_360, %parallel_loop3A_361], %parallel_loop3A_364 {strides = array<i32>} : memref<16x1024xf32, #tpu.memory_space<vmem>>, vector<1x16xf32>,
      } {sc.loop_unroll_factor = 2 : i64, sc.parallel_access}
    }
    %scan3A_242 = arith.constant 16 : i32
    %add3A_243 = arith.constant 112 : i32
    %add3A_244 = arith.addi %mul3A_2, %add3A_243 : i32
    %dma_start3A_245 = arith.constant 0 : i32
    %dma_start3A_246 = tpu.memref_slice %arg6[%add3A_244, %dma_start3A_245] : memref<4096x1024xf32, #tpu.memory_space<hbm>> -> memref<16x1024xf32, #tpu.memory_space<hbm>>
    %dma_start3A_247 = arith.constant 0 : i32
    %dma_start3A_248 = tpu.memref_slice %arg6[%add3A_244, %dma_start3A_247] : memref<4096x1024xf32, #tpu.memory_space<hbm>> -> memref<16x1024xf32, #tpu.memory_space<hbm>>
    tpu.enqueue_dma source(%arg14 : memref<16x1024xf32, #tpu.memory_space<vmem>>) target(%dma_start3A_248 : memref<16x1024xf32, #tpu.memory_space<hbm>>) target_semaphore(%arg24 : memref<!tpu.dma_semaphore, #tpu.memory_space<semaphore_mem>>)
    %dma_wait3A_249 = arith.constant 0 : i32
    %dma_wait3A_250 = tpu.memref_slice %arg6[%add3A_221, %dma_wait3A_249] : memref<4096x1024xf32, #tpu.memory_space<hbm>> -> memref<16x1024xf32, #tpu.memory_space<hbm>>
    %dma_wait3A_251 = arith.constant 0 : i32
    %dma_wait3A_252 = tpu.memref_slice %arg6[%add3A_221, %dma_wait3A_251] : memref<4096x1024xf32, #tpu.memory_space<hbm>> -> memref<16x1024xf32, #tpu.memory_space<hbm>>
    tpu.wait_dma2 semaphore(%arg23 : memref<!tpu.dma_semaphore, #tpu.memory_space<semaphore_mem>>) src(%arg13 : memref<16x1024xf32, #tpu.memory_space<vmem>>) dst(%dma_wait3A_252 : memref<16x1024xf32, #tpu.memory_space<hbm>>)
    %dma_wait3A_253 = arith.constant 0 : i32
    %dma_wait3A_254 = tpu.memref_slice %arg6[%add3A_244, %dma_wait3A_253] : memref<4096x1024xf32, #tpu.memory_space<hbm>> -> memref<16x1024xf32, #tpu.memory_space<hbm>>
    %dma_wait3A_255 = arith.constant 0 : i32
    %dma_wait3A_256 = tpu.memref_slice %arg6[%add3A_244, %dma_wait3A_255] : memref<4096x1024xf32, #tpu.memory_space<hbm>> -> memref<16x1024xf32, #tpu.memory_space<hbm>>
    tpu.wait_dma2 semaphore(%arg24 : memref<!tpu.dma_semaphore, #tpu.memory_space<semaphore_mem>>) src(%arg14 : memref<16x1024xf32, #tpu.memory_space<vmem>>) dst(%dma_wait3A_256 : memref<16x1024xf32, #tpu.memory_space<hbm>>)
    return
  }
}

</mosaic_0001>

<sc_bundles>
// kernel: kernel.3.cloned.1.call-start
scs
__scs_entry_jumppad:
0x0: {  	(pc) =	sbr.rel $0x88, $3  }
0x1: {  	(tag) =	ssettag $0x0;
	lr =	simm.s32 $0x1  }
0x2: {  	[smem:$0x3F9B] =	sst lr;
	_ =	strace $0xD0000000  }
0x3: {  	_ = 	snop  }
0x4: {  	_ = 	snop  }
0x5: {  	_ = 	snop  }
0x6: {  	_ = 	snop  }
0x7: {  	_ = 	snop  }
__scs_overlays_trampoline_lowered:
0x8: {  	[smem:$0x3FAA] =	sst s0  }
0x9: {  	[smem:$0x3FAB] =	sst s1  }
0xa: {  	[smem:$0x3FAC] =	sst s2  }
0xb: {  	[smem:$0x3FAD] =	sst s3  }
0xc: {  	[smem:$0x3FAE] =	sst s4  }
0xd: {  	[smem:$0x3FAF] =	sst s5  }
0xe: {  	[smem:$0x3FB0] =	sst s6  }
0xf: {  	[smem:$0x3FB1] =	sst s7  }
0x10: {  	[smem:$0x3FB2] =	sst s8  }
0x11: {  	[smem:$0x3FB3] =	sst s9;
	s0 =	simm.s32 @!p0 $0x0  }
0x12: {  	s1 =	sld [smem:$0x3F99];
	s0 =	simm.s32 @p0 $0x1  }
0x13: {  	[smem:$0x3FB4] =	sst s0;
	s0 =	simm.s32 @!p1 $0x0  }
0x14: {  	s2 =	sld [smem:$0x3F98];
	s0 =	simm.s32 @p1 $0x1  }
0x15: {  	[smem:$0x3FB5] =	sst s0;
	s0 =	simm.s32 @!p2 $0x0  }
0x16: {  	s3 =	sld [smem:$0x3FDB];
	s0 =	simm.s32 @p2 $0x1  }
0x17: {  	s4 =	simm.s32 $0x1BF5;
	[smem:$0x3FB7] =	sst s0  }
0x18: {  	s0 =	sld [smem:$0x3F9A];
	_ =	swait.ge [sflag:s4], $0x0  }
0x19: {  	s7 =	sld [smem:$0x3F9B]  }
0x1a: {  	s8 =	sadd.s32 $0xFFFFE003, lr  }
0x1b: {  	s9 =	sadd.s32 $0xFFFFFEF7, lr;
	s5 =	simm.s32 $0xFFFFFFFF;
	p2 =	slt.u32 s8, $0xFFFFF086  }
0x1c: {  	p1 =	slt.u32 s9, $0xF7A;
	s5 =	simm.s32 @!p2 $0x0  }
0x1d: {  	s5 =	simm.s32 @p1 $0x1;
	p0 =	seq.s32 s7, s2  }
0x1e: {  	s7 =	smul.u32 @!p0 $0xF7A, s2;
	p2 =	seq.s32 @!p0 s5, $0x0  }
0x1f: {  	s9 =	smul.u32 $0xF7A, s1;
	s8 =	simm.s32 @!p0 $0x1BF5;
	p2 =	por !p2, p0  }
0x20: {  	[sflag:s8] =	ssyncset.s32 @!p0 $0xFFFFF086;
	s6 =	sadd.s32 @!p0 s3, s7;
	s7 =	simm.s32 @!p0 $0x108  }
0x21: {  	s3 =	sadd.s32 s3, s9;
	s6 =	sadd.s32 @!p0 $0x88, s6;
	s7 =	simm.s32 @p2 $0x1082  }
0x22: {  	[simem:s7], [sflag:s8] =	dma.local @!p0 [hbm:s6], $0xF7A  }
0x23: {  	s9 =	sor.u32 $0xD0000000, s2;
	s6 =	simm.s32 $0x108;
	_ =	swait.ge @!p0 [sflag:s8], $0x0  }
0x24: {  	s3 =	sadd.s32 $0x88, s3;
	s6 =	simm.s32 @!p1 $0x1082;
	[sflag:s4] =	ssyncset.s32 $0xFFFFF086  }
0x25: {  	[simem:s6], [sflag:s4] =	dma.local [hbm:s3], $0xF7A  }
0x26: {  	[smem:$0x3F9B] =	sst s1;
	(tag) =	ssettag s2;
	_ =	strace s9  }
0x27: {  	s1 =	sld [smem:$0x3FAB]  }
0x28: {  	s2 =	sld [smem:$0x3FAC]  }
0x29: {  	s4 =	sld [smem:$0x3FAE]  }
0x2a: {  	p0 =	seq.s32 s5, $0x0;
	s5 =	sld [smem:$0x3FAF]  }
0x2b: {  	s6 =	sld [smem:$0x3FB0]  }
0x2c: {  	s7 =	sld [smem:$0x3FB1]  }
0x2d: {  	s3 =	simm.s32 $0x108;
	s8 =	sld [smem:$0x3FB2]  }
0x2e: {  	s3 =	simm.s32 @!p0 $0x1082;
	s9 =	sld [smem:$0x3FB3]  }
0x2f: {  	lr =	sadd.s32 s0, s3;
	s0 =	sld [smem:$0x3FAA]  }
0x30: {  	s3 =	sld [smem:$0x3FAD]  }
0x31: {  	[smem:$0x3FB6] =	sst s10  }
0x32: {  	s10 =	sld [smem:$0x3FB4];
	_ =	sdelay $0x3  }
0x33: {  	p0 =	seq.s32 s10, $0x1;
	s10 =	sld [smem:$0x3FB6];
	_ =	sdelay $0x3  }
0x34: {  	[smem:$0x3FB6] =	sst s10  }
0x35: {  	s10 =	sld [smem:$0x3FB5];
	_ =	sdelay $0x3  }
0x36: {  	p1 =	seq.s32 s10, $0x1;
	s10 =	sld [smem:$0x3FB6];
	_ =	sdelay $0x3  }
0x37: {  	[smem:$0x3FB6] =	sst s10  }
0x38: {  	s10 =	sld [smem:$0x3FB7]  }
0x39: {  	_ = 	snop;
	(pc) =	sbr.ind lr, $3  }
0x3a: {  	_ = 	snop  }
0x3b: {  	_ = 	snop  }
0x3c: {  	p2 =	seq.s32 s10, $0x1;
	s10 =	sld [smem:$0x3FB6]  }
0x3d: {  	_ =	shalt  }
0x3e: {  	_ =	shalt  }
0x3f: {  	_ =	shalt  }
0x40: {  	_ =	shalt  }
0x41: {  	_ =	shalt  }
0x42: {  	_ =	shalt  }
0x43: {  	_ =	shalt  }
0x44: {  	_ =	shalt  }
0x45: {  	_ =	shalt  }
0x46: {  	_ =	shalt  }
0x47: {  	_ =	shalt  }
0x48: {  	_ =	shalt  }
0x49: {  	_ =	shalt  }
0x4a: {  	_ =	shalt  }
0x4b: {  	_ =	shalt  }
0x4c: {  	_ =	shalt  }
0x4d: {  	_ =	shalt  }
0x4e: {  	_ =	shalt  }
0x4f: {  	_ =	shalt  }
0x50: {  	_ =	shalt  }
0x51: {  	_ =	shalt  }
0x52: {  	_ =	shalt  }
0x53: {  	_ =	shalt  }
0x54: {  	_ =	shalt  }
0x55: {  	_ =	shalt  }
0x56: {  	_ =	shalt  }
0x57: {  	_ =	shalt  }
0x58: {  	_ =	shalt  }
0x59: {  	_ =	shalt  }
0x5a: {  	_ =	shalt  }
0x5b: {  	_ =	shalt  }
0x5c: {  	_ =	shalt  }
0x5d: {  	_ =	shalt  }
0x5e: {  	_ =	shalt  }
0x5f: {  	_ =	shalt  }
0x60: {  	_ =	shalt  }
0x61: {  	_ =	shalt  }
0x62: {  	_ =	shalt  }
0x63: {  	_ =	shalt  }
0x64: {  	_ =	shalt  }
0x65: {  	_ =	shalt  }
0x66: {  	_ =	shalt  }
0x67: {  	_ =	shalt  }
0x68: {  	_ =	shalt  }
0x69: {  	_ =	shalt  }
0x6a: {  	_ =	shalt  }
0x6b: {  	_ =	shalt  }
0x6c: {  	_ =	shalt  }
0x6d: {  	_ =	shalt  }
0x6e: {  	_ =	shalt  }
0x6f: {  	_ =	shalt  }
0x70: {  	_ =	shalt  }
0x71: {  	_ =	shalt  }
0x72: {  	_ =	shalt  }
0x73: {  	_ =	shalt  }
0x74: {  	_ =	shalt  }
0x75: {  	_ =	shalt  }
0x76: {  	_ =	shalt  }
0x77: {  	_ =	shalt  }
0x78: {  	_ =	shalt  }
0x79: {  	_ =	shalt  }
0x7a: {  	_ =	shalt  }
0x7b: {  	_ =	shalt  }
0x7c: {  	_ =	shalt  }
0x7d: {  	_ =	shalt  }
0x7e: {  	_ =	shalt  }
0x7f: {  	_ =	shalt  }
0x80: {  	_ =	shalt  }
0x81: {  	_ =	shalt  }
0x82: {  	_ =	shalt  }
0x83: {  	_ =	shalt  }
0x84: {  	_ =	shalt  }
0x85: {  	_ =	shalt  }
0x86: {  	_ =	shalt  }
0x87: {  	_ =	shalt  }
.Lfunc_end0:
.L_simem_size_0:
called_computation_lowered:
.L_overlay_start_0:
0x88: {  	s2 =	sld [smem:$0x3FD9]  }
0x89: {  	s3 =	sld [smem:$0x3FFE];
	_ =	sdelay $0x1  }
0x8a: {  	s1 =	srdreg.scid  }
0x8b: {  	s0 =	sand.u32 $0x1, s1  }
0x8c: {  	s17 =	sshll.u32 s0, $0xA;
	s2 =	sadd.s32 s3, s2  }
0x8d: {  	s2 =	sadd.s32 s2, s17  }
0x8e: {  	[smem:$0x3FC2] =	sst s2  }
0x8f: {  	_ = 	snop  }
0x90: {  	s2 =	sld [smem:$0x3FC9]  }
0x91: {  	s18 =	sld [smem:$0x3FD0];
	(tm) =	ssettm $0x1  }
0x92: {  	s4 =	sld [smem:$0x3FFB];
	_ =	sdelay $0x3  }
0x93: {  	_ =	strace s4  }
0x94: {  	s4 =	sld [smem:$0x3FFC];
	_ =	sdelay $0x3  }
0x95: {  	_ =	strace s4  }
0x96: {  	s4 =	sld [smem:$0x3FFD];
	_ =	sdelay $0x3  }
0x97: {  	_ =	strace s4  }
0x98: {  	_ =	strace $0x8FFFFFFF  }
0x99: {  	s19 =	sld [smem:$0x3FDB];
	_ =	sdelay $0x1  }
0x9a: {  	s5 =	simm.s32 $_scs_section_size  }
0x9b: {  	s6 =	simm.s32 $_size__tile_overlayer_lowered;
	s7 =	simm.s32 $_tile_overlayer_lowered  }
0x9c: {  	s22 =	simm.s32 $0x1BFF;
	s21 =	sshll.u32 s7, $0x1;
	s4 =	sadd.s32 s5, s19  }
0x9d: {  	s8 =	simm.s32 $0x0;
	s20 =	sshll.u32 s6, $0x1;
	s6 =	sadd.s32 s21, s4  }
0x9e: {  	[timem:s8], [sflag:s22] =	dma.local [hbm:s6], s20  }
0x9f: {  	_ =	swait.ge [sflag:s22], s20  }
0xa0: {  	s5 =	ssub.s32 $0x0, s20;
	[sflag:s22] =	ssyncset.done $0x0  }
0xa1: {  	[sflag:s22] =	ssyncadd.s32 s5;
	_ =	sdelay $0x1  }
0xa2: {  	s23 =	simm.s32 $0x1B8B  }
0xa3: {  	_ =	swait.ge [sflag:s23], $0x1  }
0xa4: {  	[sflag:s23] =	ssyncset.done $0x0  }
0xa5: {  	s25 =	simm.s32 $0x1B8E;
	s24 =	sld [smem:$0x3FFE];
	[sflag:s23] =	ssyncadd.s32 $0xFFFFFFFF  }
0xa6: {  	s26 =	simm.s32 $execute0_lowered;
	[smem:$0x3FD2] =	sst s25  }
0xa7: {  	s6 =	sshll.u32 s26, $0x1;
	_ =	strace $0x80000046;
	[dreg:$0x1] =	wrdreg $0xFFFFFFFF  }
0xa8: {  	s28 =	simm.s32 $_size_execute0_lowered;
	s4 =	sadd.s32 s4, s6;
	[dreg:$0x0] =	wrdreg $0x0  }
0xa9: {  	s6 =	sshll.u32 s28, $0x1;
	[dreg:$0x2] =	wrdreg s4  }
0xaa: {  	[dreg:$0x3] =	wrdreg s6  }
0xab: {  	[dreg:$0x4] =	wrdreg $0xC0  }
0xac: {  	_ =	task [dreg:s8], $0x5FFFF  }
0xad: {  	[dreg:$0x1] =	wrdreg $0xFFFFFFFF  }
0xae: {  	[dreg:$0x0] =	wrdreg $0x60  }
0xaf: {  	[dreg:$0x2] =	wrdreg s2  }
0xb0: {  	[dreg:$0x3] =	wrdreg s24  }
0xb1: {  	[dreg:$0x4] =	wrdreg s18  }
0xb2: {  	[dreg:$0x5] =	wrdreg $0x9  }
0xb3: {  	_ =	task.clear_ibuf [dreg:s8], $0x6FFFF;
	_ =	strace $0x90000046  }
0xb4: {  	s29 =	simm.s32 $0x9;
	_ =	strace $0x80000048  }
0xb5: {  	_ =	swait.ge [sflag:s29], $0x1  }
0xb6: {  	[sflag:s29] =	ssyncadd.s32 $0xFFFFFFFF  }
0xb7: {  	_ =	strace $0x90000048  }
0xb8: {  	_ =	sfence  }
0xb9: {  	s30 =	sld [smem:$0x0];
	_ =	sdelay $0x2  }
0xba: {  	s31 =	sshll.u32 s1, $0xD;
	s1 =	sshrl.u32 s1, $0x2  }
0xbb: {  	s3 =	sand.u32 $0x4000, s31;
	s1 =	sadd.s32 s1, s30  }
0xbc: {  	s0 =	sor.u32 s3, s0;
	s1 =	sshll.u32 s1, $0x11  }
0xbd: {  	s0 =	sor.u32 s1, s0  }
0xbe: {  	s0 =	sadd.s32 $0x8F2B, s0  }
0xbf: {  	[sflag:s0] =	ssyncadd.remote.s32 $0x1  }
0xc0: {  	_ =	sfence.sel $0xFFFF  }
0xc1: {  	[dreg:$0x0] =	wrdreg $0xFFFFFFFF;
	(pc) =	sbr.abs _section_cstart, $3  }
0xc2: {  	[dreg:$0x1] =	wrdreg $0xFFFFFFFF  }
0xc3: {  	_ =	task.clear_ibuf [dreg:s8], $0x2FFFF;
	_ =	strace $0x9FFFFFFF  }
0xc4: {  	(tm) =	ssettm $0x7FFFFFFF  }
0xc5: {  	_ =	shalt  }
tec
execute0_lowered:
.L_overlay_start_1:
0x0: {  	(tag) =	ssettag $0x1  }
0x1: {  	s2 =	rddreg [dreg:$0x0]  }
0x2: {  	s0 =	rddreg [dreg:$0x1]  }
0x3: {  	s1 =	rddreg [dreg:$0x2];
	s3 =	srdreg.scid  }
0x4: {  	s7 =	simm.s32 $0x0;
	s8 =	stileid.u32;
	s3 =	sand.u32 $0x1, s3  }
0x5: {  	[smem:$0x7FF] =	sst s7;
	s5 =	sadd.s32 $0x1200, s0;
	s6 =	sshll.u32 s8, $0x7  }
0x6: {  	s23 =	sadd.s32 $0x100, s2;
	_ =	strace $0x80000047;
	[dreg:$0x4] =	wrdreg s5  }
0x7: {  	s22 =	sshll.u32 s8, $0xF;
	s24 =	sadd.s32 $0x200, s2;
	[dreg:$0x7] =	wrdreg s23  }
0x8: {  	s2 =	sadd.s32 $0x300, s2;
	s4 =	sshll.u32 s3, $0x6;
	[dreg:$0x8] =	wrdreg s24  }
0x9: {  	s20 =	ssub.s32 $0x2, s3;
	s3 =	sshll.u32 s3, $0xE;
	[dreg:$0xa] =	wrdreg s2  }
0xa: {  	s4 =	sadd.s32 s4, s0;
	s0 =	sadd.s32 $0x1000, s0;
	s3 =	sor.u32 s3, s22  }
0xb: {  	[dreg:$0x5] =	wrdreg s0;
	s4 =	sadd.s32 s6, s4;
	s1 =	sadd.s32 s1, s3  }
0xc: {  	s4 =	sadd.s32 $0x800, s4;
	[dreg:$0x9] =	wrdreg s1  }
0xd: {  	s25 =	sadd.s32 $0x800, s1;
	[dreg:$0x6] =	wrdreg s4  }
0xe: {  	s26 =	sadd.s32 $0x1000, s1;
	[dreg:$0xb] =	wrdreg s25  }
0xf: {  	s28 =	sadd.s32 $0x1800, s1;
	[dreg:$0xc] =	wrdreg s26  }
0x10: {  	s29 =	sadd.s32 $0x2000, s1;
	[dreg:$0xd] =	wrdreg s28  }
0x11: {  	s30 =	sadd.s32 $0x2800, s1;
	[dreg:$0xe] =	wrdreg s29  }
0x12: {  	s21 =	sshrl.u32 s20, $0x1;
	s31 =	sadd.s32 $0x3000, s1;
	[dreg:$0xf] =	wrdreg s30  }
0x13: {  	v2 =	vlaneseq.u32;
	s0 =	ssub.s32 s20, s21;
	s1 =	sadd.s32 $0x3800, s1;
	[dreg:$0x10] =	wrdreg s31  }
0x14: {  	vm0 =	vmmov $0xffff;
	v1 =	vshrl.u32 v2, $0x3;
	s0 =	smax.u32 s0, $0x1;
	[dreg:$0x11] =	wrdreg s1  }
0x15: {  	v0 =	vand.u32 $0x7, v2;
	v2 =	vor.u32 $0x8, v2;
	v1 =	vmul.u32 $0x8, v1;
	s2 =	simm.s32 $0x0;
	[dreg:$0x12] =	wrdreg s0  }
.LBB2_1:
0x16: {  	[dreg:$0x13] =	wrdreg s2  }
0x17: {  	s0 =	rddreg [dreg:$0x4];
	s1 =	simm.s32 $0x1CA00  }
0x18: {  	[tilespmem:s1], [sflag:$0x8] =	stream.linear.gather [hbm4b:s0+s7], $0x100, $0x38;
	[tilespmem:$0x1CB00] =	vst v63  }
0x19: {  	s21 =	rddreg [dreg:$0x5];
	s22 =	simm.s32 $0x1C200  }
0x1a: {  	[tilespmem:s22], [sflag:$0x8] =	stream.linear.gather [hbm4b:s21+s7], $0x400, $0x38;
	[tilespmem:$0x1CB00] =	vst v63  }
0x1b: {  	s23 =	rddreg [dreg:$0x6];
	s24 =	simm.s32 $0x9  }
0x1c: {  	[tilespmem:s7], [sflag:$0x9] =	stream.linear.gather [hbm4b:s23+s7], $0x200, $0x38;
	[tilespmem:$0x1CB00] =	vst v63  }
0x1d: {  	_ =	swait.ge [sflag:s24], $0x200  }
0x1e: {  	[sflag:s24] =	ssyncset.done $0x0  }
0x1f: {  	[sflag:s24] =	ssyncadd.s32 $0xFFFFFE00  }
0x20: {  	v3 =	vld [tilespmem:$0x0];
	_ =	sdelay $0x4  }
0x21: {  	v4 =	vshll.u32 v3, $0x3  }
0x22: {  	v3 =	vand.u32 $0x7, v3;
	v4 =	vand.u32 $0xFFFFFFC0, v4  }
0x23: {  	v3 =	vor.u32 v3, v4  }
0x24: {  	v4 =	vperm.xlane v3, v0;
	_ =	sdelay $0x1  }
0x25: {  	v4 =	vadd.s32 v1, v4;
	_ =	sdelay $0x3  }
0x26: {  	s25 =	simm.s32 $0x200;
	s0 =	rddreg [dreg:$0x0]  }
0x27: {  	[tilespmem:s25], [sflag:$0x1] =	stream.indirect_vreg.gather [hbm4b:s0+s7], $0x80, v4, vm0, $0xb8;
	[tilespmem:$0x1CB00] =	vst v63  }
0x28: {  	s26 =	simm.s32 $0xA00;
	s1 =	rddreg [dreg:$0x7];
	v3 =	vperm.xlane v3, v2  }
0x29: {  	[tilespmem:s26], [sflag:$0x1] =	stream.indirect_vreg.gather [hbm4b:s1+s7], $0x80, v4, vm0, $0xb8;
	[tilespmem:$0x1CB00] =	vst v63  }
0x2a: {  	s3 =	simm.s32 $0x1200;
	s2 =	rddreg [dreg:$0x8];
	v3 =	vadd.s32 v1, v3  }
0x2b: {  	[tilespmem:s3], [sflag:$0x1] =	stream.indirect_vreg.gather [hbm4b:s2+s7], $0x80, v4, vm0, $0xb8;
	[tilespmem:$0x1CB00] =	vst v63  }
0x2c: {  	s4 =	simm.s32 $0x1A00;
	s3 =	rddreg [dreg:$0xa]  }
0x2d: {  	[tilespmem:s4], [sflag:$0x1] =	stream.indirect_vreg.gather [hbm4b:s3+s7], $0x80, v4, vm0, $0xb8;
	[tilespmem:$0x1CB00] =	vst v63  }
0x2e: {  	s28 =	simm.s32 $0x2200  }
0x2f: {  	[tilespmem:s28], [sflag:$0x1] =	stream.indirect_vreg.gather [hbm4b:s0+s7], $0x80, v3, vm0, $0xb8;
	[tilespmem:$0x1CB00] =	vst v63  }
0x30: {  	s29 =	simm.s32 $0x2A00  }
0x31: {  	[tilespmem:s29], [sflag:$0x1] =	stream.indirect_vreg.gather [hbm4b:s1+s7], $0x80, v3, vm0, $0xb8;
	[tilespmem:$0x1CB00] =	vst v63  }
0x32: {  	s30 =	simm.s32 $0x3200  }
0x33: {  	[tilespmem:s30], [sflag:$0x1] =	stream.indirect_vreg.gather [hbm4b:s2+s7], $0x80, v3, vm0, $0xb8;
	[tilespmem:$0x1CB00] =	vst v63  }
0x34: {  	s31 =	simm.s32 $0x3A00  }
0x35: {  	[tilespmem:s31], [sflag:$0x1] =	stream.indirect_vreg.gather [hbm4b:s3+s7], $0x80, v3, vm0, $0xb8;
	[tilespmem:$0x1CB00] =	vst v63  }
0x36: {  	v3 =	vld [tilespmem:$0x10];
	_ =	sdelay $0x4  }
0x37: {  	v4 =	vshll.u32 v3, $0x3  }
0x38: {  	v3 =	vand.u32 $0x7, v3;
	v4 =	vand.u32 $0xFFFFFFC0, v4  }
0x39: {  	v3 =	vor.u32 v3, v4  }
0x3a: {  	v4 =	vperm.xlane v3, v0;
	_ =	sdelay $0x1  }
0x3b: {  	v4 =	vadd.s32 v1, v4;
	_ =	sdelay $0x3  }
0x3c: {  	s5 =	simm.s32 $0x4200  }
0x3d: {  	[tilespmem:s5], [sflag:$0x2] =	stream.indirect_vreg.gather [hbm4b:s0+s7], $0x80, v4, vm0, $0xb8;
	[tilespmem:$0x1CB00] =	vst v63  }
0x3e: {  	s6 =	simm.s32 $0x4A00;
	v3 =	vperm.xlane v3, v2  }
0x3f: {  	[tilespmem:s6], [sflag:$0x2] =	stream.indirect_vreg.gather [hbm4b:s1+s7], $0x80, v4, vm0, $0xb8;
	[tilespmem:$0x1CB00] =	vst v63  }
0x40: {  	s8 =	simm.s32 $0x5200;
	v3 =	vadd.s32 v1, v3  }
0x41: {  	[tilespmem:s8], [sflag:$0x2] =	stream.indirect_vreg.gather [hbm4b:s2+s7], $0x80, v4, vm0, $0xb8;
	[tilespmem:$0x1CB00] =	vst v63  }
0x42: {  	s9 =	simm.s32 $0x5A00  }
0x43: {  	[tilespmem:s9], [sflag:$0x2] =	stream.indirect_vreg.gather [hbm4b:s3+s7], $0x80, v4, vm0, $0xb8;
	[tilespmem:$0x1CB00] =	vst v63  }
0x44: {  	s10 =	simm.s32 $0x6200  }
0x45: {  	[tilespmem:s10], [sflag:$0x2] =	stream.indirect_vreg.gather [hbm4b:s0+s7], $0x80, v3, vm0, $0xb8;
	[tilespmem:$0x1CB00] =	vst v63  }
0x46: {  	s11 =	simm.s32 $0x6A00  }
0x47: {  	[tilespmem:s11], [sflag:$0x2] =	stream.indirect_vreg.gather [hbm4b:s1+s7], $0x80, v3, vm0, $0xb8;
	[tilespmem:$0x1CB00] =	vst v63  }
0x48: {  	s12 =	simm.s32 $0x7200  }
0x49: {  	[tilespmem:s12], [sflag:$0x2] =	stream.indirect_vreg.gather [hbm4b:s2+s7], $0x80, v3, vm0, $0xb8;
	[tilespmem:$0x1CB00] =	vst v63  }
0x4a: {  	s13 =	simm.s32 $0x7A00  }
0x4b: {  	[tilespmem:s13], [sflag:$0x2] =	stream.indirect_vreg.gather [hbm4b:s3+s7], $0x80, v3, vm0, $0xb8;
	[tilespmem:$0x1CB00] =	vst v63  }
0x4c: {  	v3 =	vld [tilespmem:$0x80];
	_ =	sdelay $0x4  }
0x4d: {  	v4 =	vshll.u32 v3, $0x3  }
0x4e: {  	v3 =	vand.u32 $0x7, v3;
	v4 =	vand.u32 $0xFFFFFFC0, v4  }
0x4f: {  	v3 =	vor.u32 v3, v4  }
0x50: {  	v4 =	vperm.xlane v3, v0;
	_ =	sdelay $0x1  }
0x51: {  	v4 =	vadd.s32 v1, v4;
	_ =	sdelay $0x3  }
0x52: {  	s14 =	simm.s32 $0x8200  }
0x53: {  	[tilespmem:s14], [sflag:$0x3] =	stream.indirect_vreg.gather [hbm4b:s0+s7], $0x80, v4, vm0, $0xb8;
	[tilespmem:$0x1CB00] =	vst v63  }
0x54: {  	s15 =	simm.s32 $0x8A00;
	v3 =	vperm.xlane v3, v2  }
0x55: {  	[tilespmem:s15], [sflag:$0x3] =	stream.indirect_vreg.gather [hbm4b:s1+s7], $0x80, v4, vm0, $0xb8;
	[tilespmem:$0x1CB00] =	vst v63  }
0x56: {  	s16 =	simm.s32 $0x9200;
	v3 =	vadd.s32 v1, v3  }
0x57: {  	[tilespmem:s16], [sflag:$0x3] =	stream.indirect_vreg.gather [hbm4b:s2+s7], $0x80, v4, vm0, $0xb8;
	[tilespmem:$0x1CB00] =	vst v63  }
0x58: {  	s17 =	simm.s32 $0x9A00  }
0x59: {  	[tilespmem:s17], [sflag:$0x3] =	stream.indirect_vreg.gather [hbm4b:s3+s7], $0x80, v4, vm0, $0xb8;
	[tilespmem:$0x1CB00] =	vst v63  }
0x5a: {  	s18 =	simm.s32 $0xA200  }
0x5b: {  	[tilespmem:s18], [sflag:$0x3] =	stream.indirect_vreg.gather [hbm4b:s0+s7], $0x80, v3, vm0, $0xb8;
	[tilespmem:$0x1CB00] =	vst v63  }
0x5c: {  	s19 =	simm.s32 $0xAA00  }
0x5d: {  	[tilespmem:s19], [sflag:$0x3] =	stream.indirect_vreg.gather [hbm4b:s1+s7], $0x80, v3, vm0, $0xb8;
	[tilespmem:$0x1CB00] =	vst v63  }
0x5e: {  	s20 =	simm.s32 $0xB200  }
0x5f: {  	[tilespmem:s20], [sflag:$0x3] =	stream.indirect_vreg.gather [hbm4b:s2+s7], $0x80, v3, vm0, $0xb8;
	[tilespmem:$0x1CB00] =	vst v63  }
0x60: {  	s21 =	simm.s32 $0xBA00  }
0x61: {  	[tilespmem:s21], [sflag:$0x3] =	stream.indirect_vreg.gather [hbm4b:s3+s7], $0x80, v3, vm0, $0xb8;
	[tilespmem:$0x1CB00] =	vst v63  }
0x62: {  	v3 =	vld [tilespmem:$0x90];
	_ =	sdelay $0x4  }
0x63: {  	v4 =	vshll.u32 v3, $0x3  }
0x64: {  	v3 =	vand.u32 $0x7, v3;
	v4 =	vand.u32 $0xFFFFFFC0, v4  }
0x65: {  	v3 =	vor.u32 v3, v4  }
0x66: {  	v4 =	vperm.xlane v3, v0;
	_ =	sdelay $0x1  }
0x67: {  	v4 =	vadd.s32 v1, v4;
	_ =	sdelay $0x3  }
0x68: {  	s22 =	simm.s32 $0xC200  }
0x69: {  	[tilespmem:s22], [sflag:$0x4] =	stream.indirect_vreg.gather [hbm4b:s0+s7], $0x80, v4, vm0, $0xb8;
	[tilespmem:$0x1CB00] =	vst v63  }
0x6a: {  	s23 =	simm.s32 $0xCA00;
	v3 =	vperm.xlane v3, v2  }
0x6b: {  	[tilespmem:s23], [sflag:$0x4] =	stream.indirect_vreg.gather [hbm4b:s1+s7], $0x80, v4, vm0, $0xb8;
	[tilespmem:$0x1CB00] =	vst v63  }
0x6c: {  	s24 =	simm.s32 $0xD200;
	v3 =	vadd.s32 v1, v3  }
0x6d: {  	[tilespmem:s24], [sflag:$0x4] =	stream.indirect_vreg.gather [hbm4b:s2+s7], $0x80, v4, vm0, $0xb8;
	[tilespmem:$0x1CB00] =	vst v63  }
0x6e: {  	s25 =	simm.s32 $0xDA00  }
0x6f: {  	[tilespmem:s25], [sflag:$0x4] =	stream.indirect_vreg.gather [hbm4b:s3+s7], $0x80, v4, vm0, $0xb8;
	[tilespmem:$0x1CB00] =	vst v63  }
0x70: {  	s26 =	simm.s32 $0xE200  }
0x71: {  	[tilespmem:s26], [sflag:$0x4] =	stream.indirect_vreg.gather [hbm4b:s0+s7], $0x80, v3, vm0, $0xb8;
	[tilespmem:$0x1CB00] =	vst v63  }
0x72: {  	s28 =	simm.s32 $0xEA00  }
0x73: {  	[tilespmem:s28], [sflag:$0x4] =	stream.indirect_vreg.gather [hbm4b:s1+s7], $0x80, v3, vm0, $0xb8;
	[tilespmem:$0x1CB00] =	vst v63  }
0x74: {  	s29 =	simm.s32 $0xF200  }
0x75: {  	[tilespmem:s29], [sflag:$0x4] =	stream.indirect_vreg.gather [hbm4b:s2+s7], $0x80, v3, vm0, $0xb8;
	[tilespmem:$0x1CB00] =	vst v63  }
0x76: {  	s30 =	simm.s32 $0xFA00;
	s31 =	simm.s32 $0x8  }
0x77: {  	[tilespmem:s30], [sflag:$0x4] =	stream.indirect_vreg.gather [hbm4b:s3+s7], $0x80, v3, vm0, $0xb8;
	[tilespmem:$0x1CB00] =	vst v63  }
0x78: {  	_ =	swait.ge [sflag:s31], $0x100  }
0x79: {  	[sflag:s31] =	ssyncset.done $0x0  }
0x7a: {  	[sflag:s31] =	ssyncadd.s32 $0xFFFFFF00  }
0x7b: {  	_ =	swait.ge [sflag:s31], $0x400  }
0x7c: {  	[sflag:s31] =	ssyncset.done $0x0  }
0x7d: {  	[sflag:s31] =	ssyncadd.s32 $0xFFFFFC00  }
0x7e: {  	v3 =	vld [tilespmem:$0x1CA80]  }
0x7f: {  	s0 =	simm.s32 $0x0;
	v4 =	vld [tilespmem:$0x1CA00]  }
0x80: {  	v5 =	vld [tilespmem:s0+$0x1C200]  }
0x81: {  	s1 =	simm.s32 $0x40  }
.LBB2_2:
0x82: {  	p0 =	sne.s32 s1, $0xFC0  }
.Ltmp0:
0x83: {  	_ = 	snop;
	(pc) =	sbr.rel @p0 .LBB2_2-.Ltmp0, $4  }
0x84: {  	_ = 	snop  }
0x85: {  	s3 =	sshra.s32 s1, $0x2;
	s1 =	sadd.s32 $0x40, s1;
	v6 =	vmul.f32 v5, v4  }
0x86: {  	v5 =	vld [tilespmem:s3+$0x1C200]  }
0x87: {  	[tilespmem:s0+$0x1C600] =	vst v6;
	s0 =	smov.u32 s3  }
0x88: {  	_ =	sdelay $0x2  }
0x89: {  	v4 =	vmul.f32 v5, v4;
	_ =	sdelay $0x1  }
0x8a: {  	[tilespmem:s0+$0x1C600] =	vst v4  }
0x8b: {  	v4 =	vld [tilespmem:$0x100];
	_ =	sdelay $0x4  }
0x8c: {  	v5 =	vshll.u32 v4, $0x3  }
0x8d: {  	v4 =	vand.u32 $0x7, v4;
	v5 =	vand.u32 $0xFFFFFFC0, v5  }
0x8e: {  	v4 =	vor.u32 v4, v5  }
0x8f: {  	v5 =	vperm.xlane v4, v0;
	_ =	sdelay $0x1  }
0x90: {  	v5 =	vadd.s32 v1, v5;
	_ =	sdelay $0x3  }
0x91: {  	s5 =	simm.s32 $0x0;
	s22 =	rddreg [dreg:$0x0];
	s1 =	simm.s32 $0x10200  }
0x92: {  	[tilespmem:s1], [sflag:$0x5] =	stream.indirect_vreg.gather [hbm4b:s22+s5], $0x80, v5, vm0, $0xb8;
	[tilespmem:$0x1CB00] =	vst v63  }
0x93: {  	s23 =	rddreg [dreg:$0x7];
	s2 =	simm.s32 $0x10A00;
	v4 =	vperm.xlane v4, v2  }
0x94: {  	[tilespmem:s2], [sflag:$0x5] =	stream.indirect_vreg.gather [hbm4b:s23+s5], $0x80, v5, vm0, $0xb8;
	[tilespmem:$0x1CB00] =	vst v63  }
0x95: {  	s24 =	rddreg [dreg:$0x8];
	s3 =	simm.s32 $0x11200;
	v4 =	vadd.s32 v1, v4  }
0x96: {  	[tilespmem:s3], [sflag:$0x5] =	stream.indirect_vreg.gather [hbm4b:s24+s5], $0x80, v5, vm0, $0xb8;
	[tilespmem:$0x1CB00] =	vst v63  }
0x97: {  	s25 =	rddreg [dreg:$0xa];
	s4 =	simm.s32 $0x11A00  }
0x98: {  	[tilespmem:s4], [sflag:$0x5] =	stream.indirect_vreg.gather [hbm4b:s25+s5], $0x80, v5, vm0, $0xb8;
	[tilespmem:$0x1CB00] =	vst v63  }
0x99: {  	s26 =	simm.s32 $0x12200  }
0x9a: {  	[tilespmem:s26], [sflag:$0x5] =	stream.indirect_vreg.gather [hbm4b:s22+s5], $0x80, v4, vm0, $0xb8;
	[tilespmem:$0x1CB00] =	vst v63  }
0x9b: {  	s28 =	simm.s32 $0x12A00  }
0x9c: {  	[tilespmem:s28], [sflag:$0x5] =	stream.indirect_vreg.gather [hbm4b:s23+s5], $0x80, v4, vm0, $0xb8;
	[tilespmem:$0x1CB00] =	vst v63  }
0x9d: {  	s29 =	simm.s32 $0x13200  }
0x9e: {  	[tilespmem:s29], [sflag:$0x5] =	stream.indirect_vreg.gather [hbm4b:s24+s5], $0x80, v4, vm0, $0xb8;
	[tilespmem:$0x1CB00] =	vst v63  }
0x9f: {  	s30 =	simm.s32 $0x13A00;
	s31 =	simm.s32 $0x1  }
0xa0: {  	[tilespmem:s30], [sflag:$0x5] =	stream.indirect_vreg.gather [hbm4b:s25+s5], $0x80, v4, vm0, $0xb8;
	[tilespmem:$0x1CB00] =	vst v63  }
0xa1: {  	_ =	swait.ge [sflag:s31], $0x4000  }
0xa2: {  	[sflag:s31] =	ssyncset.done $0x0  }
0xa3: {  	s5 =	simm.s32 $0x0;
	[sflag:s31] =	ssyncadd.s32 $0xFFFFC000  }
.LBB2_4:
0xa4: {  	s0 =	sshll.u32 s5, $0x9;
	s1 =	simm.s32 $0x0  }
0xa5: {  	s6 =	sand.u32 $0x1C00, s0;
	s18 =	sand.u32 $0x2000, s1  }
0xa6: {  	s1 =	sand.u32 $0x300, s1;
	s0 =	sor.u32 s6, s18  }
0xa7: {  	s3 =	sshll.u32 s5, $0x6;
	s15 =	sor.u32 s1, s0  }
0xa8: {  	s12 =	sand.u32 $0x40, s3;
	s4 =	sor.u32 $0x80, s15  }
0xa9: {  	s19 =	sor.u32 s12, s4  }
0xaa: {  	v4 =	vld [tilespmem:s19+$0x200];
	_ =	sdelay $0x1  }
0xab: {  	s21 =	simm.s32 $0x800;
	s13 =	simm.s32 $0x100;
	v7 =	vld [tilespmem:s3+$0x1C600]  }
0xac: {  	s20 =	sand.u32 $0x380, s3;
	s13 =	sand.u32 $0x300, s13;
	s8 =	sor.u32 s12, s15  }
0xad: {  	s11 =	sor.u32 $0x10, s12;
	s7 =	sadd.s32 $0x1C600, s20;
	s0 =	sand.u32 $0x2000, s21;
	v8 =	vld [tilespmem:s8+$0x200]  }
0xae: {  	s3 =	sor.u32 $0x20, s12;
	s9 =	sor.u32 s11, s7;
	s14 =	sor.u32 s6, s0;
	v4 =	vmul.f32 v4, v3  }
0xaf: {  	s22 =	sor.u32 s3, s7;
	v6 =	vld [tilespmem:s9+$0x0];
	s0 =	sor.u32 $0x30, s12;
	s16 =	sor.u32 s13, s14  }
0xb0: {  	v5 =	vld [tilespmem:s22+$0x0];
	s7 =	sor.u32 s0, s7;
	s9 =	sor.u32 $0x80, s16;
	v9 =	vadd.f32 v4, v7  }
0xb1: {  	s23 =	sor.u32 s12, s9;
	v4 =	vld [tilespmem:s7+$0x0]  }
0xb2: {  	s24 =	sor.u32 s11, s4;
	v8 =	vmul.f32 v8, v3;
	[tilespmem:s19+$0x14200] =	vst v9;
	v9 =	vld [tilespmem:s23+$0x200]  }
0xb3: {  	v10 =	vld [tilespmem:s24+$0x200]  }
0xb4: {  	s14 =	sor.u32 s12, s16;
	v8 =	vadd.f32 v8, v7  }
0xb5: {  	s25 =	simm.s32 $0x1000;
	v11 =	vld [tilespmem:s14+$0x200]  }
0xb6: {  	s31 =	simm.s32 $0x200;
	s26 =	sand.u32 $0x2000, s25;
	s17 =	sor.u32 s11, s15;
	[tilespmem:s8+$0x14200] =	vst v8  }
0xb7: {  	s13 =	sand.u32 $0x300, s31;
	s8 =	sor.u32 s6, s26;
	v8 =	vld [tilespmem:s17+$0x200];
	v9 =	vmul.f32 v9, v3  }
0xb8: {  	s21 =	sor.u32 s13, s8;
	v10 =	vmul.f32 v10, v3  }
0xb9: {  	s13 =	sor.u32 $0x80, s21;
	v9 =	vadd.f32 v9, v7  }
0xba: {  	v11 =	vmul.f32 v11, v3;
	s2 =	sor.u32 s12, s13;
	v10 =	vadd.f32 v10, v6  }
0xbb: {  	s10 =	sor.u32 s11, s9;
	[tilespmem:s23+$0x14200] =	vst v9;
	v9 =	vld [tilespmem:s2+$0x200]  }
0xbc: {  	s18 =	sor.u32 s3, s4;
	v11 =	vadd.f32 v11, v7;
	v8 =	vmul.f32 v8, v3;
	[tilespmem:s24+$0x14200] =	vst v10;
	v10 =	vld [tilespmem:s10+$0x200]  }
0xbd: {  	s19 =	sor.u32 s12, s21;
	v12 =	vld [tilespmem:s18+$0x200]  }
0xbe: {  	s20 =	sor.u32 s11, s16;
	[tilespmem:s14+$0x14200] =	vst v11;
	v11 =	vld [tilespmem:s19+$0x200];
	v8 =	vadd.f32 v8, v6;
	s23 =	simm.s32 $0x1800  }
0xbf: {  	v13 =	vld [tilespmem:s20+$0x200];
	s1 =	sand.u32 $0x2000, s23;
	s24 =	simm.s32 $0x300  }
0xc0: {  	s22 =	sor.u32 s3, s15;
	[tilespmem:s17+$0x14200] =	vst v8;
	s1 =	sor.u32 s6, s1;
	s14 =	sand.u32 $0x300, s24;
	v8 =	vmul.f32 v9, v3  }
0xc1: {  	s1 =	sor.u32 s14, s1;
	v9 =	vld [tilespmem:s22+$0x200];
	v10 =	vmul.f32 v10, v3  }
0xc2: {  	s25 =	sor.u32 s12, s1;
	s14 =	sor.u32 $0x80, s1;
	v8 =	vadd.f32 v8, v7;
	v12 =	vmul.f32 v12, v3  }
0xc3: {  	v11 =	vmul.f32 v11, v3;
	v14 =	vld [tilespmem:s25+$0x200];
	s23 =	sor.u32 s12, s14;
	v10 =	vadd.f32 v10, v6  }
0xc4: {  	s24 =	sor.u32 s11, s13;
	[tilespmem:s2+$0x14200] =	vst v8;
	v8 =	vmul.f32 v13, v3;
	v12 =	vadd.f32 v12, v5;
	v13 =	vld [tilespmem:s23+$0x200]  }
0xc5: {  	s7 =	sor.u32 s3, s9;
	v11 =	vadd.f32 v11, v7;
	[tilespmem:s10+$0x14200] =	vst v10;
	v10 =	vld [tilespmem:s24+$0x200]  }
0xc6: {  	s4 =	sor.u32 s0, s4;
	v9 =	vmul.f32 v9, v3;
	v8 =	vadd.f32 v8, v6;
	[tilespmem:s18+$0x14200] =	vst v12;
	v12 =	vld [tilespmem:s7+$0x200]  }
0xc7: {  	s30 =	sor.u32 s11, s21;
	[tilespmem:s19+$0x14200] =	vst v11;
	v11 =	vld [tilespmem:s4+$0x200]  }
0xc8: {  	s26 =	simm.s32 $0x2000;
	s10 =	sor.u32 s3, s16;
	v9 =	vadd.f32 v9, v5;
	[tilespmem:s20+$0x14200] =	vst v8;
	v8 =	vmul.f32 v14, v3;
	v14 =	vld [tilespmem:s30+$0x200]  }
0xc9: {  	s19 =	simm.s32 $0x400;
	s18 =	sand.u32 $0x2000, s26;
	v13 =	vmul.f32 v13, v3;
	v15 =	vld [tilespmem:s10+$0x200]  }
0xca: {  	s15 =	sor.u32 s0, s15;
	s31 =	sand.u32 $0x300, s19;
	s18 =	sor.u32 s6, s18;
	[tilespmem:s22+$0x14200] =	vst v9;
	v8 =	vadd.f32 v8, v7;
	v9 =	vmul.f32 v10, v3  }
0xcb: {  	s2 =	sor.u32 s31, s18;
	v10 =	vld [tilespmem:s15+$0x200];
	v13 =	vadd.f32 v13, v7;
	v12 =	vmul.f32 v12, v3  }
0xcc: {  	s20 =	sor.u32 s12, s2;
	s18 =	sor.u32 $0x80, s2;
	[tilespmem:s25+$0x14200] =	vst v8;
	v8 =	vadd.f32 v9, v6;
	v9 =	vmul.f32 v11, v3  }
0xcd: {  	v16 =	vld [tilespmem:s20+$0x200];
	s25 =	sor.u32 s12, s18;
	[tilespmem:s23+$0x14200] =	vst v13;
	v13 =	vmul.f32 v14, v3;
	v14 =	vadd.f32 v12, v5  }
0xce: {  	s29 =	sor.u32 s3, s21;
	v12 =	vld [tilespmem:s25+$0x200];
	s23 =	sor.u32 s11, s14;
	[tilespmem:s24+$0x14200] =	vst v8;
	v8 =	vmul.f32 v15, v3;
	v9 =	vadd.f32 v9, v4  }
0xcf: {  	s17 =	sor.u32 s0, s16;
	s28 =	sor.u32 s3, s1;
	v11 =	vld [tilespmem:s23+$0x200];
	s24 =	sor.u32 s3, s13;
	v13 =	vadd.f32 v13, v6;
	[tilespmem:s7+$0x14200] =	vst v14  }
0xd0: {  	s16 =	sor.u32 s0, s21;
	s21 =	sor.u32 s0, s9;
	s26 =	sor.u32 s11, s1;
	v14 =	vmul.f32 v10, v3;
	v10 =	vld [tilespmem:s24+$0x200];
	v15 =	vadd.f32 v8, v5;
	[tilespmem:s4+$0x14200] =	vst v9  }
0xd1: {  	s22 =	sor.u32 s0, s1;
	s1 =	simm.s32 $0x8;
	s9 =	sor.u32 s0, s2;
	v8 =	vld [tilespmem:s21+$0x200];
	[tilespmem:s30+$0x14200] =	vst v13  }
0xd2: {  	s7 =	simm.s32 $0x2800;
	s4 =	sor.u32 s11, s2;
	s30 =	sor.u32 s3, s2;
	v9 =	vadd.f32 v14, v4;
	v14 =	vmul.f32 v16, v3;
	v13 =	vld [tilespmem:s26+$0x200];
	[tilespmem:s10+$0x14200] =	vst v15  }
.LBB2_5:
0xd3: {  	s2 =	sand.u32 $0x2000, s7  }
0xd4: {  	v12 =	vmul.f32 v12, v3;
	s19 =	sadd.s32 $0x100, s19;
	v15 =	vld [tilespmem:s29+$0x200];
	[tilespmem:s15+$0x14200] =	vst v9;
	s8 =	smov.u32 s30;
	s15 =	smov.u32 s17  }
0xd5: {  	s1 =	sadd.s32 $0x2, s1;
	s2 =	sor.u32 s6, s2;
	s10 =	sand.u32 $0x300, s19;
	v9 =	vadd.f32 v14, v7;
	v11 =	vmul.f32 v11, v3;
	v14 =	vld [tilespmem:s17+$0x200]  }
0xd6: {  	s17 =	smov.u32 s16;
	s16 =	smov.u32 s22;
	s2 =	sor.u32 s10, s2;
	v12 =	vadd.f32 v12, v7;
	v10 =	vmul.f32 v10, v3  }
0xd7: {  	p0 =	slt.u32 s1, $0xE;
	s10 =	sor.u32 $0x80, s2;
	[tilespmem:s20+$0x14200] =	vst v9;
	s20 =	sor.u32 s12, s2;
	v9 =	vadd.f32 v11, v6;
	v8 =	vmul.f32 v8, v3  }
0xd8: {  	s31 =	sor.u32 s11, s2;
	s30 =	sor.u32 s3, s2;
	v16 =	vld [tilespmem:s20+$0x200];
	[tilespmem:s25+$0x14200] =	vst v12;
	s25 =	sor.u32 s12, s10;
	v13 =	vmul.f32 v13, v3;
	v10 =	vadd.f32 v10, v5  }
.Ltmp1:
0xd9: {  	s2 =	sor.u32 s0, s2;
	v12 =	vld [tilespmem:s25+$0x200];
	[tilespmem:s23+$0x14200] =	vst v9;
	s23 =	sor.u32 s11, s18;
	v9 =	vmul.f32 v15, v3;
	v8 =	vadd.f32 v8, v4;
	(pc) =	sbr.rel @p0 .LBB2_5-.Ltmp1, $4  }
0xda: {  	s22 =	smov.u32 s9;
	s9 =	smov.u32 s2;
	v11 =	vld [tilespmem:s23+$0x200];
	v13 =	vadd.f32 v13, v6;
	[tilespmem:s24+$0x14200] =	vst v10;
	s24 =	sor.u32 s3, s14;
	v14 =	vmul.f32 v14, v3  }
0xdb: {  	v10 =	vld [tilespmem:s24+$0x200];
	v15 =	vadd.f32 v9, v5;
	[tilespmem:s21+$0x14200] =	vst v8;
	s21 =	sor.u32 s0, s13;
	s13 =	smov.u32 s14;
	s14 =	smov.u32 s18  }
0xdc: {  	s18 =	smov.u32 s10;
	[tilespmem:s26+$0x14200] =	vst v13;
	v8 =	vld [tilespmem:s21+$0x200];
	v9 =	vadd.f32 v14, v4;
	s26 =	smov.u32 s4;
	s4 =	smov.u32 s31  }
0xdd: {  	s7 =	sadd.s32 $0x800, s7;
	v14 =	vmul.f32 v16, v3;
	v13 =	vld [tilespmem:s26+$0x200];
	[tilespmem:s29+$0x14200] =	vst v15;
	s29 =	smov.u32 s28;
	s28 =	smov.u32 s8  }
0xde: {  	v12 =	vmul.f32 v12, v3;
	_ =	sdelay $0x1  }
0xdf: {  	v12 =	vadd.f32 v12, v7  }
0xe0: {  	v39 =	vadd.f32 v14, v7  }
0xe1: {  	s1 =	sor.u32 s11, s18;
	[tilespmem:s25+$0x14200] =	vst v12  }
0xe2: {  	[tilespmem:s20+$0x14200] =	vst v39;
	v40 =	vld [tilespmem:s1+$0x200]  }
0xe3: {  	v41 =	vld [tilespmem:s4+$0x200];
	_ =	sdelay $0x1  }
0xe4: {  	v11 =	vmul.f32 v11, v3  }
0xe5: {  	v13 =	vmul.f32 v13, v3  }
0xe6: {  	v11 =	vadd.f32 v11, v6;
	v7 =	vmul.f32 v40, v3  }
0xe7: {  	v13 =	vadd.f32 v13, v6;
	v12 =	vmul.f32 v41, v3  }
0xe8: {  	v42 =	vld [tilespmem:s29+$0x200];
	s2 =	sor.u32 s3, s14;
	[tilespmem:s23+$0x14200] =	vst v11;
	v7 =	vadd.f32 v7, v6  }
0xe9: {  	v11 =	vld [tilespmem:s2+$0x200];
	[tilespmem:s26+$0x14200] =	vst v13;
	v43 =	vadd.f32 v12, v6  }
0xea: {  	s25 =	sor.u32 s3, s18;
	v44 =	vld [tilespmem:s28+$0x200];
	[tilespmem:s1+$0x14200] =	vst v7  }
0xeb: {  	[tilespmem:s4+$0x14200] =	vst v43;
	v7 =	vld [tilespmem:s25+$0x200]  }
0xec: {  	v45 =	vmul.f32 v10, v3;
	v46 =	vld [tilespmem:s30+$0x200]  }
0xed: {  	v47 =	vmul.f32 v42, v3  }
0xee: {  	v11 =	vmul.f32 v11, v3;
	v6 =	vadd.f32 v45, v5  }
0xef: {  	v13 =	vadd.f32 v47, v5;
	v12 =	vmul.f32 v44, v3  }
0xf0: {  	v48 =	vld [tilespmem:s17+$0x200];
	s26 =	sor.u32 s0, s13;
	v49 =	vadd.f32 v11, v5;
	[tilespmem:s24+$0x14200] =	vst v6;
	v7 =	vmul.f32 v7, v3  }
0xf1: {  	[tilespmem:s29+$0x14200] =	vst v13;
	v50 =	vld [tilespmem:s26+$0x200];
	v12 =	vadd.f32 v12, v5;
	v10 =	vmul.f32 v46, v3  }
0xf2: {  	s29 =	sor.u32 s0, s14;
	v13 =	vld [tilespmem:s16+$0x200];
	[tilespmem:s2+$0x14200] =	vst v49;
	v51 =	vadd.f32 v7, v5  }
0xf3: {  	v52 =	vld [tilespmem:s29+$0x200];
	[tilespmem:s28+$0x14200] =	vst v12;
	v5 =	vadd.f32 v10, v5  }
0xf4: {  	s31 =	sor.u32 s0, s18;
	v8 =	vmul.f32 v8, v3;
	v53 =	vld [tilespmem:s22+$0x200];
	[tilespmem:s25+$0x14200] =	vst v51  }
0xf5: {  	v54 =	vmul.f32 v48, v3;
	[tilespmem:s30+$0x14200] =	vst v5;
	v55 =	vld [tilespmem:s31+$0x200]  }
0xf6: {  	v56 =	vmul.f32 v50, v3;
	v5 =	vadd.f32 v8, v4;
	v57 =	vld [tilespmem:s9+$0x200]  }
0xf7: {  	[tilespmem:s15+$0x14200] =	vst v9;
	v6 =	vadd.f32 v54, v4;
	v58 =	vmul.f32 v13, v3  }
0xf8: {  	v7 =	vmul.f32 v52, v3;
	[tilespmem:s21+$0x14200] =	vst v5;
	v5 =	vadd.f32 v56, v4  }
0xf9: {  	s5 =	sadd.s32 $0x1, s5;
	[tilespmem:s17+$0x14200] =	vst v6;
	v59 =	vadd.f32 v58, v4;
	v60 =	vmul.f32 v53, v3  }
0xfa: {  	p0 =	sne.s32 s5, $0x10;
	[tilespmem:s26+$0x14200] =	vst v5;
	v5 =	vadd.f32 v7, v4;
	v61 =	vmul.f32 v55, v3  }
.Ltmp2:
0xfb: {  	[tilespmem:s16+$0x14200] =	vst v59;
	v62 =	vadd.f32 v60, v4;
	v63 =	vmul.f32 v57, v3;
	(pc) =	sbr.rel @p0 .LBB2_4-.Ltmp2, $4  }
0xfc: {  	[tilespmem:s29+$0x14200] =	vst v5;
	v5 =	vadd.f32 v61, v4  }
0xfd: {  	[tilespmem:s22+$0x14200] =	vst v62;
	v4 =	vadd.f32 v63, v4  }
0xfe: {  	[tilespmem:s31+$0x14200] =	vst v5  }
0xff: {  	[tilespmem:s9+$0x14200] =	vst v4  }
0x100: {  	s5 =	simm.s32 $0x0;
	s0 =	rddreg [dreg:$0x9];
	s1 =	simm.s32 $0x14200  }
0x101: {  	[hbm4b:s0+s5] =	stream.linear.scatter [tilespmem:s1], [sflag:$0x6], $0x4000, $0x38;
	[tilespmem:$0x1CB00] =	vst v63  }
0x102: {  	v4 =	vld [tilespmem:$0x110];
	_ =	sdelay $0x4  }
0x103: {  	v5 =	vshll.u32 v4, $0x3  }
0x104: {  	v4 =	vand.u32 $0x7, v4;
	v5 =	vand.u32 $0xFFFFFFC0, v5  }
0x105: {  	v4 =	vor.u32 v4, v5  }
0x106: {  	v5 =	vperm.xlane v4, v0;
	_ =	sdelay $0x1  }
0x107: {  	v5 =	vadd.s32 v1, v5;
	_ =	sdelay $0x3  }
0x108: {  	s21 =	rddreg [dreg:$0x0];
	s22 =	simm.s32 $0x200  }
0x109: {  	[tilespmem:s22], [sflag:$0x1] =	stream.indirect_vreg.gather [hbm4b:s21+s5], $0x80, v5, vm0, $0xb8;
	[tilespmem:$0x1CB00] =	vst v63  }
0x10a: {  	s23 =	rddreg [dreg:$0x7];
	s2 =	simm.s32 $0xA00;
	v4 =	vperm.xlane v4, v2  }
0x10b: {  	[tilespmem:s2], [sflag:$0x1] =	stream.indirect_vreg.gather [hbm4b:s23+s5], $0x80, v5, vm0, $0xb8;
	[tilespmem:$0x1CB00] =	vst v63  }
0x10c: {  	s24 =	rddreg [dreg:$0x8];
	s3 =	simm.s32 $0x1200;
	v4 =	vadd.s32 v1, v4  }
0x10d: {  	[tilespmem:s3], [sflag:$0x1] =	stream.indirect_vreg.gather [hbm4b:s24+s5], $0x80, v5, vm0, $0xb8;
	[tilespmem:$0x1CB00] =	vst v63  }
0x10e: {  	s25 =	rddreg [dreg:$0xa];
	s4 =	simm.s32 $0x1A00  }
0x10f: {  	[tilespmem:s4], [sflag:$0x1] =	stream.indirect_vreg.gather [hbm4b:s25+s5], $0x80, v5, vm0, $0xb8;
	[tilespmem:$0x1CB00] =	vst v63  }
0x110: {  	s26 =	simm.s32 $0x2200  }
0x111: {  	[tilespmem:s26], [sflag:$0x1] =	stream.indirect_vreg.gather [hbm4b:s21+s5], $0x80, v4, vm0, $0xb8;
	[tilespmem:$0x1CB00] =	vst v63  }
0x112: {  	s28 =	simm.s32 $0x2A00  }
0x113: {  	[tilespmem:s28], [sflag:$0x1] =	stream.indirect_vreg.gather [hbm4b:s23+s5], $0x80, v4, vm0, $0xb8;
	[tilespmem:$0x1CB00] =	vst v63  }
0x114: {  	s29 =	simm.s32 $0x3200  }
0x115: {  	[tilespmem:s29], [sflag:$0x1] =	stream.indirect_vreg.gather [hbm4b:s24+s5], $0x80, v4, vm0, $0xb8;
	[tilespmem:$0x1CB00] =	vst v63  }
0x116: {  	s30 =	simm.s32 $0x3A00;
	s31 =	simm.s32 $0x2  }
0x117: {  	[tilespmem:s30], [sflag:$0x1] =	stream.indirect_vreg.gather [hbm4b:s25+s5], $0x80, v4, vm0, $0xb8;
	[tilespmem:$0x1CB00] =	vst v63  }
0x118: {  	_ =	swait.ge [sflag:s31], $0x4000  }
0x119: {  	[sflag:s31] =	ssyncset.done $0x0  }
0x11a: {  	s2 =	simm.s32 $0x0;
	[sflag:s31] =	ssyncadd.s32 $0xFFFFC000  }
.LBB2_8:
0x11b: {  	s0 =	sshll.u32 s2, $0x9;
	s1 =	simm.s32 $0x0  }
0x11c: {  	s6 =	sand.u32 $0x1C00, s0;
	s16 =	sand.u32 $0x2000, s1  }
0x11d: {  	s1 =	sand.u32 $0x300, s1;
	s0 =	sor.u32 s6, s16  }
0x11e: {  	s17 =	sshll.u32 s2, $0x6;
	s15 =	sor.u32 s1, s0  }
0x11f: {  	s12 =	sand.u32 $0x40, s17;
	s4 =	sor.u32 $0x80, s15  }
0x120: {  	[dreg:$0x14] =	wrdreg s2;
	s18 =	sor.u32 s12, s4  }
0x121: {  	v4 =	vld [tilespmem:s18+$0x4200];
	_ =	sdelay $0x1  }
0x122: {  	s20 =	simm.s32 $0x800;
	s9 =	simm.s32 $0x100;
	v7 =	vld [tilespmem:s17+$0x1C600]  }
0x123: {  	s19 =	sand.u32 $0x380, s17;
	s9 =	sand.u32 $0x300, s9;
	s7 =	sor.u32 s12, s15  }
0x124: {  	s11 =	sor.u32 $0x10, s12;
	s2 =	sadd.s32 $0x1C600, s19;
	s0 =	sand.u32 $0x2000, s20;
	v8 =	vld [tilespmem:s7+$0x4200]  }
0x125: {  	s3 =	sor.u32 $0x20, s12;
	s8 =	sor.u32 s11, s2;
	s10 =	sor.u32 s6, s0;
	v4 =	vmul.f32 v4, v3  }
0x126: {  	s21 =	sor.u32 s3, s2;
	v6 =	vld [tilespmem:s8+$0x0];
	s0 =	sor.u32 $0x30, s12;
	s16 =	sor.u32 s9, s10  }
0x127: {  	v5 =	vld [tilespmem:s21+$0x0];
	s2 =	sor.u32 s0, s2;
	s9 =	sor.u32 $0x80, s16;
	v9 =	vadd.f32 v4, v7  }
0x128: {  	s22 =	sor.u32 s12, s9;
	v4 =	vld [tilespmem:s2+$0x0]  }
0x129: {  	s23 =	sor.u32 s11, s4;
	v8 =	vmul.f32 v8, v3;
	[tilespmem:s18+$0x18200] =	vst v9;
	v9 =	vld [tilespmem:s22+$0x4200]  }
0x12a: {  	v10 =	vld [tilespmem:s23+$0x4200]  }
0x12b: {  	s24 =	sor.u32 s12, s16;
	v8 =	vadd.f32 v8, v7  }
0x12c: {  	s25 =	simm.s32 $0x1000;
	v11 =	vld [tilespmem:s24+$0x4200]  }
0x12d: {  	s31 =	simm.s32 $0x200;
	s26 =	sand.u32 $0x2000, s25;
	s14 =	sor.u32 s11, s15;
	[tilespmem:s7+$0x18200] =	vst v8  }
0x12e: {  	s10 =	sand.u32 $0x300, s31;
	s7 =	sor.u32 s6, s26;
	v8 =	vld [tilespmem:s14+$0x4200];
	v9 =	vmul.f32 v9, v3  }
0x12f: {  	s21 =	sor.u32 s10, s7;
	v10 =	vmul.f32 v10, v3  }
0x130: {  	s13 =	sor.u32 $0x80, s21;
	v9 =	vadd.f32 v9, v7  }
0x131: {  	v11 =	vmul.f32 v11, v3;
	s5 =	sor.u32 s12, s13;
	v10 =	vadd.f32 v10, v6  }
0x132: {  	s10 =	sor.u32 s11, s9;
	[tilespmem:s22+$0x18200] =	vst v9;
	v9 =	vld [tilespmem:s5+$0x4200]  }
0x133: {  	s19 =	sor.u32 s3, s4;
	v11 =	vadd.f32 v11, v7;
	v8 =	vmul.f32 v8, v3;
	[tilespmem:s23+$0x18200] =	vst v10;
	v10 =	vld [tilespmem:s10+$0x4200]  }
0x134: {  	s17 =	sor.u32 s12, s21;
	v12 =	vld [tilespmem:s19+$0x4200]  }
0x135: {  	s18 =	sor.u32 s11, s16;
	[tilespmem:s24+$0x18200] =	vst v11;
	v11 =	vld [tilespmem:s17+$0x4200];
	v8 =	vadd.f32 v8, v6;
	s22 =	simm.s32 $0x1800  }
0x136: {  	v13 =	vld [tilespmem:s18+$0x4200];
	s1 =	sand.u32 $0x2000, s22;
	s23 =	simm.s32 $0x300  }
0x137: {  	s20 =	sor.u32 s3, s15;
	[tilespmem:s14+$0x18200] =	vst v8;
	s1 =	sor.u32 s6, s1;
	s8 =	sand.u32 $0x300, s23;
	v8 =	vmul.f32 v9, v3  }
0x138: {  	s1 =	sor.u32 s8, s1;
	v9 =	vld [tilespmem:s20+$0x4200];
	v10 =	vmul.f32 v10, v3  }
0x139: {  	s8 =	sor.u32 s12, s1;
	s14 =	sor.u32 $0x80, s1;
	v8 =	vadd.f32 v8, v7;
	v12 =	vmul.f32 v12, v3  }
0x13a: {  	v11 =	vmul.f32 v11, v3;
	v14 =	vld [tilespmem:s8+$0x4200];
	s22 =	sor.u32 s12, s14;
	v10 =	vadd.f32 v10, v6  }
0x13b: {  	s24 =	sor.u32 s11, s13;
	[tilespmem:s5+$0x18200] =	vst v8;
	v8 =	vmul.f32 v13, v3;
	v12 =	vadd.f32 v12, v5;
	v13 =	vld [tilespmem:s22+$0x4200]  }
0x13c: {  	s2 =	sor.u32 s3, s9;
	v11 =	vadd.f32 v11, v7;
	[tilespmem:s10+$0x18200] =	vst v10;
	v10 =	vld [tilespmem:s24+$0x4200]  }
0x13d: {  	v9 =	vmul.f32 v9, v3;
	s10 =	sor.u32 s0, s4;
	v8 =	vadd.f32 v8, v6;
	[tilespmem:s19+$0x18200] =	vst v12;
	v12 =	vld [tilespmem:s2+$0x4200]  }
0x13e: {  	s30 =	sor.u32 s11, s21;
	[tilespmem:s17+$0x18200] =	vst v11;
	v11 =	vld [tilespmem:s10+$0x4200]  }
0x13f: {  	s25 =	simm.s32 $0x2000;
	s31 =	sor.u32 s3, s16;
	v9 =	vadd.f32 v9, v5;
	[tilespmem:s18+$0x18200] =	vst v8;
	v8 =	vmul.f32 v14, v3;
	v14 =	vld [tilespmem:s30+$0x4200]  }
0x140: {  	s4 =	sand.u32 $0x2000, s25;
	s19 =	simm.s32 $0x400;
	v13 =	vmul.f32 v13, v3;
	v15 =	vld [tilespmem:s31+$0x4200]  }
0x141: {  	s15 =	sor.u32 s0, s15;
	s4 =	sor.u32 s6, s4;
	s26 =	sand.u32 $0x300, s19;
	[tilespmem:s20+$0x18200] =	vst v9;
	v8 =	vadd.f32 v8, v7;
	v9 =	vmul.f32 v10, v3  }
0x142: {  	s5 =	sor.u32 s26, s4;
	v10 =	vld [tilespmem:s15+$0x4200];
	v13 =	vadd.f32 v13, v7;
	v12 =	vmul.f32 v12, v3  }
0x143: {  	s20 =	sor.u32 s12, s5;
	s18 =	sor.u32 $0x80, s5;
	[tilespmem:s8+$0x18200] =	vst v8;
	v8 =	vadd.f32 v9, v6;
	v9 =	vmul.f32 v11, v3  }
0x144: {  	v16 =	vld [tilespmem:s20+$0x4200];
	s25 =	sor.u32 s12, s18;
	[tilespmem:s22+$0x18200] =	vst v13;
	v13 =	vmul.f32 v14, v3;
	v14 =	vadd.f32 v12, v5  }
0x145: {  	s7 =	simm.s32 $0x2800;
	s23 =	sor.u32 s11, s14;
	v12 =	vld [tilespmem:s25+$0x4200];
	[tilespmem:s24+$0x18200] =	vst v8;
	v8 =	vmul.f32 v15, v3;
	v9 =	vadd.f32 v9, v4  }
0x146: {  	s29 =	sor.u32 s3, s21;
	s17 =	sor.u32 s0, s16;
	v11 =	vld [tilespmem:s23+$0x4200];
	s24 =	sor.u32 s3, s13;
	v13 =	vadd.f32 v13, v6;
	[tilespmem:s2+$0x18200] =	vst v14  }
0x147: {  	s16 =	sor.u32 s0, s21;
	s21 =	sor.u32 s0, s9;
	s28 =	sor.u32 s3, s1;
	v14 =	vmul.f32 v10, v3;
	v10 =	vld [tilespmem:s24+$0x4200];
	v15 =	vadd.f32 v8, v5;
	[tilespmem:s10+$0x18200] =	vst v9  }
0x148: {  	s4 =	sor.u32 s11, s1;
	s26 =	sor.u32 s11, s5;
	s9 =	sor.u32 s0, s5;
	v8 =	vld [tilespmem:s21+$0x4200];
	[tilespmem:s30+$0x18200] =	vst v13  }
0x149: {  	s22 =	sor.u32 s0, s1;
	s1 =	simm.s32 $0x8;
	s30 =	sor.u32 s3, s5;
	v9 =	vadd.f32 v14, v4;
	v14 =	vmul.f32 v16, v3;
	v13 =	vld [tilespmem:s4+$0x4200];
	[tilespmem:s31+$0x18200] =	vst v15  }
.LBB2_9:
0x14a: {  	s2 =	sand.u32 $0x2000, s7  }
0x14b: {  	v12 =	vmul.f32 v12, v3;
	s19 =	sadd.s32 $0x100, s19;
	v15 =	vld [tilespmem:s29+$0x4200];
	[tilespmem:s15+$0x18200] =	vst v9;
	s8 =	smov.u32 s30;
	s15 =	smov.u32 s17  }
0x14c: {  	s1 =	sadd.s32 $0x2, s1;
	s2 =	sor.u32 s6, s2;
	s5 =	sand.u32 $0x300, s19;
	v9 =	vadd.f32 v14, v7;
	v11 =	vmul.f32 v11, v3;
	v14 =	vld [tilespmem:s17+$0x4200]  }
0x14d: {  	s17 =	smov.u32 s16;
	s16 =	smov.u32 s22;
	s2 =	sor.u32 s5, s2;
	v12 =	vadd.f32 v12, v7;
	v10 =	vmul.f32 v10, v3  }
0x14e: {  	p0 =	slt.u32 s1, $0xE;
	s5 =	sor.u32 $0x80, s2;
	[tilespmem:s20+$0x18200] =	vst v9;
	s20 =	sor.u32 s12, s2;
	v9 =	vadd.f32 v11, v6;
	v8 =	vmul.f32 v8, v3  }
0x14f: {  	s10 =	sor.u32 s11, s2;
	s30 =	sor.u32 s3, s2;
	v16 =	vld [tilespmem:s20+$0x4200];
	[tilespmem:s25+$0x18200] =	vst v12;
	s25 =	sor.u32 s12, s5;
	v13 =	vmul.f32 v13, v3;
	v10 =	vadd.f32 v10, v5  }
.Ltmp3:
0x150: {  	s2 =	sor.u32 s0, s2;
	v12 =	vld [tilespmem:s25+$0x4200];
	[tilespmem:s23+$0x18200] =	vst v9;
	s23 =	sor.u32 s11, s18;
	v9 =	vmul.f32 v15, v3;
	v8 =	vadd.f32 v8, v4;
	(pc) =	sbr.rel @p0 .LBB2_9-.Ltmp3, $4  }
0x151: {  	s22 =	smov.u32 s9;
	s9 =	smov.u32 s2;
	v11 =	vld [tilespmem:s23+$0x4200];
	v13 =	vadd.f32 v13, v6;
	[tilespmem:s24+$0x18200] =	vst v10;
	s24 =	sor.u32 s3, s14;
	v14 =	vmul.f32 v14, v3  }
0x152: {  	v10 =	vld [tilespmem:s24+$0x4200];
	v15 =	vadd.f32 v9, v5;
	[tilespmem:s21+$0x18200] =	vst v8;
	s21 =	sor.u32 s0, s13;
	s13 =	smov.u32 s14;
	s14 =	smov.u32 s18  }
0x153: {  	s18 =	smov.u32 s5;
	[tilespmem:s4+$0x18200] =	vst v13;
	v8 =	vld [tilespmem:s21+$0x4200];
	v9 =	vadd.f32 v14, v4;
	s4 =	smov.u32 s26;
	s26 =	smov.u32 s10  }
0x154: {  	s7 =	sadd.s32 $0x800, s7;
	v14 =	vmul.f32 v16, v3;
	v13 =	vld [tilespmem:s4+$0x4200];
	[tilespmem:s29+$0x18200] =	vst v15;
	s29 =	smov.u32 s28;
	s28 =	smov.u32 s8  }
0x155: {  	v12 =	vmul.f32 v12, v3  }
0x156: {  	v39 =	vadd.f32 v14, v7  }
0x157: {  	v12 =	vadd.f32 v12, v7  }
0x158: {  	[tilespmem:s20+$0x18200] =	vst v39  }
0x159: {  	s1 =	sor.u32 s11, s18;
	[tilespmem:s25+$0x18200] =	vst v12;
	v41 =	vld [tilespmem:s26+$0x4200]  }
0x15a: {  	v13 =	vmul.f32 v13, v3;
	v40 =	vld [tilespmem:s1+$0x4200]  }
0x15b: {  	v42 =	vld [tilespmem:s29+$0x4200];
	v11 =	vmul.f32 v11, v3  }
0x15c: {  	v13 =	vadd.f32 v13, v6  }
0x15d: {  	v11 =	vadd.f32 v11, v6  }
0x15e: {  	[tilespmem:s4+$0x18200] =	vst v13;
	v12 =	vmul.f32 v41, v3  }
0x15f: {  	s2 =	sor.u32 s3, s14;
	[tilespmem:s23+$0x18200] =	vst v11;
	v44 =	vld [tilespmem:s28+$0x4200];
	v7 =	vmul.f32 v40, v3  }
0x160: {  	v47 =	vmul.f32 v42, v3;
	v11 =	vld [tilespmem:s2+$0x4200];
	v43 =	vadd.f32 v12, v6  }
0x161: {  	v7 =	vadd.f32 v7, v6  }
0x162: {  	v48 =	vld [tilespmem:s17+$0x4200];
	v13 =	vadd.f32 v47, v5;
	[tilespmem:s26+$0x18200] =	vst v43  }
0x163: {  	v45 =	vmul.f32 v10, v3;
	s25 =	sor.u32 s3, s18;
	[tilespmem:s1+$0x18200] =	vst v7;
	v46 =	vld [tilespmem:s30+$0x4200]  }
0x164: {  	[tilespmem:s29+$0x18200] =	vst v13;
	v12 =	vmul.f32 v44, v3;
	v7 =	vld [tilespmem:s25+$0x4200]  }
0x165: {  	v11 =	vmul.f32 v11, v3;
	v13 =	vld [tilespmem:s16+$0x4200];
	v6 =	vadd.f32 v45, v5  }
0x166: {  	v12 =	vadd.f32 v12, v5  }
0x167: {  	s26 =	sor.u32 s0, s13;
	v49 =	vadd.f32 v11, v5;
	[tilespmem:s24+$0x18200] =	vst v6  }
0x168: {  	v54 =	vmul.f32 v48, v3;
	v50 =	vld [tilespmem:s26+$0x4200];
	[tilespmem:s28+$0x18200] =	vst v12  }
0x169: {  	s29 =	sor.u32 s0, s14;
	[tilespmem:s2+$0x18200] =	vst v49;
	v10 =	vmul.f32 v46, v3;
	v53 =	vld [tilespmem:s22+$0x4200];
	v7 =	vmul.f32 v7, v3  }
0x16a: {  	v6 =	vadd.f32 v54, v4;
	v52 =	vld [tilespmem:s29+$0x4200];
	v58 =	vmul.f32 v13, v3  }
0x16b: {  	[tilespmem:s15+$0x18200] =	vst v9;
	v8 =	vmul.f32 v8, v3;
	v51 =	vadd.f32 v7, v5;
	v5 =	vadd.f32 v10, v5  }
0x16c: {  	[tilespmem:s17+$0x18200] =	vst v6;
	v59 =	vadd.f32 v58, v4  }
0x16d: {  	v56 =	vmul.f32 v50, v3;
	[tilespmem:s30+$0x18200] =	vst v5;
	v5 =	vadd.f32 v8, v4  }
0x16e: {  	[tilespmem:s16+$0x18200] =	vst v59;
	v60 =	vmul.f32 v53, v3  }
0x16f: {  	v7 =	vmul.f32 v52, v3;
	[tilespmem:s21+$0x18200] =	vst v5;
	v5 =	vadd.f32 v56, v4  }
0x170: {  	s31 =	sor.u32 s0, s18;
	[tilespmem:s25+$0x18200] =	vst v51;
	v62 =	vadd.f32 v60, v4  }
0x171: {  	v55 =	vld [tilespmem:s31+$0x4200];
	[tilespmem:s26+$0x18200] =	vst v5;
	v5 =	vadd.f32 v7, v4  }
0x172: {  	v57 =	vld [tilespmem:s9+$0x4200];
	[tilespmem:s22+$0x18200] =	vst v62  }
0x173: {  	[tilespmem:s29+$0x18200] =	vst v5  }
0x174: {  	s2 =	rddreg [dreg:$0x14]  }
0x175: {  	s2 =	sadd.s32 $0x1, s2  }
0x176: {  	v61 =	vmul.f32 v55, v3;
	p0 =	sne.s32 s2, $0x10  }
.Ltmp4:
0x177: {  	v63 =	vmul.f32 v57, v3;
	(pc) =	sbr.rel @p0 .LBB2_8-.Ltmp4, $4  }
0x178: {  	v5 =	vadd.f32 v61, v4  }
0x179: {  	v4 =	vadd.f32 v63, v4  }
0x17a: {  	[tilespmem:s31+$0x18200] =	vst v5  }
0x17b: {  	[tilespmem:s9+$0x18200] =	vst v4  }
0x17c: {  	s5 =	simm.s32 $0x0;
	s0 =	rddreg [dreg:$0xb];
	s1 =	simm.s32 $0x18200  }
0x17d: {  	[hbm4b:s0+s5] =	stream.linear.scatter [tilespmem:s1], [sflag:$0x7], $0x4000, $0x38;
	[tilespmem:$0x1CB00] =	vst v63  }
0x17e: {  	v4 =	vld [tilespmem:$0x180];
	_ =	sdelay $0x4  }
0x17f: {  	v5 =	vshll.u32 v4, $0x3  }
0x180: {  	v4 =	vand.u32 $0x7, v4;
	v5 =	vand.u32 $0xFFFFFFC0, v5  }
0x181: {  	v4 =	vor.u32 v4, v5  }
0x182: {  	v5 =	vperm.xlane v4, v0;
	_ =	sdelay $0x1  }
0x183: {  	v5 =	vadd.s32 v1, v5;
	_ =	sdelay $0x3  }
0x184: {  	s20 =	rddreg [dreg:$0x0];
	s21 =	simm.s32 $0x4200  }
0x185: {  	[tilespmem:s21], [sflag:$0x2] =	stream.indirect_vreg.gather [hbm4b:s20+s5], $0x80, v5, vm0, $0xb8;
	[tilespmem:$0x1CB00] =	vst v63  }
0x186: {  	s22 =	rddreg [dreg:$0x7];
	s2 =	simm.s32 $0x4A00;
	v4 =	vperm.xlane v4, v2  }
0x187: {  	[tilespmem:s2], [sflag:$0x2] =	stream.indirect_vreg.gather [hbm4b:s22+s5], $0x80, v5, vm0, $0xb8;
	[tilespmem:$0x1CB00] =	vst v63  }
0x188: {  	s23 =	rddreg [dreg:$0x8];
	s3 =	simm.s32 $0x5200;
	v4 =	vadd.s32 v1, v4  }
0x189: {  	[tilespmem:s3], [sflag:$0x2] =	stream.indirect_vreg.gather [hbm4b:s23+s5], $0x80, v5, vm0, $0xb8;
	[tilespmem:$0x1CB00] =	vst v63  }
0x18a: {  	s24 =	rddreg [dreg:$0xa];
	s4 =	simm.s32 $0x5A00  }
0x18b: {  	[tilespmem:s4], [sflag:$0x2] =	stream.indirect_vreg.gather [hbm4b:s24+s5], $0x80, v5, vm0, $0xb8;
	[tilespmem:$0x1CB00] =	vst v63  }
0x18c: {  	s25 =	simm.s32 $0x6200  }
0x18d: {  	[tilespmem:s25], [sflag:$0x2] =	stream.indirect_vreg.gather [hbm4b:s20+s5], $0x80, v4, vm0, $0xb8;
	[tilespmem:$0x1CB00] =	vst v63  }
0x18e: {  	s26 =	simm.s32 $0x6A00  }
0x18f: {  	[tilespmem:s26], [sflag:$0x2] =	stream.indirect_vreg.gather [hbm4b:s22+s5], $0x80, v4, vm0, $0xb8;
	[tilespmem:$0x1CB00] =	vst v63  }
0x190: {  	s28 =	simm.s32 $0x7200  }
0x191: {  	[tilespmem:s28], [sflag:$0x2] =	stream.indirect_vreg.gather [hbm4b:s23+s5], $0x80, v4, vm0, $0xb8;
	[tilespmem:$0x1CB00] =	vst v63  }
0x192: {  	s29 =	simm.s32 $0x7A00;
	s30 =	simm.s32 $0x3  }
0x193: {  	[tilespmem:s29], [sflag:$0x2] =	stream.indirect_vreg.gather [hbm4b:s24+s5], $0x80, v4, vm0, $0xb8;
	[tilespmem:$0x1CB00] =	vst v63  }
0x194: {  	_ =	swait.ge [sflag:s30], $0x4000  }
0x195: {  	[sflag:s30] =	ssyncset.done $0x0  }
0x196: {  	s31 =	simm.s32 $0x6;
	[sflag:s30] =	ssyncadd.s32 $0xFFFFC000  }
0x197: {  	_ =	swait.ge [sflag:s31], $0x4000  }
0x198: {  	[sflag:s31] =	ssyncset.done $0x0  }
0x199: {  	s2 =	simm.s32 $0x0;
	[sflag:s31] =	ssyncadd.s32 $0xFFFFC000  }
.LBB2_12:
0x19a: {  	s0 =	sshll.u32 s2, $0x9;
	s1 =	simm.s32 $0x0  }
0x19b: {  	s6 =	sand.u32 $0x1C00, s0;
	s16 =	sand.u32 $0x2000, s1  }
0x19c: {  	s1 =	sand.u32 $0x300, s1;
	s0 =	sor.u32 s6, s16  }
0x19d: {  	s17 =	sshll.u32 s2, $0x6;
	s15 =	sor.u32 s1, s0  }
0x19e: {  	s12 =	sand.u32 $0x40, s17;
	s4 =	sor.u32 $0x80, s15  }
0x19f: {  	[dreg:$0x15] =	wrdreg s2;
	s18 =	sor.u32 s12, s4  }
0x1a0: {  	v4 =	vld [tilespmem:s18+$0x8200];
	_ =	sdelay $0x1  }
0x1a1: {  	s20 =	simm.s32 $0x800;
	s9 =	simm.s32 $0x100;
	v7 =	vld [tilespmem:s17+$0x1C600]  }
0x1a2: {  	s19 =	sand.u32 $0x380, s17;
	s9 =	sand.u32 $0x300, s9;
	s7 =	sor.u32 s12, s15  }
0x1a3: {  	s11 =	sor.u32 $0x10, s12;
	s2 =	sadd.s32 $0x1C600, s19;
	s0 =	sand.u32 $0x2000, s20;
	v8 =	vld [tilespmem:s7+$0x8200]  }
0x1a4: {  	s3 =	sor.u32 $0x20, s12;
	s8 =	sor.u32 s11, s2;
	s10 =	sor.u32 s6, s0;
	v4 =	vmul.f32 v4, v3  }
0x1a5: {  	s21 =	sor.u32 s3, s2;
	v6 =	vld [tilespmem:s8+$0x0];
	s0 =	sor.u32 $0x30, s12;
	s16 =	sor.u32 s9, s10  }
0x1a6: {  	v5 =	vld [tilespmem:s21+$0x0];
	s2 =	sor.u32 s0, s2;
	s9 =	sor.u32 $0x80, s16;
	v9 =	vadd.f32 v4, v7  }
0x1a7: {  	s22 =	sor.u32 s12, s9;
	v4 =	vld [tilespmem:s2+$0x0]  }
0x1a8: {  	s23 =	sor.u32 s11, s4;
	v8 =	vmul.f32 v8, v3;
	[tilespmem:s18+$0x14200] =	vst v9;
	v9 =	vld [tilespmem:s22+$0x8200]  }
0x1a9: {  	v10 =	vld [tilespmem:s23+$0x8200]  }
0x1aa: {  	s24 =	sor.u32 s12, s16;
	v8 =	vadd.f32 v8, v7  }
0x1ab: {  	s25 =	simm.s32 $0x1000;
	v11 =	vld [tilespmem:s24+$0x8200]  }
0x1ac: {  	s31 =	simm.s32 $0x200;
	s26 =	sand.u32 $0x2000, s25;
	s14 =	sor.u32 s11, s15;
	[tilespmem:s7+$0x14200] =	vst v8  }
0x1ad: {  	s10 =	sand.u32 $0x300, s31;
	s7 =	sor.u32 s6, s26;
	v8 =	vld [tilespmem:s14+$0x8200];
	v9 =	vmul.f32 v9, v3  }
0x1ae: {  	s21 =	sor.u32 s10, s7;
	v10 =	vmul.f32 v10, v3  }
0x1af: {  	s13 =	sor.u32 $0x80, s21;
	v9 =	vadd.f32 v9, v7  }
0x1b0: {  	v11 =	vmul.f32 v11, v3;
	s5 =	sor.u32 s12, s13;
	v10 =	vadd.f32 v10, v6  }
0x1b1: {  	s10 =	sor.u32 s11, s9;
	[tilespmem:s22+$0x14200] =	vst v9;
	v9 =	vld [tilespmem:s5+$0x8200]  }
0x1b2: {  	s19 =	sor.u32 s3, s4;
	v11 =	vadd.f32 v11, v7;
	v8 =	vmul.f32 v8, v3;
	[tilespmem:s23+$0x14200] =	vst v10;
	v10 =	vld [tilespmem:s10+$0x8200]  }
0x1b3: {  	s17 =	sor.u32 s12, s21;
	v12 =	vld [tilespmem:s19+$0x8200]  }
0x1b4: {  	s18 =	sor.u32 s11, s16;
	[tilespmem:s24+$0x14200] =	vst v11;
	v11 =	vld [tilespmem:s17+$0x8200];
	v8 =	vadd.f32 v8, v6;
	s22 =	simm.s32 $0x1800  }
0x1b5: {  	v13 =	vld [tilespmem:s18+$0x8200];
	s1 =	sand.u32 $0x2000, s22;
	s23 =	simm.s32 $0x300  }
0x1b6: {  	s20 =	sor.u32 s3, s15;
	[tilespmem:s14+$0x14200] =	vst v8;
	s1 =	sor.u32 s6, s1;
	s8 =	sand.u32 $0x300, s23;
	v8 =	vmul.f32 v9, v3  }
0x1b7: {  	s1 =	sor.u32 s8, s1;
	v9 =	vld [tilespmem:s20+$0x8200];
	v10 =	vmul.f32 v10, v3  }
0x1b8: {  	s8 =	sor.u32 s12, s1;
	s14 =	sor.u32 $0x80, s1;
	v8 =	vadd.f32 v8, v7;
	v12 =	vmul.f32 v12, v3  }
0x1b9: {  	v11 =	vmul.f32 v11, v3;
	v14 =	vld [tilespmem:s8+$0x8200];
	s22 =	sor.u32 s12, s14;
	v10 =	vadd.f32 v10, v6  }
0x1ba: {  	s24 =	sor.u32 s11, s13;
	[tilespmem:s5+$0x14200] =	vst v8;
	v8 =	vmul.f32 v13, v3;
	v12 =	vadd.f32 v12, v5;
	v13 =	vld [tilespmem:s22+$0x8200]  }
0x1bb: {  	s2 =	sor.u32 s3, s9;
	v11 =	vadd.f32 v11, v7;
	[tilespmem:s10+$0x14200] =	vst v10;
	v10 =	vld [tilespmem:s24+$0x8200]  }
0x1bc: {  	v9 =	vmul.f32 v9, v3;
	s10 =	sor.u32 s0, s4;
	v8 =	vadd.f32 v8, v6;
	[tilespmem:s19+$0x14200] =	vst v12;
	v12 =	vld [tilespmem:s2+$0x8200]  }
0x1bd: {  	s30 =	sor.u32 s11, s21;
	[tilespmem:s17+$0x14200] =	vst v11;
	v11 =	vld [tilespmem:s10+$0x8200]  }
0x1be: {  	s25 =	simm.s32 $0x2000;
	s31 =	sor.u32 s3, s16;
	v9 =	vadd.f32 v9, v5;
	[tilespmem:s18+$0x14200] =	vst v8;
	v8 =	vmul.f32 v14, v3;
	v14 =	vld [tilespmem:s30+$0x8200]  }
0x1bf: {  	s4 =	sand.u32 $0x2000, s25;
	s19 =	simm.s32 $0x400;
	v13 =	vmul.f32 v13, v3;
	v15 =	vld [tilespmem:s31+$0x8200]  }
0x1c0: {  	s15 =	sor.u32 s0, s15;
	s4 =	sor.u32 s6, s4;
	s26 =	sand.u32 $0x300, s19;
	[tilespmem:s20+$0x14200] =	vst v9;
	v8 =	vadd.f32 v8, v7;
	v9 =	vmul.f32 v10, v3  }
0x1c1: {  	s5 =	sor.u32 s26, s4;
	v10 =	vld [tilespmem:s15+$0x8200];
	v13 =	vadd.f32 v13, v7;
	v12 =	vmul.f32 v12, v3  }
0x1c2: {  	s20 =	sor.u32 s12, s5;
	s18 =	sor.u32 $0x80, s5;
	[tilespmem:s8+$0x14200] =	vst v8;
	v8 =	vadd.f32 v9, v6;
	v9 =	vmul.f32 v11, v3  }
0x1c3: {  	v16 =	vld [tilespmem:s20+$0x8200];
	s25 =	sor.u32 s12, s18;
	[tilespmem:s22+$0x14200] =	vst v13;
	v13 =	vmul.f32 v14, v3;
	v14 =	vadd.f32 v12, v5  }
0x1c4: {  	s7 =	simm.s32 $0x2800;
	s23 =	sor.u32 s11, s14;
	v12 =	vld [tilespmem:s25+$0x8200];
	[tilespmem:s24+$0x14200] =	vst v8;
	v8 =	vmul.f32 v15, v3;
	v9 =	vadd.f32 v9, v4  }
0x1c5: {  	s29 =	sor.u32 s3, s21;
	s17 =	sor.u32 s0, s16;
	v11 =	vld [tilespmem:s23+$0x8200];
	s24 =	sor.u32 s3, s13;
	v13 =	vadd.f32 v13, v6;
	[tilespmem:s2+$0x14200] =	vst v14  }
0x1c6: {  	s16 =	sor.u32 s0, s21;
	s21 =	sor.u32 s0, s9;
	s28 =	sor.u32 s3, s1;
	v14 =	vmul.f32 v10, v3;
	v10 =	vld [tilespmem:s24+$0x8200];
	v15 =	vadd.f32 v8, v5;
	[tilespmem:s10+$0x14200] =	vst v9  }
0x1c7: {  	s4 =	sor.u32 s11, s1;
	s26 =	sor.u32 s11, s5;
	s9 =	sor.u32 s0, s5;
	v8 =	vld [tilespmem:s21+$0x8200];
	[tilespmem:s30+$0x14200] =	vst v13  }
0x1c8: {  	s22 =	sor.u32 s0, s1;
	s1 =	simm.s32 $0x8;
	s30 =	sor.u32 s3, s5;
	v9 =	vadd.f32 v14, v4;
	v14 =	vmul.f32 v16, v3;
	v13 =	vld [tilespmem:s4+$0x8200];
	[tilespmem:s31+$0x14200] =	vst v15  }
.LBB2_13:
0x1c9: {  	s2 =	sand.u32 $0x2000, s7  }
0x1ca: {  	v12 =	vmul.f32 v12, v3;
	s19 =	sadd.s32 $0x100, s19;
	v15 =	vld [tilespmem:s29+$0x8200];
	[tilespmem:s15+$0x14200] =	vst v9;
	s8 =	smov.u32 s30;
	s15 =	smov.u32 s17  }
0x1cb: {  	s1 =	sadd.s32 $0x2, s1;
	s2 =	sor.u32 s6, s2;
	s5 =	sand.u32 $0x300, s19;
	v9 =	vadd.f32 v14, v7;
	v11 =	vmul.f32 v11, v3;
	v14 =	vld [tilespmem:s17+$0x8200]  }
0x1cc: {  	s17 =	smov.u32 s16;
	s16 =	smov.u32 s22;
	s2 =	sor.u32 s5, s2;
	v12 =	vadd.f32 v12, v7;
	v10 =	vmul.f32 v10, v3  }
0x1cd: {  	p0 =	slt.u32 s1, $0xE;
	s5 =	sor.u32 $0x80, s2;
	[tilespmem:s20+$0x14200] =	vst v9;
	s20 =	sor.u32 s12, s2;
	v9 =	vadd.f32 v11, v6;
	v8 =	vmul.f32 v8, v3  }
0x1ce: {  	s10 =	sor.u32 s11, s2;
	s30 =	sor.u32 s3, s2;
	v16 =	vld [tilespmem:s20+$0x8200];
	[tilespmem:s25+$0x14200] =	vst v12;
	s25 =	sor.u32 s12, s5;
	v13 =	vmul.f32 v13, v3;
	v10 =	vadd.f32 v10, v5  }
.Ltmp5:
0x1cf: {  	s2 =	sor.u32 s0, s2;
	v12 =	vld [tilespmem:s25+$0x8200];
	[tilespmem:s23+$0x14200] =	vst v9;
	s23 =	sor.u32 s11, s18;
	v9 =	vmul.f32 v15, v3;
	v8 =	vadd.f32 v8, v4;
	(pc) =	sbr.rel @p0 .LBB2_13-.Ltmp5, $4  }
0x1d0: {  	s22 =	smov.u32 s9;
	s9 =	smov.u32 s2;
	v11 =	vld [tilespmem:s23+$0x8200];
	v13 =	vadd.f32 v13, v6;
	[tilespmem:s24+$0x14200] =	vst v10;
	s24 =	sor.u32 s3, s14;
	v14 =	vmul.f32 v14, v3  }
0x1d1: {  	v10 =	vld [tilespmem:s24+$0x8200];
	v15 =	vadd.f32 v9, v5;
	[tilespmem:s21+$0x14200] =	vst v8;
	s21 =	sor.u32 s0, s13;
	s13 =	smov.u32 s14;
	s14 =	smov.u32 s18  }
0x1d2: {  	s18 =	smov.u32 s5;
	[tilespmem:s4+$0x14200] =	vst v13;
	v8 =	vld [tilespmem:s21+$0x8200];
	v9 =	vadd.f32 v14, v4;
	s4 =	smov.u32 s26;
	s26 =	smov.u32 s10  }
0x1d3: {  	s7 =	sadd.s32 $0x800, s7;
	v14 =	vmul.f32 v16, v3;
	v13 =	vld [tilespmem:s4+$0x8200];
	[tilespmem:s29+$0x14200] =	vst v15;
	s29 =	smov.u32 s28;
	s28 =	smov.u32 s8  }
0x1d4: {  	v12 =	vmul.f32 v12, v3  }
0x1d5: {  	v39 =	vadd.f32 v14, v7  }
0x1d6: {  	v12 =	vadd.f32 v12, v7  }
0x1d7: {  	[tilespmem:s20+$0x14200] =	vst v39  }
0x1d8: {  	s1 =	sor.u32 s11, s18;
	[tilespmem:s25+$0x14200] =	vst v12;
	v41 =	vld [tilespmem:s26+$0x8200]  }
0x1d9: {  	v13 =	vmul.f32 v13, v3;
	v40 =	vld [tilespmem:s1+$0x8200]  }
0x1da: {  	v42 =	vld [tilespmem:s29+$0x8200];
	v11 =	vmul.f32 v11, v3  }
0x1db: {  	v13 =	vadd.f32 v13, v6  }
0x1dc: {  	v11 =	vadd.f32 v11, v6  }
0x1dd: {  	[tilespmem:s4+$0x14200] =	vst v13;
	v12 =	vmul.f32 v41, v3  }
0x1de: {  	s2 =	sor.u32 s3, s14;
	[tilespmem:s23+$0x14200] =	vst v11;
	v44 =	vld [tilespmem:s28+$0x8200];
	v7 =	vmul.f32 v40, v3  }
0x1df: {  	v47 =	vmul.f32 v42, v3;
	v11 =	vld [tilespmem:s2+$0x8200];
	v43 =	vadd.f32 v12, v6  }
0x1e0: {  	v7 =	vadd.f32 v7, v6  }
0x1e1: {  	v48 =	vld [tilespmem:s17+$0x8200];
	v13 =	vadd.f32 v47, v5;
	[tilespmem:s26+$0x14200] =	vst v43  }
0x1e2: {  	v45 =	vmul.f32 v10, v3;
	s25 =	sor.u32 s3, s18;
	[tilespmem:s1+$0x14200] =	vst v7;
	v46 =	vld [tilespmem:s30+$0x8200]  }
0x1e3: {  	[tilespmem:s29+$0x14200] =	vst v13;
	v12 =	vmul.f32 v44, v3;
	v7 =	vld [tilespmem:s25+$0x8200]  }
0x1e4: {  	v11 =	vmul.f32 v11, v3;
	v13 =	vld [tilespmem:s16+$0x8200];
	v6 =	vadd.f32 v45, v5  }
0x1e5: {  	v12 =	vadd.f32 v12, v5  }
0x1e6: {  	s26 =	sor.u32 s0, s13;
	v49 =	vadd.f32 v11, v5;
	[tilespmem:s24+$0x14200] =	vst v6  }
0x1e7: {  	v54 =	vmul.f32 v48, v3;
	v50 =	vld [tilespmem:s26+$0x8200];
	[tilespmem:s28+$0x14200] =	vst v12  }
0x1e8: {  	s29 =	sor.u32 s0, s14;
	[tilespmem:s2+$0x14200] =	vst v49;
	v10 =	vmul.f32 v46, v3;
	v53 =	vld [tilespmem:s22+$0x8200];
	v7 =	vmul.f32 v7, v3  }
0x1e9: {  	v6 =	vadd.f32 v54, v4;
	v52 =	vld [tilespmem:s29+$0x8200];
	v58 =	vmul.f32 v13, v3  }
0x1ea: {  	[tilespmem:s15+$0x14200] =	vst v9;
	v8 =	vmul.f32 v8, v3;
	v51 =	vadd.f32 v7, v5;
	v5 =	vadd.f32 v10, v5  }
0x1eb: {  	[tilespmem:s17+$0x14200] =	vst v6;
	v59 =	vadd.f32 v58, v4  }
0x1ec: {  	v56 =	vmul.f32 v50, v3;
	[tilespmem:s30+$0x14200] =	vst v5;
	v5 =	vadd.f32 v8, v4  }
0x1ed: {  	[tilespmem:s16+$0x14200] =	vst v59;
	v60 =	vmul.f32 v53, v3  }
0x1ee: {  	v7 =	vmul.f32 v52, v3;
	[tilespmem:s21+$0x14200] =	vst v5;
	v5 =	vadd.f32 v56, v4  }
0x1ef: {  	s31 =	sor.u32 s0, s18;
	[tilespmem:s25+$0x14200] =	vst v51;
	v62 =	vadd.f32 v60, v4  }
0x1f0: {  	v55 =	vld [tilespmem:s31+$0x8200];
	[tilespmem:s26+$0x14200] =	vst v5;
	v5 =	vadd.f32 v7, v4  }
0x1f1: {  	v57 =	vld [tilespmem:s9+$0x8200];
	[tilespmem:s22+$0x14200] =	vst v62  }
0x1f2: {  	[tilespmem:s29+$0x14200] =	vst v5  }
0x1f3: {  	s2 =	rddreg [dreg:$0x15]  }
0x1f4: {  	s2 =	sadd.s32 $0x1, s2  }
0x1f5: {  	v61 =	vmul.f32 v55, v3;
	p0 =	sne.s32 s2, $0x10  }
.Ltmp6:
0x1f6: {  	v63 =	vmul.f32 v57, v3;
	(pc) =	sbr.rel @p0 .LBB2_12-.Ltmp6, $4  }
0x1f7: {  	v5 =	vadd.f32 v61, v4  }
0x1f8: {  	v4 =	vadd.f32 v63, v4  }
0x1f9: {  	[tilespmem:s31+$0x14200] =	vst v5  }
0x1fa: {  	[tilespmem:s9+$0x14200] =	vst v4  }
0x1fb: {  	s5 =	simm.s32 $0x0;
	s0 =	rddreg [dreg:$0xc];
	s1 =	simm.s32 $0x14200  }
0x1fc: {  	[hbm4b:s0+s5] =	stream.linear.scatter [tilespmem:s1], [sflag:$0x6], $0x4000, $0x38;
	[tilespmem:$0x1CB00] =	vst v63  }
0x1fd: {  	v4 =	vld [tilespmem:$0x190];
	_ =	sdelay $0x4  }
0x1fe: {  	v5 =	vshll.u32 v4, $0x3  }
0x1ff: {  	v4 =	vand.u32 $0x7, v4;
	v5 =	vand.u32 $0xFFFFFFC0, v5  }
0x200: {  	v4 =	vor.u32 v4, v5  }
0x201: {  	v5 =	vperm.xlane v4, v0;
	_ =	sdelay $0x1  }
0x202: {  	v5 =	vadd.s32 v1, v5;
	_ =	sdelay $0x3  }
0x203: {  	s20 =	rddreg [dreg:$0x0];
	s21 =	simm.s32 $0x8200  }
0x204: {  	[tilespmem:s21], [sflag:$0x3] =	stream.indirect_vreg.gather [hbm4b:s20+s5], $0x80, v5, vm0, $0xb8;
	[tilespmem:$0x1CB00] =	vst v63  }
0x205: {  	s22 =	rddreg [dreg:$0x7];
	s2 =	simm.s32 $0x8A00;
	v4 =	vperm.xlane v4, v2  }
0x206: {  	[tilespmem:s2], [sflag:$0x3] =	stream.indirect_vreg.gather [hbm4b:s22+s5], $0x80, v5, vm0, $0xb8;
	[tilespmem:$0x1CB00] =	vst v63  }
0x207: {  	s23 =	rddreg [dreg:$0x8];
	s3 =	simm.s32 $0x9200;
	v4 =	vadd.s32 v1, v4  }
0x208: {  	[tilespmem:s3], [sflag:$0x3] =	stream.indirect_vreg.gather [hbm4b:s23+s5], $0x80, v5, vm0, $0xb8;
	[tilespmem:$0x1CB00] =	vst v63  }
0x209: {  	s24 =	rddreg [dreg:$0xa];
	s4 =	simm.s32 $0x9A00  }
0x20a: {  	[tilespmem:s4], [sflag:$0x3] =	stream.indirect_vreg.gather [hbm4b:s24+s5], $0x80, v5, vm0, $0xb8;
	[tilespmem:$0x1CB00] =	vst v63  }
0x20b: {  	s25 =	simm.s32 $0xA200  }
0x20c: {  	[tilespmem:s25], [sflag:$0x3] =	stream.indirect_vreg.gather [hbm4b:s20+s5], $0x80, v4, vm0, $0xb8;
	[tilespmem:$0x1CB00] =	vst v63  }
0x20d: {  	s26 =	simm.s32 $0xAA00  }
0x20e: {  	[tilespmem:s26], [sflag:$0x3] =	stream.indirect_vreg.gather [hbm4b:s22+s5], $0x80, v4, vm0, $0xb8;
	[tilespmem:$0x1CB00] =	vst v63  }
0x20f: {  	s28 =	simm.s32 $0xB200  }
0x210: {  	[tilespmem:s28], [sflag:$0x3] =	stream.indirect_vreg.gather [hbm4b:s23+s5], $0x80, v4, vm0, $0xb8;
	[tilespmem:$0x1CB00] =	vst v63  }
0x211: {  	s29 =	simm.s32 $0xBA00;
	s30 =	simm.s32 $0x4  }
0x212: {  	[tilespmem:s29], [sflag:$0x3] =	stream.indirect_vreg.gather [hbm4b:s24+s5], $0x80, v4, vm0, $0xb8;
	[tilespmem:$0x1CB00] =	vst v63  }
0x213: {  	_ =	swait.ge [sflag:s30], $0x4000  }
0x214: {  	[sflag:s30] =	ssyncset.done $0x0  }
0x215: {  	s31 =	simm.s32 $0x7;
	[sflag:s30] =	ssyncadd.s32 $0xFFFFC000  }
0x216: {  	_ =	swait.ge [sflag:s31], $0x4000  }
0x217: {  	[sflag:s31] =	ssyncset.done $0x0  }
0x218: {  	s2 =	simm.s32 $0x0;
	[sflag:s31] =	ssyncadd.s32 $0xFFFFC000  }
.LBB2_16:
0x219: {  	s0 =	sshll.u32 s2, $0x9;
	s1 =	simm.s32 $0x0  }
0x21a: {  	s6 =	sand.u32 $0x1C00, s0;
	s16 =	sand.u32 $0x2000, s1  }
0x21b: {  	s1 =	sand.u32 $0x300, s1;
	s0 =	sor.u32 s6, s16  }
0x21c: {  	s17 =	sshll.u32 s2, $0x6;
	s15 =	sor.u32 s1, s0  }
0x21d: {  	s12 =	sand.u32 $0x40, s17;
	s4 =	sor.u32 $0x80, s15  }
0x21e: {  	[dreg:$0x16] =	wrdreg s2;
	s18 =	sor.u32 s12, s4  }
0x21f: {  	v4 =	vld [tilespmem:s18+$0xC200];
	_ =	sdelay $0x1  }
0x220: {  	s20 =	simm.s32 $0x800;
	s9 =	simm.s32 $0x100;
	v7 =	vld [tilespmem:s17+$0x1C600]  }
0x221: {  	s19 =	sand.u32 $0x380, s17;
	s9 =	sand.u32 $0x300, s9;
	s7 =	sor.u32 s12, s15  }
0x222: {  	s11 =	sor.u32 $0x10, s12;
	s2 =	sadd.s32 $0x1C600, s19;
	s0 =	sand.u32 $0x2000, s20;
	v8 =	vld [tilespmem:s7+$0xC200]  }
0x223: {  	s3 =	sor.u32 $0x20, s12;
	s8 =	sor.u32 s11, s2;
	s10 =	sor.u32 s6, s0;
	v4 =	vmul.f32 v4, v3  }
0x224: {  	s21 =	sor.u32 s3, s2;
	v6 =	vld [tilespmem:s8+$0x0];
	s0 =	sor.u32 $0x30, s12;
	s16 =	sor.u32 s9, s10  }
0x225: {  	v5 =	vld [tilespmem:s21+$0x0];
	s2 =	sor.u32 s0, s2;
	s9 =	sor.u32 $0x80, s16;
	v9 =	vadd.f32 v4, v7  }
0x226: {  	s22 =	sor.u32 s12, s9;
	v4 =	vld [tilespmem:s2+$0x0]  }
0x227: {  	s23 =	sor.u32 s11, s4;
	v8 =	vmul.f32 v8, v3;
	[tilespmem:s18+$0x18200] =	vst v9;
	v9 =	vld [tilespmem:s22+$0xC200]  }
0x228: {  	v10 =	vld [tilespmem:s23+$0xC200]  }
0x229: {  	s24 =	sor.u32 s12, s16;
	v8 =	vadd.f32 v8, v7  }
0x22a: {  	s25 =	simm.s32 $0x1000;
	v11 =	vld [tilespmem:s24+$0xC200]  }
0x22b: {  	s31 =	simm.s32 $0x200;
	s26 =	sand.u32 $0x2000, s25;
	s14 =	sor.u32 s11, s15;
	[tilespmem:s7+$0x18200] =	vst v8  }
0x22c: {  	s10 =	sand.u32 $0x300, s31;
	s7 =	sor.u32 s6, s26;
	v8 =	vld [tilespmem:s14+$0xC200];
	v9 =	vmul.f32 v9, v3  }
0x22d: {  	s21 =	sor.u32 s10, s7;
	v10 =	vmul.f32 v10, v3  }
0x22e: {  	s13 =	sor.u32 $0x80, s21;
	v9 =	vadd.f32 v9, v7  }
0x22f: {  	v11 =	vmul.f32 v11, v3;
	s5 =	sor.u32 s12, s13;
	v10 =	vadd.f32 v10, v6  }
0x230: {  	s10 =	sor.u32 s11, s9;
	[tilespmem:s22+$0x18200] =	vst v9;
	v9 =	vld [tilespmem:s5+$0xC200]  }
0x231: {  	s19 =	sor.u32 s3, s4;
	v11 =	vadd.f32 v11, v7;
	v8 =	vmul.f32 v8, v3;
	[tilespmem:s23+$0x18200] =	vst v10;
	v10 =	vld [tilespmem:s10+$0xC200]  }
0x232: {  	s17 =	sor.u32 s12, s21;
	v12 =	vld [tilespmem:s19+$0xC200]  }
0x233: {  	s18 =	sor.u32 s11, s16;
	[tilespmem:s24+$0x18200] =	vst v11;
	v11 =	vld [tilespmem:s17+$0xC200];
	v8 =	vadd.f32 v8, v6;
	s22 =	simm.s32 $0x1800  }
0x234: {  	v13 =	vld [tilespmem:s18+$0xC200];
	s1 =	sand.u32 $0x2000, s22;
	s23 =	simm.s32 $0x300  }
0x235: {  	s20 =	sor.u32 s3, s15;
	[tilespmem:s14+$0x18200] =	vst v8;
	s1 =	sor.u32 s6, s1;
	s8 =	sand.u32 $0x300, s23;
	v8 =	vmul.f32 v9, v3  }
0x236: {  	s1 =	sor.u32 s8, s1;
	v9 =	vld [tilespmem:s20+$0xC200];
	v10 =	vmul.f32 v10, v3  }
0x237: {  	s8 =	sor.u32 s12, s1;
	s14 =	sor.u32 $0x80, s1;
	v8 =	vadd.f32 v8, v7;
	v12 =	vmul.f32 v12, v3  }
0x238: {  	v11 =	vmul.f32 v11, v3;
	v14 =	vld [tilespmem:s8+$0xC200];
	s22 =	sor.u32 s12, s14;
	v10 =	vadd.f32 v10, v6  }
0x239: {  	s24 =	sor.u32 s11, s13;
	[tilespmem:s5+$0x18200] =	vst v8;
	v8 =	vmul.f32 v13, v3;
	v12 =	vadd.f32 v12, v5;
	v13 =	vld [tilespmem:s22+$0xC200]  }
0x23a: {  	s2 =	sor.u32 s3, s9;
	v11 =	vadd.f32 v11, v7;
	[tilespmem:s10+$0x18200] =	vst v10;
	v10 =	vld [tilespmem:s24+$0xC200]  }
0x23b: {  	v9 =	vmul.f32 v9, v3;
	s10 =	sor.u32 s0, s4;
	v8 =	vadd.f32 v8, v6;
	[tilespmem:s19+$0x18200] =	vst v12;
	v12 =	vld [tilespmem:s2+$0xC200]  }
0x23c: {  	s30 =	sor.u32 s11, s21;
	[tilespmem:s17+$0x18200] =	vst v11;
	v11 =	vld [tilespmem:s10+$0xC200]  }
0x23d: {  	s25 =	simm.s32 $0x2000;
	s31 =	sor.u32 s3, s16;
	v9 =	vadd.f32 v9, v5;
	[tilespmem:s18+$0x18200] =	vst v8;
	v8 =	vmul.f32 v14, v3;
	v14 =	vld [tilespmem:s30+$0xC200]  }
0x23e: {  	s4 =	sand.u32 $0x2000, s25;
	s19 =	simm.s32 $0x400;
	v13 =	vmul.f32 v13, v3;
	v15 =	vld [tilespmem:s31+$0xC200]  }
0x23f: {  	s15 =	sor.u32 s0, s15;
	s4 =	sor.u32 s6, s4;
	s26 =	sand.u32 $0x300, s19;
	[tilespmem:s20+$0x18200] =	vst v9;
	v8 =	vadd.f32 v8, v7;
	v9 =	vmul.f32 v10, v3  }
0x240: {  	s5 =	sor.u32 s26, s4;
	v10 =	vld [tilespmem:s15+$0xC200];
	v13 =	vadd.f32 v13, v7;
	v12 =	vmul.f32 v12, v3  }
0x241: {  	s20 =	sor.u32 s12, s5;
	s18 =	sor.u32 $0x80, s5;
	[tilespmem:s8+$0x18200] =	vst v8;
	v8 =	vadd.f32 v9, v6;
	v9 =	vmul.f32 v11, v3  }
0x242: {  	v16 =	vld [tilespmem:s20+$0xC200];
	s25 =	sor.u32 s12, s18;
	[tilespmem:s22+$0x18200] =	vst v13;
	v13 =	vmul.f32 v14, v3;
	v14 =	vadd.f32 v12, v5  }
0x243: {  	s7 =	simm.s32 $0x2800;
	s23 =	sor.u32 s11, s14;
	v12 =	vld [tilespmem:s25+$0xC200];
	[tilespmem:s24+$0x18200] =	vst v8;
	v8 =	vmul.f32 v15, v3;
	v9 =	vadd.f32 v9, v4  }
0x244: {  	s29 =	sor.u32 s3, s21;
	s17 =	sor.u32 s0, s16;
	v11 =	vld [tilespmem:s23+$0xC200];
	s24 =	sor.u32 s3, s13;
	v13 =	vadd.f32 v13, v6;
	[tilespmem:s2+$0x18200] =	vst v14  }
0x245: {  	s16 =	sor.u32 s0, s21;
	s21 =	sor.u32 s0, s9;
	s28 =	sor.u32 s3, s1;
	v14 =	vmul.f32 v10, v3;
	v10 =	vld [tilespmem:s24+$0xC200];
	v15 =	vadd.f32 v8, v5;
	[tilespmem:s10+$0x18200] =	vst v9  }
0x246: {  	s4 =	sor.u32 s11, s1;
	s26 =	sor.u32 s11, s5;
	s9 =	sor.u32 s0, s5;
	v8 =	vld [tilespmem:s21+$0xC200];
	[tilespmem:s30+$0x18200] =	vst v13  }
0x247: {  	s22 =	sor.u32 s0, s1;
	s1 =	simm.s32 $0x8;
	s30 =	sor.u32 s3, s5;
	v9 =	vadd.f32 v14, v4;
	v14 =	vmul.f32 v16, v3;
	v13 =	vld [tilespmem:s4+$0xC200];
	[tilespmem:s31+$0x18200] =	vst v15  }
.LBB2_17:
0x248: {  	s2 =	sand.u32 $0x2000, s7  }
0x249: {  	v12 =	vmul.f32 v12, v3;
	s19 =	sadd.s32 $0x100, s19;
	v15 =	vld [tilespmem:s29+$0xC200];
	[tilespmem:s15+$0x18200] =	vst v9;
	s8 =	smov.u32 s30;
	s15 =	smov.u32 s17  }
0x24a: {  	s1 =	sadd.s32 $0x2, s1;
	s2 =	sor.u32 s6, s2;
	s5 =	sand.u32 $0x300, s19;
	v9 =	vadd.f32 v14, v7;
	v11 =	vmul.f32 v11, v3;
	v14 =	vld [tilespmem:s17+$0xC200]  }
0x24b: {  	s17 =	smov.u32 s16;
	s16 =	smov.u32 s22;
	s2 =	sor.u32 s5, s2;
	v12 =	vadd.f32 v12, v7;
	v10 =	vmul.f32 v10, v3  }
0x24c: {  	p0 =	slt.u32 s1, $0xE;
	s5 =	sor.u32 $0x80, s2;
	[tilespmem:s20+$0x18200] =	vst v9;
	s20 =	sor.u32 s12, s2;
	v9 =	vadd.f32 v11, v6;
	v8 =	vmul.f32 v8, v3  }
0x24d: {  	s10 =	sor.u32 s11, s2;
	s30 =	sor.u32 s3, s2;
	v16 =	vld [tilespmem:s20+$0xC200];
	[tilespmem:s25+$0x18200] =	vst v12;
	s25 =	sor.u32 s12, s5;
	v13 =	vmul.f32 v13, v3;
	v10 =	vadd.f32 v10, v5  }
.Ltmp7:
0x24e: {  	s2 =	sor.u32 s0, s2;
	v12 =	vld [tilespmem:s25+$0xC200];
	[tilespmem:s23+$0x18200] =	vst v9;
	s23 =	sor.u32 s11, s18;
	v9 =	vmul.f32 v15, v3;
	v8 =	vadd.f32 v8, v4;
	(pc) =	sbr.rel @p0 .LBB2_17-.Ltmp7, $4  }
0x24f: {  	s22 =	smov.u32 s9;
	s9 =	smov.u32 s2;
	v11 =	vld [tilespmem:s23+$0xC200];
	v13 =	vadd.f32 v13, v6;
	[tilespmem:s24+$0x18200] =	vst v10;
	s24 =	sor.u32 s3, s14;
	v14 =	vmul.f32 v14, v3  }
0x250: {  	v10 =	vld [tilespmem:s24+$0xC200];
	v15 =	vadd.f32 v9, v5;
	[tilespmem:s21+$0x18200] =	vst v8;
	s21 =	sor.u32 s0, s13;
	s13 =	smov.u32 s14;
	s14 =	smov.u32 s18  }
0x251: {  	s18 =	smov.u32 s5;
	[tilespmem:s4+$0x18200] =	vst v13;
	v8 =	vld [tilespmem:s21+$0xC200];
	v9 =	vadd.f32 v14, v4;
	s4 =	smov.u32 s26;
	s26 =	smov.u32 s10  }
0x252: {  	s7 =	sadd.s32 $0x800, s7;
	v14 =	vmul.f32 v16, v3;
	v13 =	vld [tilespmem:s4+$0xC200];
	[tilespmem:s29+$0x18200] =	vst v15;
	s29 =	smov.u32 s28;
	s28 =	smov.u32 s8  }
0x253: {  	v12 =	vmul.f32 v12, v3  }
0x254: {  	v39 =	vadd.f32 v14, v7  }
0x255: {  	v12 =	vadd.f32 v12, v7  }
0x256: {  	[tilespmem:s20+$0x18200] =	vst v39  }
0x257: {  	s1 =	sor.u32 s11, s18;
	[tilespmem:s25+$0x18200] =	vst v12;
	v41 =	vld [tilespmem:s26+$0xC200]  }
0x258: {  	v13 =	vmul.f32 v13, v3;
	v40 =	vld [tilespmem:s1+$0xC200]  }
0x259: {  	v42 =	vld [tilespmem:s29+$0xC200];
	v11 =	vmul.f32 v11, v3  }
0x25a: {  	v13 =	vadd.f32 v13, v6  }
0x25b: {  	v11 =	vadd.f32 v11, v6  }
0x25c: {  	[tilespmem:s4+$0x18200] =	vst v13;
	v12 =	vmul.f32 v41, v3  }
0x25d: {  	s2 =	sor.u32 s3, s14;
	[tilespmem:s23+$0x18200] =	vst v11;
	v44 =	vld [tilespmem:s28+$0xC200];
	v7 =	vmul.f32 v40, v3  }
0x25e: {  	v47 =	vmul.f32 v42, v3;
	v11 =	vld [tilespmem:s2+$0xC200];
	v43 =	vadd.f32 v12, v6  }
0x25f: {  	v7 =	vadd.f32 v7, v6  }
0x260: {  	v48 =	vld [tilespmem:s17+$0xC200];
	v13 =	vadd.f32 v47, v5;
	[tilespmem:s26+$0x18200] =	vst v43  }
0x261: {  	v45 =	vmul.f32 v10, v3;
	s25 =	sor.u32 s3, s18;
	[tilespmem:s1+$0x18200] =	vst v7;
	v46 =	vld [tilespmem:s30+$0xC200]  }
0x262: {  	[tilespmem:s29+$0x18200] =	vst v13;
	v12 =	vmul.f32 v44, v3;
	v7 =	vld [tilespmem:s25+$0xC200]  }
0x263: {  	v11 =	vmul.f32 v11, v3;
	v13 =	vld [tilespmem:s16+$0xC200];
	v6 =	vadd.f32 v45, v5  }
0x264: {  	v12 =	vadd.f32 v12, v5  }
0x265: {  	s26 =	sor.u32 s0, s13;
	v49 =	vadd.f32 v11, v5;
	[tilespmem:s24+$0x18200] =	vst v6  }
0x266: {  	v54 =	vmul.f32 v48, v3;
	v50 =	vld [tilespmem:s26+$0xC200];
	[tilespmem:s28+$0x18200] =	vst v12  }
0x267: {  	s29 =	sor.u32 s0, s14;
	[tilespmem:s2+$0x18200] =	vst v49;
	v10 =	vmul.f32 v46, v3;
	v53 =	vld [tilespmem:s22+$0xC200];
	v7 =	vmul.f32 v7, v3  }
0x268: {  	v6 =	vadd.f32 v54, v4;
	v52 =	vld [tilespmem:s29+$0xC200];
	v58 =	vmul.f32 v13, v3  }
0x269: {  	[tilespmem:s15+$0x18200] =	vst v9;
	v8 =	vmul.f32 v8, v3;
	v51 =	vadd.f32 v7, v5;
	v5 =	vadd.f32 v10, v5  }
0x26a: {  	[tilespmem:s17+$0x18200] =	vst v6;
	v59 =	vadd.f32 v58, v4  }
0x26b: {  	v56 =	vmul.f32 v50, v3;
	[tilespmem:s30+$0x18200] =	vst v5;
	v5 =	vadd.f32 v8, v4  }
0x26c: {  	[tilespmem:s16+$0x18200] =	vst v59;
	v60 =	vmul.f32 v53, v3  }
0x26d: {  	v7 =	vmul.f32 v52, v3;
	[tilespmem:s21+$0x18200] =	vst v5;
	v5 =	vadd.f32 v56, v4  }
0x26e: {  	s31 =	sor.u32 s0, s18;
	[tilespmem:s25+$0x18200] =	vst v51;
	v62 =	vadd.f32 v60, v4  }
0x26f: {  	v55 =	vld [tilespmem:s31+$0xC200];
	[tilespmem:s26+$0x18200] =	vst v5;
	v5 =	vadd.f32 v7, v4  }
0x270: {  	v57 =	vld [tilespmem:s9+$0xC200];
	[tilespmem:s22+$0x18200] =	vst v62  }
0x271: {  	[tilespmem:s29+$0x18200] =	vst v5  }
0x272: {  	s2 =	rddreg [dreg:$0x16]  }
0x273: {  	s2 =	sadd.s32 $0x1, s2  }
0x274: {  	v61 =	vmul.f32 v55, v3;
	p0 =	sne.s32 s2, $0x10  }
.Ltmp8:
0x275: {  	v63 =	vmul.f32 v57, v3;
	(pc) =	sbr.rel @p0 .LBB2_16-.Ltmp8, $4  }
0x276: {  	v5 =	vadd.f32 v61, v4  }
0x277: {  	v4 =	vadd.f32 v63, v4  }
0x278: {  	[tilespmem:s31+$0x18200] =	vst v5  }
0x279: {  	[tilespmem:s9+$0x18200] =	vst v4  }
0x27a: {  	s2 =	simm.s32 $0x0  }
0x27b: {  	s0 =	rddreg [dreg:$0xd];
	s1 =	simm.s32 $0x18200;
	s30 =	simm.s32 $0x5  }
0x27c: {  	[hbm4b:s0+s2] =	stream.linear.scatter [tilespmem:s1], [sflag:$0x7], $0x4000, $0x38;
	[tilespmem:$0x1CB00] =	vst v63  }
0x27d: {  	_ =	swait.ge [sflag:s30], $0x4000  }
0x27e: {  	[sflag:s30] =	ssyncset.done $0x0  }
0x27f: {  	s31 =	simm.s32 $0x6;
	[sflag:s30] =	ssyncadd.s32 $0xFFFFC000  }
0x280: {  	_ =	swait.ge [sflag:s31], $0x4000  }
0x281: {  	[sflag:s31] =	ssyncset.done $0x0  }
0x282: {  	s2 =	simm.s32 $0x0;
	[sflag:s31] =	ssyncadd.s32 $0xFFFFC000  }
.LBB2_20:
0x283: {  	s0 =	sshll.u32 s2, $0x9;
	s1 =	simm.s32 $0x0  }
0x284: {  	s6 =	sand.u32 $0x1C00, s0;
	s16 =	sand.u32 $0x2000, s1  }
0x285: {  	s1 =	sand.u32 $0x300, s1;
	s0 =	sor.u32 s6, s16  }
0x286: {  	s17 =	sshll.u32 s2, $0x6;
	s15 =	sor.u32 s1, s0  }
0x287: {  	s12 =	sand.u32 $0x40, s17;
	s4 =	sor.u32 $0x80, s15  }
0x288: {  	[dreg:$0x17] =	wrdreg s2;
	s18 =	sor.u32 s12, s4  }
0x289: {  	v4 =	vld [tilespmem:s18+$0x10200];
	_ =	sdelay $0x1  }
0x28a: {  	s20 =	simm.s32 $0x800;
	s9 =	simm.s32 $0x100;
	v7 =	vld [tilespmem:s17+$0x1C600]  }
0x28b: {  	s19 =	sand.u32 $0x380, s17;
	s9 =	sand.u32 $0x300, s9;
	s7 =	sor.u32 s12, s15  }
0x28c: {  	s11 =	sor.u32 $0x10, s12;
	s2 =	sadd.s32 $0x1C600, s19;
	s0 =	sand.u32 $0x2000, s20;
	v8 =	vld [tilespmem:s7+$0x10200]  }
0x28d: {  	s3 =	sor.u32 $0x20, s12;
	s8 =	sor.u32 s11, s2;
	s10 =	sor.u32 s6, s0;
	v4 =	vmul.f32 v4, v3  }
0x28e: {  	s21 =	sor.u32 s3, s2;
	v6 =	vld [tilespmem:s8+$0x0];
	s0 =	sor.u32 $0x30, s12;
	s16 =	sor.u32 s9, s10  }
0x28f: {  	v5 =	vld [tilespmem:s21+$0x0];
	s2 =	sor.u32 s0, s2;
	s9 =	sor.u32 $0x80, s16;
	v9 =	vadd.f32 v4, v7  }
0x290: {  	s22 =	sor.u32 s12, s9;
	v4 =	vld [tilespmem:s2+$0x0]  }
0x291: {  	s23 =	sor.u32 s11, s4;
	v8 =	vmul.f32 v8, v3;
	[tilespmem:s18+$0x14200] =	vst v9;
	v9 =	vld [tilespmem:s22+$0x10200]  }
0x292: {  	v10 =	vld [tilespmem:s23+$0x10200]  }
0x293: {  	s24 =	sor.u32 s12, s16;
	v8 =	vadd.f32 v8, v7  }
0x294: {  	s25 =	simm.s32 $0x1000;
	v11 =	vld [tilespmem:s24+$0x10200]  }
0x295: {  	s31 =	simm.s32 $0x200;
	s26 =	sand.u32 $0x2000, s25;
	s14 =	sor.u32 s11, s15;
	[tilespmem:s7+$0x14200] =	vst v8  }
0x296: {  	s10 =	sand.u32 $0x300, s31;
	s7 =	sor.u32 s6, s26;
	v8 =	vld [tilespmem:s14+$0x10200];
	v9 =	vmul.f32 v9, v3  }
0x297: {  	s21 =	sor.u32 s10, s7;
	v10 =	vmul.f32 v10, v3  }
0x298: {  	s13 =	sor.u32 $0x80, s21;
	v9 =	vadd.f32 v9, v7  }
0x299: {  	v11 =	vmul.f32 v11, v3;
	s5 =	sor.u32 s12, s13;
	v10 =	vadd.f32 v10, v6  }
0x29a: {  	s10 =	sor.u32 s11, s9;
	[tilespmem:s22+$0x14200] =	vst v9;
	v9 =	vld [tilespmem:s5+$0x10200]  }
0x29b: {  	s19 =	sor.u32 s3, s4;
	v11 =	vadd.f32 v11, v7;
	v8 =	vmul.f32 v8, v3;
	[tilespmem:s23+$0x14200] =	vst v10;
	v10 =	vld [tilespmem:s10+$0x10200]  }
0x29c: {  	s17 =	sor.u32 s12, s21;
	v12 =	vld [tilespmem:s19+$0x10200]  }
0x29d: {  	s18 =	sor.u32 s11, s16;
	[tilespmem:s24+$0x14200] =	vst v11;
	v11 =	vld [tilespmem:s17+$0x10200];
	v8 =	vadd.f32 v8, v6;
	s22 =	simm.s32 $0x1800  }
0x29e: {  	v13 =	vld [tilespmem:s18+$0x10200];
	s1 =	sand.u32 $0x2000, s22;
	s23 =	simm.s32 $0x300  }
0x29f: {  	s20 =	sor.u32 s3, s15;
	[tilespmem:s14+$0x14200] =	vst v8;
	s1 =	sor.u32 s6, s1;
	s8 =	sand.u32 $0x300, s23;
	v8 =	vmul.f32 v9, v3  }
0x2a0: {  	s1 =	sor.u32 s8, s1;
	v9 =	vld [tilespmem:s20+$0x10200];
	v10 =	vmul.f32 v10, v3  }
0x2a1: {  	s8 =	sor.u32 s12, s1;
	s14 =	sor.u32 $0x80, s1;
	v8 =	vadd.f32 v8, v7;
	v12 =	vmul.f32 v12, v3  }
0x2a2: {  	v11 =	vmul.f32 v11, v3;
	v14 =	vld [tilespmem:s8+$0x10200];
	s22 =	sor.u32 s12, s14;
	v10 =	vadd.f32 v10, v6  }
0x2a3: {  	s24 =	sor.u32 s11, s13;
	[tilespmem:s5+$0x14200] =	vst v8;
	v8 =	vmul.f32 v13, v3;
	v12 =	vadd.f32 v12, v5;
	v13 =	vld [tilespmem:s22+$0x10200]  }
0x2a4: {  	s2 =	sor.u32 s3, s9;
	v11 =	vadd.f32 v11, v7;
	[tilespmem:s10+$0x14200] =	vst v10;
	v10 =	vld [tilespmem:s24+$0x10200]  }
0x2a5: {  	v9 =	vmul.f32 v9, v3;
	s10 =	sor.u32 s0, s4;
	v8 =	vadd.f32 v8, v6;
	[tilespmem:s19+$0x14200] =	vst v12;
	v12 =	vld [tilespmem:s2+$0x10200]  }
0x2a6: {  	s30 =	sor.u32 s11, s21;
	[tilespmem:s17+$0x14200] =	vst v11;
	v11 =	vld [tilespmem:s10+$0x10200]  }
0x2a7: {  	s25 =	simm.s32 $0x2000;
	s31 =	sor.u32 s3, s16;
	v9 =	vadd.f32 v9, v5;
	[tilespmem:s18+$0x14200] =	vst v8;
	v8 =	vmul.f32 v14, v3;
	v14 =	vld [tilespmem:s30+$0x10200]  }
0x2a8: {  	s4 =	sand.u32 $0x2000, s25;
	s19 =	simm.s32 $0x400;
	v13 =	vmul.f32 v13, v3;
	v15 =	vld [tilespmem:s31+$0x10200]  }
0x2a9: {  	s15 =	sor.u32 s0, s15;
	s4 =	sor.u32 s6, s4;
	s26 =	sand.u32 $0x300, s19;
	[tilespmem:s20+$0x14200] =	vst v9;
	v8 =	vadd.f32 v8, v7;
	v9 =	vmul.f32 v10, v3  }
0x2aa: {  	s5 =	sor.u32 s26, s4;
	v10 =	vld [tilespmem:s15+$0x10200];
	v13 =	vadd.f32 v13, v7;
	v12 =	vmul.f32 v12, v3  }
0x2ab: {  	s20 =	sor.u32 s12, s5;
	s18 =	sor.u32 $0x80, s5;
	[tilespmem:s8+$0x14200] =	vst v8;
	v8 =	vadd.f32 v9, v6;
	v9 =	vmul.f32 v11, v3  }
0x2ac: {  	v16 =	vld [tilespmem:s20+$0x10200];
	s25 =	sor.u32 s12, s18;
	[tilespmem:s22+$0x14200] =	vst v13;
	v13 =	vmul.f32 v14, v3;
	v14 =	vadd.f32 v12, v5  }
0x2ad: {  	s7 =	simm.s32 $0x2800;
	s23 =	sor.u32 s11, s14;
	v12 =	vld [tilespmem:s25+$0x10200];
	[tilespmem:s24+$0x14200] =	vst v8;
	v8 =	vmul.f32 v15, v3;
	v9 =	vadd.f32 v9, v4  }
0x2ae: {  	s29 =	sor.u32 s3, s21;
	s17 =	sor.u32 s0, s16;
	v11 =	vld [tilespmem:s23+$0x10200];
	s24 =	sor.u32 s3, s13;
	v13 =	vadd.f32 v13, v6;
	[tilespmem:s2+$0x14200] =	vst v14  }
0x2af: {  	s16 =	sor.u32 s0, s21;
	s21 =	sor.u32 s0, s9;
	s28 =	sor.u32 s3, s1;
	v14 =	vmul.f32 v10, v3;
	v10 =	vld [tilespmem:s24+$0x10200];
	v15 =	vadd.f32 v8, v5;
	[tilespmem:s10+$0x14200] =	vst v9  }
0x2b0: {  	s4 =	sor.u32 s11, s1;
	s26 =	sor.u32 s11, s5;
	s9 =	sor.u32 s0, s5;
	v8 =	vld [tilespmem:s21+$0x10200];
	[tilespmem:s30+$0x14200] =	vst v13  }
0x2b1: {  	s22 =	sor.u32 s0, s1;
	s1 =	simm.s32 $0x8;
	s30 =	sor.u32 s3, s5;
	v9 =	vadd.f32 v14, v4;
	v14 =	vmul.f32 v16, v3;
	v13 =	vld [tilespmem:s4+$0x10200];
	[tilespmem:s31+$0x14200] =	vst v15  }
.LBB2_21:
0x2b2: {  	s2 =	sand.u32 $0x2000, s7  }
0x2b3: {  	v12 =	vmul.f32 v12, v3;
	s19 =	sadd.s32 $0x100, s19;
	v15 =	vld [tilespmem:s29+$0x10200];
	[tilespmem:s15+$0x14200] =	vst v9;
	s8 =	smov.u32 s30;
	s15 =	smov.u32 s17  }
0x2b4: {  	s1 =	sadd.s32 $0x2, s1;
	s2 =	sor.u32 s6, s2;
	s5 =	sand.u32 $0x300, s19;
	v9 =	vadd.f32 v14, v7;
	v11 =	vmul.f32 v11, v3;
	v14 =	vld [tilespmem:s17+$0x10200]  }
0x2b5: {  	s17 =	smov.u32 s16;
	s16 =	smov.u32 s22;
	s2 =	sor.u32 s5, s2;
	v12 =	vadd.f32 v12, v7;
	v10 =	vmul.f32 v10, v3  }
0x2b6: {  	p0 =	slt.u32 s1, $0xE;
	s5 =	sor.u32 $0x80, s2;
	[tilespmem:s20+$0x14200] =	vst v9;
	s20 =	sor.u32 s12, s2;
	v9 =	vadd.f32 v11, v6;
	v8 =	vmul.f32 v8, v3  }
0x2b7: {  	s10 =	sor.u32 s11, s2;
	s30 =	sor.u32 s3, s2;
	v16 =	vld [tilespmem:s20+$0x10200];
	[tilespmem:s25+$0x14200] =	vst v12;
	s25 =	sor.u32 s12, s5;
	v13 =	vmul.f32 v13, v3;
	v10 =	vadd.f32 v10, v5  }
.Ltmp9:
0x2b8: {  	s2 =	sor.u32 s0, s2;
	v12 =	vld [tilespmem:s25+$0x10200];
	[tilespmem:s23+$0x14200] =	vst v9;
	s23 =	sor.u32 s11, s18;
	v9 =	vmul.f32 v15, v3;
	v8 =	vadd.f32 v8, v4;
	(pc) =	sbr.rel @p0 .LBB2_21-.Ltmp9, $4  }
0x2b9: {  	s22 =	smov.u32 s9;
	s9 =	smov.u32 s2;
	v11 =	vld [tilespmem:s23+$0x10200];
	v13 =	vadd.f32 v13, v6;
	[tilespmem:s24+$0x14200] =	vst v10;
	s24 =	sor.u32 s3, s14;
	v14 =	vmul.f32 v14, v3  }
0x2ba: {  	v10 =	vld [tilespmem:s24+$0x10200];
	v15 =	vadd.f32 v9, v5;
	[tilespmem:s21+$0x14200] =	vst v8;
	s21 =	sor.u32 s0, s13;
	s13 =	smov.u32 s14;
	s14 =	smov.u32 s18  }
0x2bb: {  	s18 =	smov.u32 s5;
	[tilespmem:s4+$0x14200] =	vst v13;
	v8 =	vld [tilespmem:s21+$0x10200];
	v9 =	vadd.f32 v14, v4;
	s4 =	smov.u32 s26;
	s26 =	smov.u32 s10  }
0x2bc: {  	s7 =	sadd.s32 $0x800, s7;
	v14 =	vmul.f32 v16, v3;
	v13 =	vld [tilespmem:s4+$0x10200];
	[tilespmem:s29+$0x14200] =	vst v15;
	s29 =	smov.u32 s28;
	s28 =	smov.u32 s8  }
0x2bd: {  	v12 =	vmul.f32 v12, v3  }
0x2be: {  	v39 =	vadd.f32 v14, v7  }
0x2bf: {  	v12 =	vadd.f32 v12, v7  }
0x2c0: {  	[tilespmem:s20+$0x14200] =	vst v39  }
0x2c1: {  	s1 =	sor.u32 s11, s18;
	[tilespmem:s25+$0x14200] =	vst v12;
	v41 =	vld [tilespmem:s26+$0x10200]  }
0x2c2: {  	v13 =	vmul.f32 v13, v3;
	v40 =	vld [tilespmem:s1+$0x10200]  }
0x2c3: {  	v42 =	vld [tilespmem:s29+$0x10200];
	v11 =	vmul.f32 v11, v3  }
0x2c4: {  	v13 =	vadd.f32 v13, v6  }
0x2c5: {  	v11 =	vadd.f32 v11, v6  }
0x2c6: {  	[tilespmem:s4+$0x14200] =	vst v13;
	v12 =	vmul.f32 v41, v3  }
0x2c7: {  	s2 =	sor.u32 s3, s14;
	[tilespmem:s23+$0x14200] =	vst v11;
	v44 =	vld [tilespmem:s28+$0x10200];
	v7 =	vmul.f32 v40, v3  }
0x2c8: {  	v47 =	vmul.f32 v42, v3;
	v11 =	vld [tilespmem:s2+$0x10200];
	v43 =	vadd.f32 v12, v6  }
0x2c9: {  	v7 =	vadd.f32 v7, v6  }
0x2ca: {  	v48 =	vld [tilespmem:s17+$0x10200];
	v13 =	vadd.f32 v47, v5;
	[tilespmem:s26+$0x14200] =	vst v43  }
0x2cb: {  	v45 =	vmul.f32 v10, v3;
	s25 =	sor.u32 s3, s18;
	[tilespmem:s1+$0x14200] =	vst v7;
	v46 =	vld [tilespmem:s30+$0x10200]  }
0x2cc: {  	[tilespmem:s29+$0x14200] =	vst v13;
	v12 =	vmul.f32 v44, v3;
	v7 =	vld [tilespmem:s25+$0x10200]  }
0x2cd: {  	v11 =	vmul.f32 v11, v3;
	v13 =	vld [tilespmem:s16+$0x10200];
	v6 =	vadd.f32 v45, v5  }
0x2ce: {  	v12 =	vadd.f32 v12, v5  }
0x2cf: {  	s26 =	sor.u32 s0, s13;
	v49 =	vadd.f32 v11, v5;
	[tilespmem:s24+$0x14200] =	vst v6  }
0x2d0: {  	v54 =	vmul.f32 v48, v3;
	v50 =	vld [tilespmem:s26+$0x10200];
	[tilespmem:s28+$0x14200] =	vst v12  }
0x2d1: {  	s29 =	sor.u32 s0, s14;
	[tilespmem:s2+$0x14200] =	vst v49;
	v10 =	vmul.f32 v46, v3;
	v53 =	vld [tilespmem:s22+$0x10200];
	v7 =	vmul.f32 v7, v3  }
0x2d2: {  	v6 =	vadd.f32 v54, v4;
	v52 =	vld [tilespmem:s29+$0x10200];
	v58 =	vmul.f32 v13, v3  }
0x2d3: {  	[tilespmem:s15+$0x14200] =	vst v9;
	v8 =	vmul.f32 v8, v3;
	v51 =	vadd.f32 v7, v5;
	v5 =	vadd.f32 v10, v5  }
0x2d4: {  	[tilespmem:s17+$0x14200] =	vst v6;
	v59 =	vadd.f32 v58, v4  }
0x2d5: {  	v56 =	vmul.f32 v50, v3;
	[tilespmem:s30+$0x14200] =	vst v5;
	v5 =	vadd.f32 v8, v4  }
0x2d6: {  	[tilespmem:s16+$0x14200] =	vst v59;
	v60 =	vmul.f32 v53, v3  }
0x2d7: {  	v7 =	vmul.f32 v52, v3;
	[tilespmem:s21+$0x14200] =	vst v5;
	v5 =	vadd.f32 v56, v4  }
0x2d8: {  	s31 =	sor.u32 s0, s18;
	[tilespmem:s25+$0x14200] =	vst v51;
	v62 =	vadd.f32 v60, v4  }
0x2d9: {  	v55 =	vld [tilespmem:s31+$0x10200];
	[tilespmem:s26+$0x14200] =	vst v5;
	v5 =	vadd.f32 v7, v4  }
0x2da: {  	v57 =	vld [tilespmem:s9+$0x10200];
	[tilespmem:s22+$0x14200] =	vst v62  }
0x2db: {  	[tilespmem:s29+$0x14200] =	vst v5  }
0x2dc: {  	s2 =	rddreg [dreg:$0x17]  }
0x2dd: {  	s2 =	sadd.s32 $0x1, s2  }
0x2de: {  	v61 =	vmul.f32 v55, v3;
	p0 =	sne.s32 s2, $0x10  }
.Ltmp10:
0x2df: {  	v63 =	vmul.f32 v57, v3;
	(pc) =	sbr.rel @p0 .LBB2_20-.Ltmp10, $4  }
0x2e0: {  	v5 =	vadd.f32 v61, v4  }
0x2e1: {  	v4 =	vadd.f32 v63, v4  }
0x2e2: {  	[tilespmem:s31+$0x14200] =	vst v5  }
0x2e3: {  	[tilespmem:s9+$0x14200] =	vst v4  }
0x2e4: {  	s2 =	simm.s32 $0x0  }
0x2e5: {  	s0 =	rddreg [dreg:$0xe];
	s1 =	simm.s32 $0x14200;
	s30 =	simm.s32 $0x1  }
0x2e6: {  	[hbm4b:s0+s2] =	stream.linear.scatter [tilespmem:s1], [sflag:$0x6], $0x4000, $0x38;
	[tilespmem:$0x1CB00] =	vst v63  }
0x2e7: {  	_ =	swait.ge [sflag:s30], $0x4000  }
0x2e8: {  	[sflag:s30] =	ssyncset.done $0x0  }
0x2e9: {  	s31 =	simm.s32 $0x7;
	[sflag:s30] =	ssyncadd.s32 $0xFFFFC000  }
0x2ea: {  	_ =	swait.ge [sflag:s31], $0x4000  }
0x2eb: {  	[sflag:s31] =	ssyncset.done $0x0  }
0x2ec: {  	s2 =	simm.s32 $0x0;
	[sflag:s31] =	ssyncadd.s32 $0xFFFFC000  }
.LBB2_24:
0x2ed: {  	s0 =	sshll.u32 s2, $0x9;
	s1 =	simm.s32 $0x0  }
0x2ee: {  	s6 =	sand.u32 $0x1C00, s0;
	s16 =	sand.u32 $0x2000, s1  }
0x2ef: {  	s1 =	sand.u32 $0x300, s1;
	s0 =	sor.u32 s6, s16  }
0x2f0: {  	s17 =	sshll.u32 s2, $0x6;
	s15 =	sor.u32 s1, s0  }
0x2f1: {  	s12 =	sand.u32 $0x40, s17;
	s4 =	sor.u32 $0x80, s15  }
0x2f2: {  	[dreg:$0x18] =	wrdreg s2;
	s18 =	sor.u32 s12, s4  }
0x2f3: {  	v4 =	vld [tilespmem:s18+$0x200];
	_ =	sdelay $0x1  }
0x2f4: {  	s20 =	simm.s32 $0x800;
	s9 =	simm.s32 $0x100;
	v7 =	vld [tilespmem:s17+$0x1C600]  }
0x2f5: {  	s19 =	sand.u32 $0x380, s17;
	s9 =	sand.u32 $0x300, s9;
	s7 =	sor.u32 s12, s15  }
0x2f6: {  	s11 =	sor.u32 $0x10, s12;
	s2 =	sadd.s32 $0x1C600, s19;
	s0 =	sand.u32 $0x2000, s20;
	v8 =	vld [tilespmem:s7+$0x200]  }
0x2f7: {  	s3 =	sor.u32 $0x20, s12;
	s8 =	sor.u32 s11, s2;
	s10 =	sor.u32 s6, s0;
	v4 =	vmul.f32 v4, v3  }
0x2f8: {  	s21 =	sor.u32 s3, s2;
	v6 =	vld [tilespmem:s8+$0x0];
	s0 =	sor.u32 $0x30, s12;
	s16 =	sor.u32 s9, s10  }
0x2f9: {  	v5 =	vld [tilespmem:s21+$0x0];
	s2 =	sor.u32 s0, s2;
	s9 =	sor.u32 $0x80, s16;
	v9 =	vadd.f32 v4, v7  }
0x2fa: {  	s22 =	sor.u32 s12, s9;
	v4 =	vld [tilespmem:s2+$0x0]  }
0x2fb: {  	s23 =	sor.u32 s11, s4;
	v8 =	vmul.f32 v8, v3;
	[tilespmem:s18+$0x18200] =	vst v9;
	v9 =	vld [tilespmem:s22+$0x200]  }
0x2fc: {  	v10 =	vld [tilespmem:s23+$0x200]  }
0x2fd: {  	s24 =	sor.u32 s12, s16;
	v8 =	vadd.f32 v8, v7  }
0x2fe: {  	s25 =	simm.s32 $0x1000;
	v11 =	vld [tilespmem:s24+$0x200]  }
0x2ff: {  	s31 =	simm.s32 $0x200;
	s26 =	sand.u32 $0x2000, s25;
	s14 =	sor.u32 s11, s15;
	[tilespmem:s7+$0x18200] =	vst v8  }
0x300: {  	s10 =	sand.u32 $0x300, s31;
	s7 =	sor.u32 s6, s26;
	v8 =	vld [tilespmem:s14+$0x200];
	v9 =	vmul.f32 v9, v3  }
0x301: {  	s21 =	sor.u32 s10, s7;
	v10 =	vmul.f32 v10, v3  }
0x302: {  	s13 =	sor.u32 $0x80, s21;
	v9 =	vadd.f32 v9, v7  }
0x303: {  	v11 =	vmul.f32 v11, v3;
	s5 =	sor.u32 s12, s13;
	v10 =	vadd.f32 v10, v6  }
0x304: {  	s10 =	sor.u32 s11, s9;
	[tilespmem:s22+$0x18200] =	vst v9;
	v9 =	vld [tilespmem:s5+$0x200]  }
0x305: {  	s19 =	sor.u32 s3, s4;
	v11 =	vadd.f32 v11, v7;
	v8 =	vmul.f32 v8, v3;
	[tilespmem:s23+$0x18200] =	vst v10;
	v10 =	vld [tilespmem:s10+$0x200]  }
0x306: {  	s17 =	sor.u32 s12, s21;
	v12 =	vld [tilespmem:s19+$0x200]  }
0x307: {  	s18 =	sor.u32 s11, s16;
	[tilespmem:s24+$0x18200] =	vst v11;
	v11 =	vld [tilespmem:s17+$0x200];
	v8 =	vadd.f32 v8, v6;
	s22 =	simm.s32 $0x1800  }
0x308: {  	v13 =	vld [tilespmem:s18+$0x200];
	s1 =	sand.u32 $0x2000, s22;
	s23 =	simm.s32 $0x300  }
0x309: {  	s20 =	sor.u32 s3, s15;
	[tilespmem:s14+$0x18200] =	vst v8;
	s1 =	sor.u32 s6, s1;
	s8 =	sand.u32 $0x300, s23;
	v8 =	vmul.f32 v9, v3  }
0x30a: {  	s1 =	sor.u32 s8, s1;
	v9 =	vld [tilespmem:s20+$0x200];
	v10 =	vmul.f32 v10, v3  }
0x30b: {  	s8 =	sor.u32 s12, s1;
	s14 =	sor.u32 $0x80, s1;
	v8 =	vadd.f32 v8, v7;
	v12 =	vmul.f32 v12, v3  }
0x30c: {  	v11 =	vmul.f32 v11, v3;
	v14 =	vld [tilespmem:s8+$0x200];
	s22 =	sor.u32 s12, s14;
	v10 =	vadd.f32 v10, v6  }
0x30d: {  	s24 =	sor.u32 s11, s13;
	[tilespmem:s5+$0x18200] =	vst v8;
	v8 =	vmul.f32 v13, v3;
	v12 =	vadd.f32 v12, v5;
	v13 =	vld [tilespmem:s22+$0x200]  }
0x30e: {  	s2 =	sor.u32 s3, s9;
	v11 =	vadd.f32 v11, v7;
	[tilespmem:s10+$0x18200] =	vst v10;
	v10 =	vld [tilespmem:s24+$0x200]  }
0x30f: {  	v9 =	vmul.f32 v9, v3;
	s10 =	sor.u32 s0, s4;
	v8 =	vadd.f32 v8, v6;
	[tilespmem:s19+$0x18200] =	vst v12;
	v12 =	vld [tilespmem:s2+$0x200]  }
0x310: {  	s30 =	sor.u32 s11, s21;
	[tilespmem:s17+$0x18200] =	vst v11;
	v11 =	vld [tilespmem:s10+$0x200]  }
0x311: {  	s25 =	simm.s32 $0x2000;
	s31 =	sor.u32 s3, s16;
	v9 =	vadd.f32 v9, v5;
	[tilespmem:s18+$0x18200] =	vst v8;
	v8 =	vmul.f32 v14, v3;
	v14 =	vld [tilespmem:s30+$0x200]  }
0x312: {  	s4 =	sand.u32 $0x2000, s25;
	s19 =	simm.s32 $0x400;
	v13 =	vmul.f32 v13, v3;
	v15 =	vld [tilespmem:s31+$0x200]  }
0x313: {  	s15 =	sor.u32 s0, s15;
	s4 =	sor.u32 s6, s4;
	s26 =	sand.u32 $0x300, s19;
	[tilespmem:s20+$0x18200] =	vst v9;
	v8 =	vadd.f32 v8, v7;
	v9 =	vmul.f32 v10, v3  }
0x314: {  	s5 =	sor.u32 s26, s4;
	v10 =	vld [tilespmem:s15+$0x200];
	v13 =	vadd.f32 v13, v7;
	v12 =	vmul.f32 v12, v3  }
0x315: {  	s20 =	sor.u32 s12, s5;
	s18 =	sor.u32 $0x80, s5;
	[tilespmem:s8+$0x18200] =	vst v8;
	v8 =	vadd.f32 v9, v6;
	v9 =	vmul.f32 v11, v3  }
0x316: {  	v16 =	vld [tilespmem:s20+$0x200];
	s25 =	sor.u32 s12, s18;
	[tilespmem:s22+$0x18200] =	vst v13;
	v13 =	vmul.f32 v14, v3;
	v14 =	vadd.f32 v12, v5  }
0x317: {  	s7 =	simm.s32 $0x2800;
	s23 =	sor.u32 s11, s14;
	v12 =	vld [tilespmem:s25+$0x200];
	[tilespmem:s24+$0x18200] =	vst v8;
	v8 =	vmul.f32 v15, v3;
	v9 =	vadd.f32 v9, v4  }
0x318: {  	s29 =	sor.u32 s3, s21;
	s17 =	sor.u32 s0, s16;
	v11 =	vld [tilespmem:s23+$0x200];
	s24 =	sor.u32 s3, s13;
	v13 =	vadd.f32 v13, v6;
	[tilespmem:s2+$0x18200] =	vst v14  }
0x319: {  	s16 =	sor.u32 s0, s21;
	s21 =	sor.u32 s0, s9;
	s28 =	sor.u32 s3, s1;
	v14 =	vmul.f32 v10, v3;
	v10 =	vld [tilespmem:s24+$0x200];
	v15 =	vadd.f32 v8, v5;
	[tilespmem:s10+$0x18200] =	vst v9  }
0x31a: {  	s4 =	sor.u32 s11, s1;
	s26 =	sor.u32 s11, s5;
	s9 =	sor.u32 s0, s5;
	v8 =	vld [tilespmem:s21+$0x200];
	[tilespmem:s30+$0x18200] =	vst v13  }
0x31b: {  	s22 =	sor.u32 s0, s1;
	s1 =	simm.s32 $0x8;
	s30 =	sor.u32 s3, s5;
	v9 =	vadd.f32 v14, v4;
	v14 =	vmul.f32 v16, v3;
	v13 =	vld [tilespmem:s4+$0x200];
	[tilespmem:s31+$0x18200] =	vst v15  }
.LBB2_25:
0x31c: {  	s2 =	sand.u32 $0x2000, s7  }
0x31d: {  	v12 =	vmul.f32 v12, v3;
	s19 =	sadd.s32 $0x100, s19;
	v15 =	vld [tilespmem:s29+$0x200];
	[tilespmem:s15+$0x18200] =	vst v9;
	s8 =	smov.u32 s30;
	s15 =	smov.u32 s17  }
0x31e: {  	s1 =	sadd.s32 $0x2, s1;
	s2 =	sor.u32 s6, s2;
	s5 =	sand.u32 $0x300, s19;
	v9 =	vadd.f32 v14, v7;
	v11 =	vmul.f32 v11, v3;
	v14 =	vld [tilespmem:s17+$0x200]  }
0x31f: {  	s17 =	smov.u32 s16;
	s16 =	smov.u32 s22;
	s2 =	sor.u32 s5, s2;
	v12 =	vadd.f32 v12, v7;
	v10 =	vmul.f32 v10, v3  }
0x320: {  	p0 =	slt.u32 s1, $0xE;
	s5 =	sor.u32 $0x80, s2;
	[tilespmem:s20+$0x18200] =	vst v9;
	s20 =	sor.u32 s12, s2;
	v9 =	vadd.f32 v11, v6;
	v8 =	vmul.f32 v8, v3  }
0x321: {  	s10 =	sor.u32 s11, s2;
	s30 =	sor.u32 s3, s2;
	v16 =	vld [tilespmem:s20+$0x200];
	[tilespmem:s25+$0x18200] =	vst v12;
	s25 =	sor.u32 s12, s5;
	v13 =	vmul.f32 v13, v3;
	v10 =	vadd.f32 v10, v5  }
.Ltmp11:
0x322: {  	s2 =	sor.u32 s0, s2;
	v12 =	vld [tilespmem:s25+$0x200];
	[tilespmem:s23+$0x18200] =	vst v9;
	s23 =	sor.u32 s11, s18;
	v9 =	vmul.f32 v15, v3;
	v8 =	vadd.f32 v8, v4;
	(pc) =	sbr.rel @p0 .LBB2_25-.Ltmp11, $4  }
0x323: {  	s22 =	smov.u32 s9;
	s9 =	smov.u32 s2;
	v11 =	vld [tilespmem:s23+$0x200];
	v13 =	vadd.f32 v13, v6;
	[tilespmem:s24+$0x18200] =	vst v10;
	s24 =	sor.u32 s3, s14;
	v14 =	vmul.f32 v14, v3  }
0x324: {  	v10 =	vld [tilespmem:s24+$0x200];
	v15 =	vadd.f32 v9, v5;
	[tilespmem:s21+$0x18200] =	vst v8;
	s21 =	sor.u32 s0, s13;
	s13 =	smov.u32 s14;
	s14 =	smov.u32 s18  }
0x325: {  	s18 =	smov.u32 s5;
	[tilespmem:s4+$0x18200] =	vst v13;
	v8 =	vld [tilespmem:s21+$0x200];
	v9 =	vadd.f32 v14, v4;
	s4 =	smov.u32 s26;
	s26 =	smov.u32 s10  }
0x326: {  	s7 =	sadd.s32 $0x800, s7;
	v14 =	vmul.f32 v16, v3;
	v13 =	vld [tilespmem:s4+$0x200];
	[tilespmem:s29+$0x18200] =	vst v15;
	s29 =	smov.u32 s28;
	s28 =	smov.u32 s8  }
0x327: {  	v12 =	vmul.f32 v12, v3  }
0x328: {  	v39 =	vadd.f32 v14, v7  }
0x329: {  	v12 =	vadd.f32 v12, v7  }
0x32a: {  	[tilespmem:s20+$0x18200] =	vst v39  }
0x32b: {  	s1 =	sor.u32 s11, s18;
	[tilespmem:s25+$0x18200] =	vst v12;
	v41 =	vld [tilespmem:s26+$0x200]  }
0x32c: {  	v13 =	vmul.f32 v13, v3;
	v40 =	vld [tilespmem:s1+$0x200]  }
0x32d: {  	v42 =	vld [tilespmem:s29+$0x200];
	v11 =	vmul.f32 v11, v3  }
0x32e: {  	v13 =	vadd.f32 v13, v6  }
0x32f: {  	v11 =	vadd.f32 v11, v6  }
0x330: {  	[tilespmem:s4+$0x18200] =	vst v13;
	v12 =	vmul.f32 v41, v3  }
0x331: {  	s2 =	sor.u32 s3, s14;
	[tilespmem:s23+$0x18200] =	vst v11;
	v44 =	vld [tilespmem:s28+$0x200];
	v7 =	vmul.f32 v40, v3  }
0x332: {  	v47 =	vmul.f32 v42, v3;
	v11 =	vld [tilespmem:s2+$0x200];
	v43 =	vadd.f32 v12, v6  }
0x333: {  	v7 =	vadd.f32 v7, v6  }
0x334: {  	v48 =	vld [tilespmem:s17+$0x200];
	v13 =	vadd.f32 v47, v5;
	[tilespmem:s26+$0x18200] =	vst v43  }
0x335: {  	v45 =	vmul.f32 v10, v3;
	s25 =	sor.u32 s3, s18;
	[tilespmem:s1+$0x18200] =	vst v7;
	v46 =	vld [tilespmem:s30+$0x200]  }
0x336: {  	[tilespmem:s29+$0x18200] =	vst v13;
	v12 =	vmul.f32 v44, v3;
	v7 =	vld [tilespmem:s25+$0x200]  }
0x337: {  	v11 =	vmul.f32 v11, v3;
	v13 =	vld [tilespmem:s16+$0x200];
	v6 =	vadd.f32 v45, v5  }
0x338: {  	v12 =	vadd.f32 v12, v5  }
0x339: {  	s26 =	sor.u32 s0, s13;
	v49 =	vadd.f32 v11, v5;
	[tilespmem:s24+$0x18200] =	vst v6  }
0x33a: {  	v54 =	vmul.f32 v48, v3;
	v50 =	vld [tilespmem:s26+$0x200];
	[tilespmem:s28+$0x18200] =	vst v12  }
0x33b: {  	s29 =	sor.u32 s0, s14;
	[tilespmem:s2+$0x18200] =	vst v49;
	v10 =	vmul.f32 v46, v3;
	v53 =	vld [tilespmem:s22+$0x200];
	v7 =	vmul.f32 v7, v3  }
0x33c: {  	v6 =	vadd.f32 v54, v4;
	v52 =	vld [tilespmem:s29+$0x200];
	v58 =	vmul.f32 v13, v3  }
0x33d: {  	[tilespmem:s15+$0x18200] =	vst v9;
	v8 =	vmul.f32 v8, v3;
	v51 =	vadd.f32 v7, v5;
	v5 =	vadd.f32 v10, v5  }
0x33e: {  	[tilespmem:s17+$0x18200] =	vst v6;
	v59 =	vadd.f32 v58, v4  }
0x33f: {  	v56 =	vmul.f32 v50, v3;
	[tilespmem:s30+$0x18200] =	vst v5;
	v5 =	vadd.f32 v8, v4  }
0x340: {  	[tilespmem:s16+$0x18200] =	vst v59;
	v60 =	vmul.f32 v53, v3  }
0x341: {  	v7 =	vmul.f32 v52, v3;
	[tilespmem:s21+$0x18200] =	vst v5;
	v5 =	vadd.f32 v56, v4  }
0x342: {  	s31 =	sor.u32 s0, s18;
	[tilespmem:s25+$0x18200] =	vst v51;
	v62 =	vadd.f32 v60, v4  }
0x343: {  	v55 =	vld [tilespmem:s31+$0x200];
	[tilespmem:s26+$0x18200] =	vst v5;
	v5 =	vadd.f32 v7, v4  }
0x344: {  	v57 =	vld [tilespmem:s9+$0x200];
	[tilespmem:s22+$0x18200] =	vst v62  }
0x345: {  	[tilespmem:s29+$0x18200] =	vst v5  }
0x346: {  	s2 =	rddreg [dreg:$0x18]  }
0x347: {  	s2 =	sadd.s32 $0x1, s2  }
0x348: {  	v61 =	vmul.f32 v55, v3;
	p0 =	sne.s32 s2, $0x10  }
.Ltmp12:
0x349: {  	v63 =	vmul.f32 v57, v3;
	(pc) =	sbr.rel @p0 .LBB2_24-.Ltmp12, $4  }
0x34a: {  	v5 =	vadd.f32 v61, v4  }
0x34b: {  	v4 =	vadd.f32 v63, v4  }
0x34c: {  	[tilespmem:s31+$0x18200] =	vst v5  }
0x34d: {  	[tilespmem:s9+$0x18200] =	vst v4  }
0x34e: {  	s2 =	simm.s32 $0x0  }
0x34f: {  	s0 =	rddreg [dreg:$0xf];
	s1 =	simm.s32 $0x18200;
	s30 =	simm.s32 $0x2  }
0x350: {  	[hbm4b:s0+s2] =	stream.linear.scatter [tilespmem:s1], [sflag:$0x7], $0x4000, $0x38;
	[tilespmem:$0x1CB00] =	vst v63  }
0x351: {  	_ =	swait.ge [sflag:s30], $0x4000  }
0x352: {  	[sflag:s30] =	ssyncset.done $0x0  }
0x353: {  	s31 =	simm.s32 $0x6;
	[sflag:s30] =	ssyncadd.s32 $0xFFFFC000  }
0x354: {  	_ =	swait.ge [sflag:s31], $0x4000  }
0x355: {  	[sflag:s31] =	ssyncset.done $0x0  }
0x356: {  	s2 =	simm.s32 $0x0;
	[sflag:s31] =	ssyncadd.s32 $0xFFFFC000  }
.LBB2_28:
0x357: {  	s0 =	sshll.u32 s2, $0x9;
	s1 =	simm.s32 $0x0  }
0x358: {  	s6 =	sand.u32 $0x1C00, s0;
	s16 =	sand.u32 $0x2000, s1  }
0x359: {  	s1 =	sand.u32 $0x300, s1;
	s0 =	sor.u32 s6, s16  }
0x35a: {  	s17 =	sshll.u32 s2, $0x6;
	s15 =	sor.u32 s1, s0  }
0x35b: {  	s12 =	sand.u32 $0x40, s17;
	s4 =	sor.u32 $0x80, s15  }
0x35c: {  	[dreg:$0x19] =	wrdreg s2;
	s18 =	sor.u32 s12, s4  }
0x35d: {  	v4 =	vld [tilespmem:s18+$0x4200];
	_ =	sdelay $0x1  }
0x35e: {  	s20 =	simm.s32 $0x800;
	s9 =	simm.s32 $0x100;
	v7 =	vld [tilespmem:s17+$0x1C600]  }
0x35f: {  	s19 =	sand.u32 $0x380, s17;
	s9 =	sand.u32 $0x300, s9;
	s7 =	sor.u32 s12, s15  }
0x360: {  	s11 =	sor.u32 $0x10, s12;
	s2 =	sadd.s32 $0x1C600, s19;
	s0 =	sand.u32 $0x2000, s20;
	v8 =	vld [tilespmem:s7+$0x4200]  }
0x361: {  	s3 =	sor.u32 $0x20, s12;
	s8 =	sor.u32 s11, s2;
	s10 =	sor.u32 s6, s0;
	v4 =	vmul.f32 v4, v3  }
0x362: {  	s21 =	sor.u32 s3, s2;
	v6 =	vld [tilespmem:s8+$0x0];
	s0 =	sor.u32 $0x30, s12;
	s16 =	sor.u32 s9, s10  }
0x363: {  	v5 =	vld [tilespmem:s21+$0x0];
	s2 =	sor.u32 s0, s2;
	s9 =	sor.u32 $0x80, s16;
	v9 =	vadd.f32 v4, v7  }
0x364: {  	s22 =	sor.u32 s12, s9;
	v4 =	vld [tilespmem:s2+$0x0]  }
0x365: {  	s23 =	sor.u32 s11, s4;
	v8 =	vmul.f32 v8, v3;
	[tilespmem:s18+$0x14200] =	vst v9;
	v9 =	vld [tilespmem:s22+$0x4200]  }
0x366: {  	v10 =	vld [tilespmem:s23+$0x4200]  }
0x367: {  	s24 =	sor.u32 s12, s16;
	v8 =	vadd.f32 v8, v7  }
0x368: {  	s25 =	simm.s32 $0x1000;
	v11 =	vld [tilespmem:s24+$0x4200]  }
0x369: {  	s31 =	simm.s32 $0x200;
	s26 =	sand.u32 $0x2000, s25;
	s14 =	sor.u32 s11, s15;
	[tilespmem:s7+$0x14200] =	vst v8  }
0x36a: {  	s10 =	sand.u32 $0x300, s31;
	s7 =	sor.u32 s6, s26;
	v8 =	vld [tilespmem:s14+$0x4200];
	v9 =	vmul.f32 v9, v3  }
0x36b: {  	s21 =	sor.u32 s10, s7;
	v10 =	vmul.f32 v10, v3  }
0x36c: {  	s13 =	sor.u32 $0x80, s21;
	v9 =	vadd.f32 v9, v7  }
0x36d: {  	v11 =	vmul.f32 v11, v3;
	s5 =	sor.u32 s12, s13;
	v10 =	vadd.f32 v10, v6  }
0x36e: {  	s10 =	sor.u32 s11, s9;
	[tilespmem:s22+$0x14200] =	vst v9;
	v9 =	vld [tilespmem:s5+$0x4200]  }
0x36f: {  	s19 =	sor.u32 s3, s4;
	v11 =	vadd.f32 v11, v7;
	v8 =	vmul.f32 v8, v3;
	[tilespmem:s23+$0x14200] =	vst v10;
	v10 =	vld [tilespmem:s10+$0x4200]  }
0x370: {  	s17 =	sor.u32 s12, s21;
	v12 =	vld [tilespmem:s19+$0x4200]  }
0x371: {  	s18 =	sor.u32 s11, s16;
	[tilespmem:s24+$0x14200] =	vst v11;
	v11 =	vld [tilespmem:s17+$0x4200];
	v8 =	vadd.f32 v8, v6;
	s22 =	simm.s32 $0x1800  }
0x372: {  	v13 =	vld [tilespmem:s18+$0x4200];
	s1 =	sand.u32 $0x2000, s22;
	s23 =	simm.s32 $0x300  }
0x373: {  	s20 =	sor.u32 s3, s15;
	[tilespmem:s14+$0x14200] =	vst v8;
	s1 =	sor.u32 s6, s1;
	s8 =	sand.u32 $0x300, s23;
	v8 =	vmul.f32 v9, v3  }
0x374: {  	s1 =	sor.u32 s8, s1;
	v9 =	vld [tilespmem:s20+$0x4200];
	v10 =	vmul.f32 v10, v3  }
0x375: {  	s8 =	sor.u32 s12, s1;
	s14 =	sor.u32 $0x80, s1;
	v8 =	vadd.f32 v8, v7;
	v12 =	vmul.f32 v12, v3  }
0x376: {  	v11 =	vmul.f32 v11, v3;
	v14 =	vld [tilespmem:s8+$0x4200];
	s22 =	sor.u32 s12, s14;
	v10 =	vadd.f32 v10, v6  }
0x377: {  	s24 =	sor.u32 s11, s13;
	[tilespmem:s5+$0x14200] =	vst v8;
	v8 =	vmul.f32 v13, v3;
	v12 =	vadd.f32 v12, v5;
	v13 =	vld [tilespmem:s22+$0x4200]  }
0x378: {  	s2 =	sor.u32 s3, s9;
	v11 =	vadd.f32 v11, v7;
	[tilespmem:s10+$0x14200] =	vst v10;
	v10 =	vld [tilespmem:s24+$0x4200]  }
0x379: {  	v9 =	vmul.f32 v9, v3;
	s10 =	sor.u32 s0, s4;
	v8 =	vadd.f32 v8, v6;
	[tilespmem:s19+$0x14200] =	vst v12;
	v12 =	vld [tilespmem:s2+$0x4200]  }
0x37a: {  	s30 =	sor.u32 s11, s21;
	[tilespmem:s17+$0x14200] =	vst v11;
	v11 =	vld [tilespmem:s10+$0x4200]  }
0x37b: {  	s25 =	simm.s32 $0x2000;
	s31 =	sor.u32 s3, s16;
	v9 =	vadd.f32 v9, v5;
	[tilespmem:s18+$0x14200] =	vst v8;
	v8 =	vmul.f32 v14, v3;
	v14 =	vld [tilespmem:s30+$0x4200]  }
0x37c: {  	s4 =	sand.u32 $0x2000, s25;
	s19 =	simm.s32 $0x400;
	v13 =	vmul.f32 v13, v3;
	v15 =	vld [tilespmem:s31+$0x4200]  }
0x37d: {  	s15 =	sor.u32 s0, s15;
	s4 =	sor.u32 s6, s4;
	s26 =	sand.u32 $0x300, s19;
	[tilespmem:s20+$0x14200] =	vst v9;
	v8 =	vadd.f32 v8, v7;
	v9 =	vmul.f32 v10, v3  }
0x37e: {  	s5 =	sor.u32 s26, s4;
	v10 =	vld [tilespmem:s15+$0x4200];
	v13 =	vadd.f32 v13, v7;
	v12 =	vmul.f32 v12, v3  }
0x37f: {  	s20 =	sor.u32 s12, s5;
	s18 =	sor.u32 $0x80, s5;
	[tilespmem:s8+$0x14200] =	vst v8;
	v8 =	vadd.f32 v9, v6;
	v9 =	vmul.f32 v11, v3  }
0x380: {  	v16 =	vld [tilespmem:s20+$0x4200];
	s25 =	sor.u32 s12, s18;
	[tilespmem:s22+$0x14200] =	vst v13;
	v13 =	vmul.f32 v14, v3;
	v14 =	vadd.f32 v12, v5  }
0x381: {  	s7 =	simm.s32 $0x2800;
	s23 =	sor.u32 s11, s14;
	v12 =	vld [tilespmem:s25+$0x4200];
	[tilespmem:s24+$0x14200] =	vst v8;
	v8 =	vmul.f32 v15, v3;
	v9 =	vadd.f32 v9, v4  }
0x382: {  	s29 =	sor.u32 s3, s21;
	s17 =	sor.u32 s0, s16;
	v11 =	vld [tilespmem:s23+$0x4200];
	s24 =	sor.u32 s3, s13;
	v13 =	vadd.f32 v13, v6;
	[tilespmem:s2+$0x14200] =	vst v14  }
0x383: {  	s16 =	sor.u32 s0, s21;
	s21 =	sor.u32 s0, s9;
	s28 =	sor.u32 s3, s1;
	v14 =	vmul.f32 v10, v3;
	v10 =	vld [tilespmem:s24+$0x4200];
	v15 =	vadd.f32 v8, v5;
	[tilespmem:s10+$0x14200] =	vst v9  }
0x384: {  	s4 =	sor.u32 s11, s1;
	s26 =	sor.u32 s11, s5;
	s9 =	sor.u32 s0, s5;
	v8 =	vld [tilespmem:s21+$0x4200];
	[tilespmem:s30+$0x14200] =	vst v13  }
0x385: {  	s22 =	sor.u32 s0, s1;
	s1 =	simm.s32 $0x8;
	s30 =	sor.u32 s3, s5;
	v9 =	vadd.f32 v14, v4;
	v14 =	vmul.f32 v16, v3;
	v13 =	vld [tilespmem:s4+$0x4200];
	[tilespmem:s31+$0x14200] =	vst v15  }
.LBB2_29:
0x386: {  	s2 =	sand.u32 $0x2000, s7  }
0x387: {  	v12 =	vmul.f32 v12, v3;
	s19 =	sadd.s32 $0x100, s19;
	v15 =	vld [tilespmem:s29+$0x4200];
	[tilespmem:s15+$0x14200] =	vst v9;
	s8 =	smov.u32 s30;
	s15 =	smov.u32 s17  }
0x388: {  	s1 =	sadd.s32 $0x2, s1;
	s2 =	sor.u32 s6, s2;
	s5 =	sand.u32 $0x300, s19;
	v9 =	vadd.f32 v14, v7;
	v11 =	vmul.f32 v11, v3;
	v14 =	vld [tilespmem:s17+$0x4200]  }
0x389: {  	s17 =	smov.u32 s16;
	s16 =	smov.u32 s22;
	s2 =	sor.u32 s5, s2;
	v12 =	vadd.f32 v12, v7;
	v10 =	vmul.f32 v10, v3  }
0x38a: {  	p0 =	slt.u32 s1, $0xE;
	s5 =	sor.u32 $0x80, s2;
	[tilespmem:s20+$0x14200] =	vst v9;
	s20 =	sor.u32 s12, s2;
	v9 =	vadd.f32 v11, v6;
	v8 =	vmul.f32 v8, v3  }
0x38b: {  	s10 =	sor.u32 s11, s2;
	s30 =	sor.u32 s3, s2;
	v16 =	vld [tilespmem:s20+$0x4200];
	[tilespmem:s25+$0x14200] =	vst v12;
	s25 =	sor.u32 s12, s5;
	v13 =	vmul.f32 v13, v3;
	v10 =	vadd.f32 v10, v5  }
.Ltmp13:
0x38c: {  	s2 =	sor.u32 s0, s2;
	v12 =	vld [tilespmem:s25+$0x4200];
	[tilespmem:s23+$0x14200] =	vst v9;
	s23 =	sor.u32 s11, s18;
	v9 =	vmul.f32 v15, v3;
	v8 =	vadd.f32 v8, v4;
	(pc) =	sbr.rel @p0 .LBB2_29-.Ltmp13, $4  }
0x38d: {  	s22 =	smov.u32 s9;
	s9 =	smov.u32 s2;
	v11 =	vld [tilespmem:s23+$0x4200];
	v13 =	vadd.f32 v13, v6;
	[tilespmem:s24+$0x14200] =	vst v10;
	s24 =	sor.u32 s3, s14;
	v14 =	vmul.f32 v14, v3  }
0x38e: {  	v10 =	vld [tilespmem:s24+$0x4200];
	v15 =	vadd.f32 v9, v5;
	[tilespmem:s21+$0x14200] =	vst v8;
	s21 =	sor.u32 s0, s13;
	s13 =	smov.u32 s14;
	s14 =	smov.u32 s18  }
0x38f: {  	s18 =	smov.u32 s5;
	[tilespmem:s4+$0x14200] =	vst v13;
	v8 =	vld [tilespmem:s21+$0x4200];
	v9 =	vadd.f32 v14, v4;
	s4 =	smov.u32 s26;
	s26 =	smov.u32 s10  }
0x390: {  	s7 =	sadd.s32 $0x800, s7;
	v14 =	vmul.f32 v16, v3;
	v13 =	vld [tilespmem:s4+$0x4200];
	[tilespmem:s29+$0x14200] =	vst v15;
	s29 =	smov.u32 s28;
	s28 =	smov.u32 s8  }
0x391: {  	v12 =	vmul.f32 v12, v3  }
0x392: {  	v39 =	vadd.f32 v14, v7  }
0x393: {  	v12 =	vadd.f32 v12, v7  }
0x394: {  	[tilespmem:s20+$0x14200] =	vst v39  }
0x395: {  	s1 =	sor.u32 s11, s18;
	[tilespmem:s25+$0x14200] =	vst v12;
	v41 =	vld [tilespmem:s26+$0x4200]  }
0x396: {  	v13 =	vmul.f32 v13, v3;
	v40 =	vld [tilespmem:s1+$0x4200]  }
0x397: {  	v42 =	vld [tilespmem:s29+$0x4200];
	v11 =	vmul.f32 v11, v3  }
0x398: {  	v13 =	vadd.f32 v13, v6  }
0x399: {  	v11 =	vadd.f32 v11, v6  }
0x39a: {  	[tilespmem:s4+$0x14200] =	vst v13;
	v12 =	vmul.f32 v41, v3  }
0x39b: {  	s2 =	sor.u32 s3, s14;
	[tilespmem:s23+$0x14200] =	vst v11;
	v44 =	vld [tilespmem:s28+$0x4200];
	v7 =	vmul.f32 v40, v3  }
0x39c: {  	v47 =	vmul.f32 v42, v3;
	v11 =	vld [tilespmem:s2+$0x4200];
	v43 =	vadd.f32 v12, v6  }
0x39d: {  	v7 =	vadd.f32 v7, v6  }
0x39e: {  	v48 =	vld [tilespmem:s17+$0x4200];
	v13 =	vadd.f32 v47, v5;
	[tilespmem:s26+$0x14200] =	vst v43  }
0x39f: {  	v45 =	vmul.f32 v10, v3;
	s25 =	sor.u32 s3, s18;
	[tilespmem:s1+$0x14200] =	vst v7;
	v46 =	vld [tilespmem:s30+$0x4200]  }
0x3a0: {  	[tilespmem:s29+$0x14200] =	vst v13;
	v12 =	vmul.f32 v44, v3;
	v7 =	vld [tilespmem:s25+$0x4200]  }
0x3a1: {  	v11 =	vmul.f32 v11, v3;
	v13 =	vld [tilespmem:s16+$0x4200];
	v6 =	vadd.f32 v45, v5  }
0x3a2: {  	v12 =	vadd.f32 v12, v5  }
0x3a3: {  	s26 =	sor.u32 s0, s13;
	v49 =	vadd.f32 v11, v5;
	[tilespmem:s24+$0x14200] =	vst v6  }
0x3a4: {  	v54 =	vmul.f32 v48, v3;
	v50 =	vld [tilespmem:s26+$0x4200];
	[tilespmem:s28+$0x14200] =	vst v12  }
0x3a5: {  	s29 =	sor.u32 s0, s14;
	[tilespmem:s2+$0x14200] =	vst v49;
	v10 =	vmul.f32 v46, v3;
	v53 =	vld [tilespmem:s22+$0x4200];
	v7 =	vmul.f32 v7, v3  }
0x3a6: {  	v6 =	vadd.f32 v54, v4;
	v52 =	vld [tilespmem:s29+$0x4200];
	v58 =	vmul.f32 v13, v3  }
0x3a7: {  	[tilespmem:s15+$0x14200] =	vst v9;
	v8 =	vmul.f32 v8, v3;
	v51 =	vadd.f32 v7, v5;
	v5 =	vadd.f32 v10, v5  }
0x3a8: {  	[tilespmem:s17+$0x14200] =	vst v6;
	v59 =	vadd.f32 v58, v4  }
0x3a9: {  	v56 =	vmul.f32 v50, v3;
	[tilespmem:s30+$0x14200] =	vst v5;
	v5 =	vadd.f32 v8, v4  }
0x3aa: {  	[tilespmem:s16+$0x14200] =	vst v59;
	v60 =	vmul.f32 v53, v3  }
0x3ab: {  	v7 =	vmul.f32 v52, v3;
	[tilespmem:s21+$0x14200] =	vst v5;
	v5 =	vadd.f32 v56, v4  }
0x3ac: {  	s31 =	sor.u32 s0, s18;
	[tilespmem:s25+$0x14200] =	vst v51;
	v62 =	vadd.f32 v60, v4  }
0x3ad: {  	v55 =	vld [tilespmem:s31+$0x4200];
	[tilespmem:s26+$0x14200] =	vst v5;
	v5 =	vadd.f32 v7, v4  }
0x3ae: {  	v57 =	vld [tilespmem:s9+$0x4200];
	[tilespmem:s22+$0x14200] =	vst v62  }
0x3af: {  	[tilespmem:s29+$0x14200] =	vst v5  }
0x3b0: {  	s2 =	rddreg [dreg:$0x19]  }
0x3b1: {  	s2 =	sadd.s32 $0x1, s2  }
0x3b2: {  	v61 =	vmul.f32 v55, v3;
	p0 =	sne.s32 s2, $0x10  }
.Ltmp14:
0x3b3: {  	v63 =	vmul.f32 v57, v3;
	(pc) =	sbr.rel @p0 .LBB2_28-.Ltmp14, $4  }
0x3b4: {  	v5 =	vadd.f32 v61, v4  }
0x3b5: {  	v4 =	vadd.f32 v63, v4  }
0x3b6: {  	[tilespmem:s31+$0x14200] =	vst v5  }
0x3b7: {  	[tilespmem:s9+$0x14200] =	vst v4  }
0x3b8: {  	s2 =	simm.s32 $0x0  }
0x3b9: {  	s0 =	rddreg [dreg:$0x10];
	s1 =	simm.s32 $0x14200;
	s30 =	simm.s32 $0x3  }
0x3ba: {  	[hbm4b:s0+s2] =	stream.linear.scatter [tilespmem:s1], [sflag:$0x6], $0x4000, $0x38;
	[tilespmem:$0x1CB00] =	vst v63  }
0x3bb: {  	_ =	swait.ge [sflag:s30], $0x4000  }
0x3bc: {  	[sflag:s30] =	ssyncset.done $0x0  }
0x3bd: {  	s31 =	simm.s32 $0x7;
	[sflag:s30] =	ssyncadd.s32 $0xFFFFC000  }
0x3be: {  	_ =	swait.ge [sflag:s31], $0x4000  }
0x3bf: {  	[sflag:s31] =	ssyncset.done $0x0  }
0x3c0: {  	s2 =	simm.s32 $0x0;
	[sflag:s31] =	ssyncadd.s32 $0xFFFFC000  }
.LBB2_32:
0x3c1: {  	s0 =	sshll.u32 s2, $0x9;
	s1 =	simm.s32 $0x0  }
0x3c2: {  	s6 =	sand.u32 $0x1C00, s0;
	s16 =	sand.u32 $0x2000, s1  }
0x3c3: {  	s1 =	sand.u32 $0x300, s1;
	s0 =	sor.u32 s6, s16  }
0x3c4: {  	s17 =	sshll.u32 s2, $0x6;
	s15 =	sor.u32 s1, s0  }
0x3c5: {  	s12 =	sand.u32 $0x40, s17;
	s4 =	sor.u32 $0x80, s15  }
0x3c6: {  	[dreg:$0x1a] =	wrdreg s2;
	s18 =	sor.u32 s12, s4  }
0x3c7: {  	v4 =	vld [tilespmem:s18+$0x8200];
	_ =	sdelay $0x1  }
0x3c8: {  	s20 =	simm.s32 $0x800;
	s9 =	simm.s32 $0x100;
	v7 =	vld [tilespmem:s17+$0x1C600]  }
0x3c9: {  	s19 =	sand.u32 $0x380, s17;
	s9 =	sand.u32 $0x300, s9;
	s7 =	sor.u32 s12, s15  }
0x3ca: {  	s11 =	sor.u32 $0x10, s12;
	s2 =	sadd.s32 $0x1C600, s19;
	s0 =	sand.u32 $0x2000, s20;
	v8 =	vld [tilespmem:s7+$0x8200]  }
0x3cb: {  	s3 =	sor.u32 $0x20, s12;
	s8 =	sor.u32 s11, s2;
	s10 =	sor.u32 s6, s0;
	v4 =	vmul.f32 v4, v3  }
0x3cc: {  	s21 =	sor.u32 s3, s2;
	v6 =	vld [tilespmem:s8+$0x0];
	s0 =	sor.u32 $0x30, s12;
	s16 =	sor.u32 s9, s10  }
0x3cd: {  	v5 =	vld [tilespmem:s21+$0x0];
	s2 =	sor.u32 s0, s2;
	s9 =	sor.u32 $0x80, s16;
	v9 =	vadd.f32 v4, v7  }
0x3ce: {  	s22 =	sor.u32 s12, s9;
	v4 =	vld [tilespmem:s2+$0x0]  }
0x3cf: {  	s23 =	sor.u32 s11, s4;
	v8 =	vmul.f32 v8, v3;
	[tilespmem:s18+$0x18200] =	vst v9;
	v9 =	vld [tilespmem:s22+$0x8200]  }
0x3d0: {  	v10 =	vld [tilespmem:s23+$0x8200]  }
0x3d1: {  	s24 =	sor.u32 s12, s16;
	v8 =	vadd.f32 v8, v7  }
0x3d2: {  	s25 =	simm.s32 $0x1000;
	v11 =	vld [tilespmem:s24+$0x8200]  }
0x3d3: {  	s31 =	simm.s32 $0x200;
	s26 =	sand.u32 $0x2000, s25;
	s14 =	sor.u32 s11, s15;
	[tilespmem:s7+$0x18200] =	vst v8  }
0x3d4: {  	s10 =	sand.u32 $0x300, s31;
	s7 =	sor.u32 s6, s26;
	v8 =	vld [tilespmem:s14+$0x8200];
	v9 =	vmul.f32 v9, v3  }
0x3d5: {  	s21 =	sor.u32 s10, s7;
	v10 =	vmul.f32 v10, v3  }
0x3d6: {  	s13 =	sor.u32 $0x80, s21;
	v9 =	vadd.f32 v9, v7  }
0x3d7: {  	v11 =	vmul.f32 v11, v3;
	s5 =	sor.u32 s12, s13;
	v10 =	vadd.f32 v10, v6  }
0x3d8: {  	s10 =	sor.u32 s11, s9;
	[tilespmem:s22+$0x18200] =	vst v9;
	v9 =	vld [tilespmem:s5+$0x8200]  }
0x3d9: {  	s19 =	sor.u32 s3, s4;
	v11 =	vadd.f32 v11, v7;
	v8 =	vmul.f32 v8, v3;
	[tilespmem:s23+$0x18200] =	vst v10;
	v10 =	vld [tilespmem:s10+$0x8200]  }
0x3da: {  	s17 =	sor.u32 s12, s21;
	v12 =	vld [tilespmem:s19+$0x8200]  }
0x3db: {  	s18 =	sor.u32 s11, s16;
	[tilespmem:s24+$0x18200] =	vst v11;
	v11 =	vld [tilespmem:s17+$0x8200];
	v8 =	vadd.f32 v8, v6;
	s22 =	simm.s32 $0x1800  }
0x3dc: {  	v13 =	vld [tilespmem:s18+$0x8200];
	s1 =	sand.u32 $0x2000, s22;
	s23 =	simm.s32 $0x300  }
0x3dd: {  	s20 =	sor.u32 s3, s15;
	[tilespmem:s14+$0x18200] =	vst v8;
	s1 =	sor.u32 s6, s1;
	s8 =	sand.u32 $0x300, s23;
	v8 =	vmul.f32 v9, v3  }
0x3de: {  	s1 =	sor.u32 s8, s1;
	v9 =	vld [tilespmem:s20+$0x8200];
	v10 =	vmul.f32 v10, v3  }
0x3df: {  	s8 =	sor.u32 s12, s1;
	s14 =	sor.u32 $0x80, s1;
	v8 =	vadd.f32 v8, v7;
	v12 =	vmul.f32 v12, v3  }
0x3e0: {  	v11 =	vmul.f32 v11, v3;
	v14 =	vld [tilespmem:s8+$0x8200];
	s22 =	sor.u32 s12, s14;
	v10 =	vadd.f32 v10, v6  }
0x3e1: {  	s24 =	sor.u32 s11, s13;
	[tilespmem:s5+$0x18200] =	vst v8;
	v8 =	vmul.f32 v13, v3;
	v12 =	vadd.f32 v12, v5;
	v13 =	vld [tilespmem:s22+$0x8200]  }
0x3e2: {  	s2 =	sor.u32 s3, s9;
	v11 =	vadd.f32 v11, v7;
	[tilespmem:s10+$0x18200] =	vst v10;
	v10 =	vld [tilespmem:s24+$0x8200]  }
0x3e3: {  	v9 =	vmul.f32 v9, v3;
	s10 =	sor.u32 s0, s4;
	v8 =	vadd.f32 v8, v6;
	[tilespmem:s19+$0x18200] =	vst v12;
	v12 =	vld [tilespmem:s2+$0x8200]  }
0x3e4: {  	s30 =	sor.u32 s11, s21;
	[tilespmem:s17+$0x18200] =	vst v11;
	v11 =	vld [tilespmem:s10+$0x8200]  }
0x3e5: {  	s25 =	simm.s32 $0x2000;
	s31 =	sor.u32 s3, s16;
	v9 =	vadd.f32 v9, v5;
	[tilespmem:s18+$0x18200] =	vst v8;
	v8 =	vmul.f32 v14, v3;
	v14 =	vld [tilespmem:s30+$0x8200]  }
0x3e6: {  	s4 =	sand.u32 $0x2000, s25;
	s19 =	simm.s32 $0x400;
	v13 =	vmul.f32 v13, v3;
	v15 =	vld [tilespmem:s31+$0x8200]  }
0x3e7: {  	s15 =	sor.u32 s0, s15;
	s4 =	sor.u32 s6, s4;
	s26 =	sand.u32 $0x300, s19;
	[tilespmem:s20+$0x18200] =	vst v9;
	v8 =	vadd.f32 v8, v7;
	v9 =	vmul.f32 v10, v3  }
0x3e8: {  	s5 =	sor.u32 s26, s4;
	v10 =	vld [tilespmem:s15+$0x8200];
	v13 =	vadd.f32 v13, v7;
	v12 =	vmul.f32 v12, v3  }
0x3e9: {  	s20 =	sor.u32 s12, s5;
	s18 =	sor.u32 $0x80, s5;
	[tilespmem:s8+$0x18200] =	vst v8;
	v8 =	vadd.f32 v9, v6;
	v9 =	vmul.f32 v11, v3  }
0x3ea: {  	v16 =	vld [tilespmem:s20+$0x8200];
	s25 =	sor.u32 s12, s18;
	[tilespmem:s22+$0x18200] =	vst v13;
	v13 =	vmul.f32 v14, v3;
	v14 =	vadd.f32 v12, v5  }
0x3eb: {  	s7 =	simm.s32 $0x2800;
	s23 =	sor.u32 s11, s14;
	v12 =	vld [tilespmem:s25+$0x8200];
	[tilespmem:s24+$0x18200] =	vst v8;
	v8 =	vmul.f32 v15, v3;
	v9 =	vadd.f32 v9, v4  }
0x3ec: {  	s29 =	sor.u32 s3, s21;
	s17 =	sor.u32 s0, s16;
	v11 =	vld [tilespmem:s23+$0x8200];
	s24 =	sor.u32 s3, s13;
	v13 =	vadd.f32 v13, v6;
	[tilespmem:s2+$0x18200] =	vst v14  }
0x3ed: {  	s16 =	sor.u32 s0, s21;
	s21 =	sor.u32 s0, s9;
	s28 =	sor.u32 s3, s1;
	v14 =	vmul.f32 v10, v3;
	v10 =	vld [tilespmem:s24+$0x8200];
	v15 =	vadd.f32 v8, v5;
	[tilespmem:s10+$0x18200] =	vst v9  }
0x3ee: {  	s4 =	sor.u32 s11, s1;
	s26 =	sor.u32 s11, s5;
	s9 =	sor.u32 s0, s5;
	v8 =	vld [tilespmem:s21+$0x8200];
	[tilespmem:s30+$0x18200] =	vst v13  }
0x3ef: {  	s22 =	sor.u32 s0, s1;
	s1 =	simm.s32 $0x8;
	s30 =	sor.u32 s3, s5;
	v9 =	vadd.f32 v14, v4;
	v14 =	vmul.f32 v16, v3;
	v13 =	vld [tilespmem:s4+$0x8200];
	[tilespmem:s31+$0x18200] =	vst v15  }
.LBB2_33:
0x3f0: {  	s2 =	sand.u32 $0x2000, s7  }
0x3f1: {  	v12 =	vmul.f32 v12, v3;
	s19 =	sadd.s32 $0x100, s19;
	v15 =	vld [tilespmem:s29+$0x8200];
	[tilespmem:s15+$0x18200] =	vst v9;
	s8 =	smov.u32 s30;
	s15 =	smov.u32 s17  }
0x3f2: {  	s1 =	sadd.s32 $0x2, s1;
	s2 =	sor.u32 s6, s2;
	s5 =	sand.u32 $0x300, s19;
	v9 =	vadd.f32 v14, v7;
	v11 =	vmul.f32 v11, v3;
	v14 =	vld [tilespmem:s17+$0x8200]  }
0x3f3: {  	s17 =	smov.u32 s16;
	s16 =	smov.u32 s22;
	s2 =	sor.u32 s5, s2;
	v12 =	vadd.f32 v12, v7;
	v10 =	vmul.f32 v10, v3  }
0x3f4: {  	p0 =	slt.u32 s1, $0xE;
	s5 =	sor.u32 $0x80, s2;
	[tilespmem:s20+$0x18200] =	vst v9;
	s20 =	sor.u32 s12, s2;
	v9 =	vadd.f32 v11, v6;
	v8 =	vmul.f32 v8, v3  }
0x3f5: {  	s10 =	sor.u32 s11, s2;
	s30 =	sor.u32 s3, s2;
	v16 =	vld [tilespmem:s20+$0x8200];
	[tilespmem:s25+$0x18200] =	vst v12;
	s25 =	sor.u32 s12, s5;
	v13 =	vmul.f32 v13, v3;
	v10 =	vadd.f32 v10, v5  }
.Ltmp15:
0x3f6: {  	s2 =	sor.u32 s0, s2;
	v12 =	vld [tilespmem:s25+$0x8200];
	[tilespmem:s23+$0x18200] =	vst v9;
	s23 =	sor.u32 s11, s18;
	v9 =	vmul.f32 v15, v3;
	v8 =	vadd.f32 v8, v4;
	(pc) =	sbr.rel @p0 .LBB2_33-.Ltmp15, $4  }
0x3f7: {  	s22 =	smov.u32 s9;
	s9 =	smov.u32 s2;
	v11 =	vld [tilespmem:s23+$0x8200];
	v13 =	vadd.f32 v13, v6;
	[tilespmem:s24+$0x18200] =	vst v10;
	s24 =	sor.u32 s3, s14;
	v14 =	vmul.f32 v14, v3  }
0x3f8: {  	v10 =	vld [tilespmem:s24+$0x8200];
	v15 =	vadd.f32 v9, v5;
	[tilespmem:s21+$0x18200] =	vst v8;
	s21 =	sor.u32 s0, s13;
	s13 =	smov.u32 s14;
	s14 =	smov.u32 s18  }
0x3f9: {  	s18 =	smov.u32 s5;
	[tilespmem:s4+$0x18200] =	vst v13;
	v8 =	vld [tilespmem:s21+$0x8200];
	v9 =	vadd.f32 v14, v4;
	s4 =	smov.u32 s26;
	s26 =	smov.u32 s10  }
0x3fa: {  	s7 =	sadd.s32 $0x800, s7;
	v14 =	vmul.f32 v16, v3;
	v13 =	vld [tilespmem:s4+$0x8200];
	[tilespmem:s29+$0x18200] =	vst v15;
	s29 =	smov.u32 s28;
	s28 =	smov.u32 s8  }
0x3fb: {  	v12 =	vmul.f32 v12, v3  }
0x3fc: {  	v39 =	vadd.f32 v14, v7  }
0x3fd: {  	v12 =	vadd.f32 v12, v7  }
0x3fe: {  	[tilespmem:s20+$0x18200] =	vst v39  }
0x3ff: {  	s1 =	sor.u32 s11, s18;
	[tilespmem:s25+$0x18200] =	vst v12;
	v41 =	vld [tilespmem:s26+$0x8200]  }
0x400: {  	v13 =	vmul.f32 v13, v3;
	v40 =	vld [tilespmem:s1+$0x8200]  }
0x401: {  	v42 =	vld [tilespmem:s29+$0x8200];
	v11 =	vmul.f32 v11, v3  }
0x402: {  	v13 =	vadd.f32 v13, v6  }
0x403: {  	v11 =	vadd.f32 v11, v6  }
0x404: {  	[tilespmem:s4+$0x18200] =	vst v13;
	v12 =	vmul.f32 v41, v3  }
0x405: {  	s2 =	sor.u32 s3, s14;
	[tilespmem:s23+$0x18200] =	vst v11;
	v44 =	vld [tilespmem:s28+$0x8200];
	v7 =	vmul.f32 v40, v3  }
0x406: {  	v47 =	vmul.f32 v42, v3;
	v11 =	vld [tilespmem:s2+$0x8200];
	v43 =	vadd.f32 v12, v6  }
0x407: {  	v7 =	vadd.f32 v7, v6  }
0x408: {  	v48 =	vld [tilespmem:s17+$0x8200];
	v13 =	vadd.f32 v47, v5;
	[tilespmem:s26+$0x18200] =	vst v43  }
0x409: {  	v45 =	vmul.f32 v10, v3;
	s25 =	sor.u32 s3, s18;
	[tilespmem:s1+$0x18200] =	vst v7;
	v46 =	vld [tilespmem:s30+$0x8200]  }
0x40a: {  	[tilespmem:s29+$0x18200] =	vst v13;
	v12 =	vmul.f32 v44, v3;
	v7 =	vld [tilespmem:s25+$0x8200]  }
0x40b: {  	v11 =	vmul.f32 v11, v3;
	v13 =	vld [tilespmem:s16+$0x8200];
	v6 =	vadd.f32 v45, v5  }
0x40c: {  	v12 =	vadd.f32 v12, v5  }
0x40d: {  	s26 =	sor.u32 s0, s13;
	v49 =	vadd.f32 v11, v5;
	[tilespmem:s24+$0x18200] =	vst v6  }
0x40e: {  	v54 =	vmul.f32 v48, v3;
	v50 =	vld [tilespmem:s26+$0x8200];
	[tilespmem:s28+$0x18200] =	vst v12  }
0x40f: {  	s29 =	sor.u32 s0, s14;
	[tilespmem:s2+$0x18200] =	vst v49;
	v10 =	vmul.f32 v46, v3;
	v53 =	vld [tilespmem:s22+$0x8200];
	v7 =	vmul.f32 v7, v3  }
0x410: {  	v6 =	vadd.f32 v54, v4;
	v52 =	vld [tilespmem:s29+$0x8200];
	v58 =	vmul.f32 v13, v3  }
0x411: {  	[tilespmem:s15+$0x18200] =	vst v9;
	v8 =	vmul.f32 v8, v3;
	v51 =	vadd.f32 v7, v5;
	v5 =	vadd.f32 v10, v5  }
0x412: {  	[tilespmem:s17+$0x18200] =	vst v6;
	v59 =	vadd.f32 v58, v4  }
0x413: {  	v56 =	vmul.f32 v50, v3;
	[tilespmem:s30+$0x18200] =	vst v5;
	v5 =	vadd.f32 v8, v4  }
0x414: {  	[tilespmem:s16+$0x18200] =	vst v59;
	v60 =	vmul.f32 v53, v3  }
0x415: {  	v7 =	vmul.f32 v52, v3;
	[tilespmem:s21+$0x18200] =	vst v5;
	v5 =	vadd.f32 v56, v4  }
0x416: {  	s31 =	sor.u32 s0, s18;
	[tilespmem:s25+$0x18200] =	vst v51;
	v62 =	vadd.f32 v60, v4  }
0x417: {  	v55 =	vld [tilespmem:s31+$0x8200];
	[tilespmem:s26+$0x18200] =	vst v5;
	v5 =	vadd.f32 v7, v4  }
0x418: {  	v57 =	vld [tilespmem:s9+$0x8200];
	[tilespmem:s22+$0x18200] =	vst v62  }
0x419: {  	[tilespmem:s29+$0x18200] =	vst v5  }
0x41a: {  	s2 =	rddreg [dreg:$0x1a]  }
0x41b: {  	s2 =	sadd.s32 $0x1, s2  }
0x41c: {  	v61 =	vmul.f32 v55, v3;
	p0 =	sne.s32 s2, $0x10  }
.Ltmp16:
0x41d: {  	v63 =	vmul.f32 v57, v3;
	(pc) =	sbr.rel @p0 .LBB2_32-.Ltmp16, $4  }
0x41e: {  	v5 =	vadd.f32 v61, v4  }
0x41f: {  	v4 =	vadd.f32 v63, v4  }
0x420: {  	[tilespmem:s31+$0x18200] =	vst v5  }
0x421: {  	[tilespmem:s9+$0x18200] =	vst v4  }
0x422: {  	s7 =	simm.s32 $0x0  }
0x423: {  	s0 =	rddreg [dreg:$0x11];
	s1 =	simm.s32 $0x18200;
	s29 =	simm.s32 $0x6  }
0x424: {  	[hbm4b:s0+s7] =	stream.linear.scatter [tilespmem:s1], [sflag:$0x7], $0x4000, $0x38;
	[tilespmem:$0x1CB00] =	vst v63  }
0x425: {  	_ =	swait.ge [sflag:s29], $0x4000  }
0x426: {  	[sflag:s29] =	ssyncset.done $0x0  }
0x427: {  	s30 =	simm.s32 $0x7;
	[sflag:s29] =	ssyncadd.s32 $0xFFFFC000  }
0x428: {  	_ =	swait.ge [sflag:s30], $0x4000  }
0x429: {  	s2 =	rddreg [dreg:$0x13]  }
0x42a: {  	s31 =	rddreg [dreg:$0x12];
	s2 =	sadd.s32 $0x1, s2  }
0x42b: {  	p0 =	sne.s32 s2, s31  }
.Ltmp17:
0x42c: {  	_ = 	snop;
	(pc) =	sbr.rel @p0 .LBB2_1-.Ltmp17, $3  }
0x42d: {  	_ =	sdelay $0x1  }
0x42e: {  	[sflag:s30] =	ssyncset.done $0x0  }
0x42f: {  	[sflag:s30] =	ssyncadd.s32 $0xFFFFC000  }
0x430: {  	_ =	sfence.sel $0x180000  }
0x431: {  	[bflag:$0x0] =	sbarrier.arrive $0xFFFF  }
0x432: {  	_ =	strace $0x90000047  }
0x433: {  	s0 =	stileid.u32;
	[bflag:$0x2] =	sbarrier.arrive $0xFFFF  }
0x434: {  	p0 =	sne.s32 s0, $0x0;
	s0 =	rddreg [dreg:$0x3]  }
0x435: {  	s0 =	sadd.s32 @!p0 $0x100000, s0  }
0x436: {  	[sflag:s0] =	ssyncadd.tile.s32 @!p0 $0x1;
	_ =	shalt  }
.Lfunc_end2:
_tile_overlayer_lowered:
.L_overlay_start_2:
0x437: {  	(tag) =	ssettag $0x2  }
0x438: {  	s0 =	rddreg [dreg:$0x0];
	s2 =	stileid.u32  }
0x439: {  	s1 =	rddreg [dreg:$0x1];
	p0 =	sne.s32 s2, $0x0  }
0x43a: {  	s3 =	rddreg [dreg:$0x2];
	[bflag:$0x3] =	sbarrier.arrive $0xFFFF;
	s2 =	simm.s32 @!p0 $0x1C09  }
0x43b: {  	[timem:s3], [sflag:s2] =	dma.local @!p0 [hbm:s0], s1  }
0x43c: {  	s0 =	simm.s32 @!p0 $0x9  }
0x43d: {  	_ =	swait.ge @!p0 [sflag:s0], s1  }
0x43e: {  	s1 =	ssub.s32 @!p0 $0x0, s1;
	[sflag:s0] =	ssyncset.done @!p0 $0x0  }
0x43f: {  	[sflag:s0] =	ssyncadd.s32 @!p0 s1  }
0x440: {  	[bflag:$0x3] =	sbarrier.arrive $0xFFFF  }
0x441: {  	_ =	shalt  }

</sc_bundles>
